<compile_context>
chip_gen: v7x
topology: tpu7x:2x2x1
jax: 0.10.2.dev20260603
libtpu: 0.0.44.dev20260713+nightly
codegen_flags: <defaults>
</compile_context>

<pallas_src>
import functools

import jax
import jax.numpy as jnp
from jax import lax
from jax.experimental import pallas as pl
from jax.experimental.pallas import tpu as pltpu
from jax.experimental.pallas import tpu_sc as plsc

N = 10000
E = 320000
D_IN = 128
H1 = 16
H2 = 10

NC = 2
NS = 16
NW = NC * NS
B = 128
E_PAD = 327680
NCHUNKS = E_PAD // B
CW = NCHUNKS // NW
N_ACC = 10240
RPT = N_ACC // NS

_SC_MESH = plsc.VectorSubcoreMesh(core_axis_name="c", subcore_axis_name="s")
_SC_PARAMS = pltpu.CompilerParams(use_tc_tiling_on_sc=False)


def _deg_body(dst_hbm, ones_hbm, zeros_hbm, out_hbm, idx_d, rows, acc_sh, sem):
    c = lax.axis_index("c")
    s = lax.axis_index("s")
    w = c * NS + s
    pltpu.sync_copy(zeros_hbm.at[pl.ds(s * RPT, RPT)],
                    acc_sh.at[pl.ds(s * RPT, RPT)])
    pltpu.sync_copy(ones_hbm, rows)
    pltpu.sync_copy(dst_hbm.at[pl.ds(w * CW, CW)], idx_d)
    plsc.subcore_barrier()

    def fire(j, carry):
        pltpu.async_copy(rows, acc_sh.at[idx_d.at[j]], sem, add=True)
        return carry

    lax.fori_loop(0, CW, fire, 0)

    def drain(j, carry):
        pltpu.make_async_copy(rows, acc_sh.at[idx_d.at[j]], sem).wait()
        return carry

    lax.fori_loop(0, CW, drain, 0)
    plsc.subcore_barrier()
    pltpu.sync_copy(acc_sh.at[pl.ds(s * RPT, RPT)],
                    out_hbm.at[c, pl.ds(s * RPT, RPT)])


_deg_kernel = pl.kernel(
    _deg_body,
    out_type=jax.ShapeDtypeStruct((NC, N_ACC, H1), jnp.float32),
    mesh=_SC_MESH,
    scratch_types=[
        pltpu.VMEM((CW, B), jnp.int32),
        pltpu.VMEM((B, H1), jnp.float32),
        pltpu.VMEM_SHARED((N_ACC, H1), jnp.float32),
        pltpu.SemaphoreType.DMA,
    ],
    compiler_params=_SC_PARAMS,
)


NBUF = 8
NGRP = CW // NBUF


def _segsum_body(table_hbm, src_hbm, dst_hbm, zeros_hbm, out_hbm,
                 idx_s, idx_d, rows, acc_sh, gsem, ssem):
    c = lax.axis_index("c")
    s = lax.axis_index("s")
    w = c * NS + s
    pltpu.sync_copy(zeros_hbm.at[pl.ds(s * RPT, RPT)],
                    acc_sh.at[pl.ds(s * RPT, RPT)])
    pltpu.sync_copy(src_hbm.at[pl.ds(w * CW, CW)], idx_s)
    pltpu.sync_copy(dst_hbm.at[pl.ds(w * CW, CW)], idx_d)
    plsc.subcore_barrier()

    for b in range(NBUF):
        pltpu.async_copy(table_hbm.at[idx_s.at[b]], rows.at[0, b], gsem)

    def group(g, carry):
        gm = g % 2
        for b in range(NBUF):
            pltpu.make_async_copy(table_hbm.at[idx_s.at[g * NBUF + b]],
                                  rows.at[gm, b], gsem).wait()

        @pl.when(g >= 1)
        def _drain_prev():
            for b in range(NBUF):
                pltpu.make_async_copy(
                    rows.at[1 - gm, b],
                    acc_sh.at[idx_d.at[(g - 1) * NBUF + b]], ssem).wait()

        @pl.when(g + 1 < NGRP)
        def _fire_next():
            for b in range(NBUF):
                pltpu.async_copy(table_hbm.at[idx_s.at[(g + 1) * NBUF + b]],
                                 rows.at[1 - gm, b], gsem)

        for b in range(NBUF):
            pltpu.async_copy(rows.at[gm, b],
                             acc_sh.at[idx_d.at[g * NBUF + b]], ssem,
                             add=True)
        return carry

    lax.fori_loop(0, NGRP, group, 0)
    for b in range(NBUF):
        pltpu.make_async_copy(rows.at[(NGRP - 1) % 2, b],
                              acc_sh.at[idx_d.at[(NGRP - 1) * NBUF + b]],
                              ssem).wait()
    plsc.subcore_barrier()
    pltpu.sync_copy(acc_sh.at[pl.ds(s * RPT, RPT)],
                    out_hbm.at[c, pl.ds(s * RPT, RPT)])


_segsum_kernel = pl.kernel(
    _segsum_body,
    out_type=jax.ShapeDtypeStruct((NC, N_ACC, H1), jnp.float32),
    mesh=_SC_MESH,
    scratch_types=[
        pltpu.VMEM((CW, B), jnp.int32),
        pltpu.VMEM((CW, B), jnp.int32),
        pltpu.VMEM((2, NBUF, B, H1), jnp.float32),
        pltpu.VMEM_SHARED((N_ACC, H1), jnp.float32),
        pltpu.SemaphoreType.DMA,
        pltpu.SemaphoreType.DMA,
    ],
    compiler_params=_SC_PARAMS,
)

NP = N // 8
NP_ACC = N_ACC // 8



def _dinv_packed(degp):
    return lax.rsqrt(degp[0, :NP] + degp[1, :NP] + 1.0)


def _pre_a_body(xgp, w1k, xlp, wl1k, bl1p, h1r_p, xloc_p):
    h1r_p[...] = jnp.dot(xgp[...], w1k[...],
                         preferred_element_type=jnp.float32)
    xloc_p[...] = (
        jnp.dot(xlp[...], wl1k[...], preferred_element_type=jnp.float32)
        + bl1p[...]
    )


def _pre_b_body(degp, h1r, h1p_p):
    h1p_p[...] = h1r[...] * _dinv_packed(degp)


def _mid_body(degp, acc, h1p, b1p, w2k, h2p_p):
    dinv = _dinv_packed(degp)
    x1_p = jnp.maximum(
        dinv * (acc[0, :NP] + acc[1, :NP] + h1p[...]) + b1p[...], 0.0)
    h2 = jnp.dot(x1_p, w2k[...], preferred_element_type=jnp.float32)
    h2p_p[...] = h2 * dinv


def _post_body(degp, acc, h2p, b2p, xloc, wl2ak, wl2bk, bl2p, wl3k, bl3p,
               sel_a, sel_b, sel_at, sel_bt, out_p):
    dinv = _dinv_packed(degp)
    s2_p = dinv * (acc[0, :NP] + acc[1, :NP] + h2p[...]) + b2p[...]
    t = (jnp.dot(jnp.maximum(s2_p, 0.0), wl2ak[...],
                 preferred_element_type=jnp.float32)
         + jnp.dot(jnp.maximum(xloc[...], 0.0), wl2bk[...],
                   preferred_element_type=jnp.float32)
         + bl2p[...])
    y = jnp.maximum(t, 0.0)
    z = jnp.dot(y, wl3k[...], preferred_element_type=jnp.float32) + bl3p[...]
    za = jnp.dot(z, sel_a[...], preferred_element_type=jnp.float32)
    zb = jnp.dot(z, sel_b[...], preferred_element_type=jnp.float32)
    m = jnp.maximum(za, zb)
    lse = m + jnp.log(jnp.exp(za - m) + jnp.exp(zb - m))
    oa = za - lse
    ob = zb - lse
    out_p[...] = (
        jnp.dot(oa, sel_at[...], preferred_element_type=jnp.float32)
        + jnp.dot(ob, sel_bt[...], preferred_element_type=jnp.float32))


def _full(shape):
    nd = len(shape)
    return pl.BlockSpec(shape, lambda: (0,) * nd)


_pre_a_call = pl.pallas_call(
    _pre_a_body,
    in_specs=[_full((NP, 1024)), _full((1024, 128)), _full((NP, 752)),
              _full((752, 800)), _full((1, 800))],
    out_specs=[_full((NP, 128)), _full((NP, 800))],
    out_shape=[jax.ShapeDtypeStruct((NP, 128), jnp.float32),
               jax.ShapeDtypeStruct((NP, 800), jnp.float32)],
)

_pre_b_call = pl.pallas_call(
    _pre_b_body,
    in_specs=[_full((NC, NP_ACC, 128)), _full((NP, 128))],
    out_specs=[_full((NP, 128))],
    out_shape=[jax.ShapeDtypeStruct((NP, 128), jnp.float32)],
)

_mid_call = pl.pallas_call(
    _mid_body,
    in_specs=[_full((NC, NP_ACC, 128)), _full((NC, NP_ACC, 128)),
              _full((NP, 128)), _full((1, 128)), _full((128, 128))],
    out_specs=[_full((NP, 128))],
    out_shape=[jax.ShapeDtypeStruct((NP, 128), jnp.float32)],
)

_post_call = pl.pallas_call(
    _post_body,
    in_specs=[_full((NC, NP_ACC, 128)), _full((NC, NP_ACC, 128)),
              _full((NP, 128)), _full((1, 128)), _full((NP, 800)),
              _full((128, 648)), _full((800, 648)), _full((1, 648)),
              _full((648, 16)), _full((1, 16)), _full((16, 8)),
              _full((16, 8)), _full((8, 16)), _full((8, 16))],
    out_specs=[_full((NP, 16))],
    out_shape=[jax.ShapeDtypeStruct((NP, 16), jnp.float32)],
)


def kernel(x_graph, x_linear, edge_index, W1, b1, W2, b2,
           Wl1, bl1, Wl2, bl2, Wl3, bl3):
    f32 = jnp.float32
    ei = edge_index.astype(jnp.int32)
    pad_n = E_PAD - E
    pad_src = jnp.arange(pad_n, dtype=jnp.int32) * 131 % N
    src2d = jnp.concatenate([ei[0], pad_src]).reshape(NCHUNKS, B)
    pad_dst = N + jnp.arange(pad_n, dtype=jnp.int32) % (N_ACC - N)
    dst2d = jnp.concatenate([ei[1], pad_dst]).reshape(NCHUNKS, B)
    zeros = jnp.zeros((N_ACC, H1), f32)
    ones_blk = jnp.ones((B, H1), f32)

    eye8 = jnp.eye(8, dtype=f32)
    w2p = jnp.pad(W2, ((0, 0), (0, H1 - H2)))
    wl2a = jnp.pad(Wl2[:H2], ((0, H1 - H2), (0, 0)))
    wl2b = Wl2[H2:]
    w1k = jnp.kron(eye8, W1)
    wl1k = jnp.kron(eye8, Wl1)
    w2k = jnp.kron(eye8, w2p)
    wl2ak = jnp.kron(eye8, wl2a)
    wl2bk = jnp.kron(eye8, wl2b)
    wl3k = jnp.kron(eye8, Wl3)
    sel_a = jnp.kron(eye8, jnp.array([[1.0], [0.0]], f32))
    sel_b = jnp.kron(eye8, jnp.array([[0.0], [1.0]], f32))
    b1p = jnp.tile(b1, 8).reshape(1, 128)
    b2p = jnp.tile(jnp.pad(b2, (0, H1 - H2)), 8).reshape(1, 128)
    bl1p = jnp.tile(bl1, 8).reshape(1, 800)
    bl2p = jnp.tile(bl2, 8).reshape(1, 648)
    bl3p = jnp.tile(bl3, 8).reshape(1, 16)

    xgp = x_graph.reshape(NP, 1024)
    xlp = x_linear.reshape(NP, 752)

    h1r_p, xloc_p = _pre_a_call(xgp, w1k, xlp, wl1k, bl1p)
    degp = _deg_kernel(dst2d, ones_blk, zeros)
    degp_p = degp.reshape(NC, NP_ACC, 128)
    (h1p_p,) = _pre_b_call(degp_p, h1r_p)
    acc1 = _segsum_kernel(h1p_p.reshape(N, H1), src2d, dst2d, zeros)
    (h2p_p,) = _mid_call(degp_p, acc1.reshape(NC, NP_ACC, 128), h1p_p,
                         b1p, w2k)
    acc2 = _segsum_kernel(h2p_p.reshape(N, H1), src2d, dst2d, zeros)
    (out_p,) = _post_call(degp_p, acc2.reshape(NC, NP_ACC, 128), h2p_p,
                          b2p, xloc_p, wl2ak, wl2bk, bl2p, wl3k, bl3p,
                          sel_a, sel_b, sel_a.T, sel_b.T)
    return out_p.reshape(N, 2)

# --- scband reference (transcript-rebuilt; emitter-appended) ---
"""Pipeline reference for scband-mgcn-84104049590916 (READ-ONLY COPY).

The authoritative reference and input builder live on the scoring server;
editing this copy changes nothing except your own understanding.
"""

import jax, jax.numpy as jnp
import numpy as np

N = 10000
E = 320000
D_IN = 128
H1 = 16
H2 = 10


def setup_inputs(seed: int = 0) -> dict:
    key = jax.random.key(seed)
    ks = jax.random.split(key, 16)
    x_graph = jax.random.normal(ks[0], (N, D_IN), dtype=jnp.float32)
    x_linear = jax.random.normal(ks[1], (N, 94), dtype=jnp.float32)
    edge_index = jax.random.randint(ks[2], (2, E), 0, N)
    W1 = jax.random.normal(ks[3], (D_IN, H1), dtype=jnp.float32) * (1.0 / np.sqrt(D_IN))
    b1 = jnp.zeros((H1,), dtype=jnp.float32)
    W2 = jax.random.normal(ks[4], (H1, H2), dtype=jnp.float32) * (1.0 / np.sqrt(H1))
    b2 = jnp.zeros((H2,), dtype=jnp.float32)
    Wl1 = jax.random.normal(ks[5], (94, 100), dtype=jnp.float32) * (1.0 / np.sqrt(94))
    bl1 = jnp.zeros((100,), dtype=jnp.float32)
    Wl2 = jax.random.normal(ks[6], (110, 81), dtype=jnp.float32) * (1.0 / np.sqrt(110))
    bl2 = jnp.zeros((81,), dtype=jnp.float32)
    Wl3 = jax.random.normal(ks[7], (81, 2), dtype=jnp.float32) * (1.0 / np.sqrt(81))
    bl3 = jnp.zeros((2,), dtype=jnp.float32)
    return {"x_graph": x_graph, "x_linear": x_linear, "edge_index": edge_index,
            "W1": W1, "b1": b1, "W2": W2, "b2": b2,
            "Wl1": Wl1, "bl1": bl1, "Wl2": Wl2, "bl2": bl2, "Wl3": Wl3, "bl3": bl3}


def gcn_conv(x, edge_index, W, b):
    n = x.shape[0]
    loops = jnp.arange(n, dtype=edge_index.dtype)
    src = jnp.concatenate([edge_index[0], loops])
    dst = jnp.concatenate([edge_index[1], loops])
    deg = jnp.zeros((n,), x.dtype).at[dst].add(1.0)
    dinv = jnp.where(deg > 0, 1.0 / jnp.sqrt(deg), 0.0)
    norm = dinv[src] * dinv[dst]
    h = x @ W
    msg = h[src] * norm[:, None]
    out = jnp.zeros((n, W.shape[1]), x.dtype).at[dst].add(msg)
    return out + b


def reference(x_graph, x_linear, edge_index, W1, b1, W2, b2, Wl1, bl1, Wl2, bl2, Wl3, bl3):
    x = jax.nn.relu(gcn_conv(x_graph, edge_index, W1, b1))
    # dropout p=0.5 is identity in eval mode
    x = gcn_conv(x, edge_index, W2, b2)
    x_local = x_linear @ Wl1 + bl1
    x_concat = jnp.concatenate([x, x_local], axis=1)
    x = jax.nn.relu(x_concat)
    x = jax.nn.relu(x @ Wl2 + bl2)
    x = x @ Wl3 + bl3
    return jax.nn.log_softmax(x, axis=1)

if __name__ == "__main__":
    import jax
    _d = setup_inputs()
    print(jax.jit(kernel)(*tuple(_d.values())))

</pallas_src>

<mosaic_0001>
#map = affine_map<(d0, d1) -> (0, 0)>
#map1 = affine_map<(d0, d1) -> (0, 0, 0)>
module attributes {stable_mosaic.version = 14 : i64} {
  func.func @_segsum_body(%arg0: i32, %arg1: i32, %arg2: memref<10000x16xf32, #tpu.memory_space<hbm>>, %arg3: memref<2560x128xi32, #tpu.memory_space<hbm>>, %arg4: memref<2560x128xi32, #tpu.memory_space<hbm>>, %arg5: memref<10240x16xf32, #tpu.memory_space<hbm>>, %arg6: memref<2x10240x16xf32, #tpu.memory_space<hbm>>, %arg7: memref<80x128xi32, #tpu.memory_space<vmem>>, %arg8: memref<80x128xi32, #tpu.memory_space<vmem>>, %arg9: memref<2x8x128x16xf32, #tpu.memory_space<vmem>>, %arg10: memref<10240x16xf32, #tpu.memory_space<vmem_shared>>, %arg11: memref<!tpu.dma_semaphore, #tpu.memory_space<semaphore_mem>>, %arg12: memref<!tpu.dma_semaphore, #tpu.memory_space<semaphore_mem>>) attributes {dimension_semantics = [#tpu.dimension_semantics<core_parallel>, #tpu.dimension_semantics<subcore_parallel>], iteration_bounds = array<i64: 2, 16>, scalar_prefetch = 0 : i64, scratch_operands = 6 : i64, tpu.core_type = #tpu.core_type<sc_vector_subcore>, window_params = [{transform_indices = #map}, {transform_indices = #map}, {transform_indices = #map}, {transform_indices = #map}, {transform_indices = #map1}]} {
    %mul3A = arith.constant 16 : i32
    %mul3A_0 = arith.muli %arg0, %mul3A : i32
    %add3A = arith.addi %mul3A_0, %arg1 : i32
    %mul3A_1 = arith.constant 640 : i32
    %mul3A_2 = arith.muli %arg1, %mul3A_1 : i32
    %mul3A_3 = arith.constant 640 : i32
    %mul3A_4 = arith.muli %arg1, %mul3A_3 : i32
    "tpu.region"() ({
      %run_scoped3A = tpu.sem_alloc : memref<!tpu.dma_semaphore, #tpu.memory_space<semaphore_mem>>
      %dma_start3A_225 = arith.constant 0 : i32
      %dma_start3A_226 = tpu.memref_slice %arg10[%mul3A_4, %dma_start3A_225] : memref<10240x16xf32, #tpu.memory_space<vmem_shared>> -> memref<640x16xf32, #tpu.memory_space<vmem_shared>>
      %dma_start3A_227 = arith.constant 0 : i32
      %dma_start3A_228 = tpu.memref_slice %arg5[%mul3A_2, %dma_start3A_227] : memref<10240x16xf32, #tpu.memory_space<hbm>> -> memref<640x16xf32, #tpu.memory_space<hbm>>
      tpu.enqueue_dma source(%dma_start3A_228 : memref<640x16xf32, #tpu.memory_space<hbm>>) target(%dma_start3A_226 : memref<640x16xf32, #tpu.memory_space<vmem_shared>>) target_semaphore(%run_scoped3A : memref<!tpu.dma_semaphore, #tpu.memory_space<semaphore_mem>>)
      %dma_wait3A_229 = arith.constant 0 : i32
      %dma_wait3A_230 = tpu.memref_slice %arg10[%mul3A_4, %dma_wait3A_229] : memref<10240x16xf32, #tpu.memory_space<vmem_shared>> -> memref<640x16xf32, #tpu.memory_space<vmem_shared>>
      %dma_wait3A_231 = arith.constant 0 : i32
      %dma_wait3A_232 = tpu.memref_slice %arg5[%mul3A_2, %dma_wait3A_231] : memref<10240x16xf32, #tpu.memory_space<hbm>> -> memref<640x16xf32, #tpu.memory_space<hbm>>
      tpu.wait_dma2 semaphore(%run_scoped3A : memref<!tpu.dma_semaphore, #tpu.memory_space<semaphore_mem>>) src(%dma_wait3A_232 : memref<640x16xf32, #tpu.memory_space<hbm>>) dst(%dma_wait3A_230 : memref<640x16xf32, #tpu.memory_space<vmem_shared>>)
      tpu.yield
    }) : () -> ()
    %mul3A_5 = arith.constant 80 : i32
    %mul3A_6 = arith.muli %add3A, %mul3A_5 : i32
    "tpu.region"() ({
      %run_scoped3A = tpu.sem_alloc : memref<!tpu.dma_semaphore, #tpu.memory_space<semaphore_mem>>
      %dma_start3A_225 = arith.constant 0 : i32
      %dma_start3A_226 = tpu.memref_slice %arg3[%mul3A_6, %dma_start3A_225] : memref<2560x128xi32, #tpu.memory_space<hbm>> -> memref<80x128xi32, #tpu.memory_space<hbm>>
      %dma_start3A_227 = arith.constant 0 : i32
      %dma_start3A_228 = tpu.memref_slice %arg3[%mul3A_6, %dma_start3A_227] : memref<2560x128xi32, #tpu.memory_space<hbm>> -> memref<80x128xi32, #tpu.memory_space<hbm>>
      tpu.enqueue_dma source(%dma_start3A_228 : memref<80x128xi32, #tpu.memory_space<hbm>>) target(%arg7 : memref<80x128xi32, #tpu.memory_space<vmem>>) target_semaphore(%run_scoped3A : memref<!tpu.dma_semaphore, #tpu.memory_space<semaphore_mem>>)
      %dma_wait3A_229 = arith.constant 0 : i32
      %dma_wait3A_230 = tpu.memref_slice %arg3[%mul3A_6, %dma_wait3A_229] : memref<2560x128xi32, #tpu.memory_space<hbm>> -> memref<80x128xi32, #tpu.memory_space<hbm>>
      %dma_wait3A_231 = arith.constant 0 : i32
      %dma_wait3A_232 = tpu.memref_slice %arg3[%mul3A_6, %dma_wait3A_231] : memref<2560x128xi32, #tpu.memory_space<hbm>> -> memref<80x128xi32, #tpu.memory_space<hbm>>
      tpu.wait_dma2 semaphore(%run_scoped3A : memref<!tpu.dma_semaphore, #tpu.memory_space<semaphore_mem>>) src(%dma_wait3A_232 : memref<80x128xi32, #tpu.memory_space<hbm>>) dst(%arg7 : memref<80x128xi32, #tpu.memory_space<vmem>>)
      tpu.yield
    }) : () -> ()
    %mul3A_7 = arith.constant 80 : i32
    %mul3A_8 = arith.muli %add3A, %mul3A_7 : i32
    "tpu.region"() ({
      %run_scoped3A = tpu.sem_alloc : memref<!tpu.dma_semaphore, #tpu.memory_space<semaphore_mem>>
      %dma_start3A_225 = arith.constant 0 : i32
      %dma_start3A_226 = tpu.memref_slice %arg4[%mul3A_8, %dma_start3A_225] : memref<2560x128xi32, #tpu.memory_space<hbm>> -> memref<80x128xi32, #tpu.memory_space<hbm>>
      %dma_start3A_227 = arith.constant 0 : i32
      %dma_start3A_228 = tpu.memref_slice %arg4[%mul3A_8, %dma_start3A_227] : memref<2560x128xi32, #tpu.memory_space<hbm>> -> memref<80x128xi32, #tpu.memory_space<hbm>>
      tpu.enqueue_dma source(%dma_start3A_228 : memref<80x128xi32, #tpu.memory_space<hbm>>) target(%arg8 : memref<80x128xi32, #tpu.memory_space<vmem>>) target_semaphore(%run_scoped3A : memref<!tpu.dma_semaphore, #tpu.memory_space<semaphore_mem>>)
      %dma_wait3A_229 = arith.constant 0 : i32
      %dma_wait3A_230 = tpu.memref_slice %arg4[%mul3A_8, %dma_wait3A_229] : memref<2560x128xi32, #tpu.memory_space<hbm>> -> memref<80x128xi32, #tpu.memory_space<hbm>>
      %dma_wait3A_231 = arith.constant 0 : i32
      %dma_wait3A_232 = tpu.memref_slice %arg4[%mul3A_8, %dma_wait3A_231] : memref<2560x128xi32, #tpu.memory_space<hbm>> -> memref<80x128xi32, #tpu.memory_space<hbm>>
      tpu.wait_dma2 semaphore(%run_scoped3A : memref<!tpu.dma_semaphore, #tpu.memory_space<semaphore_mem>>) src(%dma_wait3A_232 : memref<80x128xi32, #tpu.memory_space<hbm>>) dst(%arg8 : memref<80x128xi32, #tpu.memory_space<vmem>>)
      tpu.yield
    }) : () -> ()
    %barrier3A = arith.constant 0 : index
    tpu.barrier barrier_id(%barrier3A)
    %dma_start3A = arith.constant 0 : i32
    %dma_start3A_9 = arith.constant 0 : i32
    %dma_start3A_10 = arith.constant 0 : i32
    %dma_start3A_11 = arith.constant 0 : i32
    %dma_start3A_12 = arith.constant 0 : i32
    %dma_start3A_13 = tpu.memref_slice %arg9[%dma_start3A_9, %dma_start3A_10, %dma_start3A_11, %dma_start3A_12] : memref<2x8x128x16xf32, #tpu.memory_space<vmem>> -> memref<1x1x128x16xf32, #tpu.memory_space<vmem>>
    %dma_start3A_14 = tpu.memref_squeeze %dma_start3A_13 : memref<1x1x128x16xf32, #tpu.memory_space<vmem>> -> memref<128x16xf32, #tpu.memory_space<vmem>>
    %dma_start3A_15 = arith.constant 0 : i32
    %dma_start3A_16 = tpu.memref_slice %arg7[%dma_start3A, %dma_start3A_15] : memref<80x128xi32, #tpu.memory_space<vmem>> -> memref<1x128xi32, #tpu.memory_space<vmem>>
    %dma_start3A_17 = tpu.memref_squeeze %dma_start3A_16 : memref<1x128xi32, #tpu.memory_space<vmem>> -> memref<128xi32, #tpu.memory_space<vmem>>
    %dma_start3A_18 = arith.constant 0 : i32
    %dma_start3A_19 = arith.constant 0 : i32
    %dma_start3A_20 = tpu.memref_slice %arg2[%dma_start3A_18, %dma_start3A_19] : memref<10000x16xf32, #tpu.memory_space<hbm>> -> memref<10000x16xf32, #tpu.memory_space<hbm>>
    tpu.enqueue_indirect_dma source(%dma_start3A_20 : memref<10000x16xf32, #tpu.memory_space<hbm>>) target(%dma_start3A_14 : memref<128x16xf32, #tpu.memory_space<vmem>>) offsets(%dma_start3A_17 : memref<128xi32, #tpu.memory_space<vmem>>) semaphore(%arg11 : memref<!tpu.dma_semaphore, #tpu.memory_space<semaphore_mem>>)
    %dma_start3A_21 = arith.constant 1 : i32
    %dma_start3A_22 = arith.constant 0 : i32
    %dma_start3A_23 = arith.constant 1 : i32
    %dma_start3A_24 = arith.constant 0 : i32
    %dma_start3A_25 = arith.constant 0 : i32
    %dma_start3A_26 = tpu.memref_slice %arg9[%dma_start3A_22, %dma_start3A_23, %dma_start3A_24, %dma_start3A_25] : memref<2x8x128x16xf32, #tpu.memory_space<vmem>> -> memref<1x1x128x16xf32, #tpu.memory_space<vmem>>
    %dma_start3A_27 = tpu.memref_squeeze %dma_start3A_26 : memref<1x1x128x16xf32, #tpu.memory_space<vmem>> -> memref<128x16xf32, #tpu.memory_space<vmem>>
    %dma_start3A_28 = arith.constant 0 : i32
    %dma_start3A_29 = tpu.memref_slice %arg7[%dma_start3A_21, %dma_start3A_28] : memref<80x128xi32, #tpu.memory_space<vmem>> -> memref<1x128xi32, #tpu.memory_space<vmem>>
    %dma_start3A_30 = tpu.memref_squeeze %dma_start3A_29 : memref<1x128xi32, #tpu.memory_space<vmem>> -> memref<128xi32, #tpu.memory_space<vmem>>
    %dma_start3A_31 = arith.constant 0 : i32
    %dma_start3A_32 = arith.constant 0 : i32
    %dma_start3A_33 = tpu.memref_slice %arg2[%dma_start3A_31, %dma_start3A_32] : memref<10000x16xf32, #tpu.memory_space<hbm>> -> memref<10000x16xf32, #tpu.memory_space<hbm>>
    tpu.enqueue_indirect_dma source(%dma_start3A_33 : memref<10000x16xf32, #tpu.memory_space<hbm>>) target(%dma_start3A_27 : memref<128x16xf32, #tpu.memory_space<vmem>>) offsets(%dma_start3A_30 : memref<128xi32, #tpu.memory_space<vmem>>) semaphore(%arg11 : memref<!tpu.dma_semaphore, #tpu.memory_space<semaphore_mem>>)
    %dma_start3A_34 = arith.constant 2 : i32
    %dma_start3A_35 = arith.constant 0 : i32
    %dma_start3A_36 = arith.constant 2 : i32
    %dma_start3A_37 = arith.constant 0 : i32
    %dma_start3A_38 = arith.constant 0 : i32
    %dma_start3A_39 = tpu.memref_slice %arg9[%dma_start3A_35, %dma_start3A_36, %dma_start3A_37, %dma_start3A_38] : memref<2x8x128x16xf32, #tpu.memory_space<vmem>> -> memref<1x1x128x16xf32, #tpu.memory_space<vmem>>
    %dma_start3A_40 = tpu.memref_squeeze %dma_start3A_39 : memref<1x1x128x16xf32, #tpu.memory_space<vmem>> -> memref<128x16xf32, #tpu.memory_space<vmem>>
    %dma_start3A_41 = arith.constant 0 : i32
    %dma_start3A_42 = tpu.memref_slice %arg7[%dma_start3A_34, %dma_start3A_41] : memref<80x128xi32, #tpu.memory_space<vmem>> -> memref<1x128xi32, #tpu.memory_space<vmem>>
    %dma_start3A_43 = tpu.memref_squeeze %dma_start3A_42 : memref<1x128xi32, #tpu.memory_space<vmem>> -> memref<128xi32, #tpu.memory_space<vmem>>
    %dma_start3A_44 = arith.constant 0 : i32
    %dma_start3A_45 = arith.constant 0 : i32
    %dma_start3A_46 = tpu.memref_slice %arg2[%dma_start3A_44, %dma_start3A_45] : memref<10000x16xf32, #tpu.memory_space<hbm>> -> memref<10000x16xf32, #tpu.memory_space<hbm>>
    tpu.enqueue_indirect_dma source(%dma_start3A_46 : memref<10000x16xf32, #tpu.memory_space<hbm>>) target(%dma_start3A_40 : memref<128x16xf32, #tpu.memory_space<vmem>>) offsets(%dma_start3A_43 : memref<128xi32, #tpu.memory_space<vmem>>) semaphore(%arg11 : memref<!tpu.dma_semaphore, #tpu.memory_space<semaphore_mem>>)
    %dma_start3A_47 = arith.constant 3 : i32
    %dma_start3A_48 = arith.constant 0 : i32
    %dma_start3A_49 = arith.constant 3 : i32
    %dma_start3A_50 = arith.constant 0 : i32
    %dma_start3A_51 = arith.constant 0 : i32
    %dma_start3A_52 = tpu.memref_slice %arg9[%dma_start3A_48, %dma_start3A_49, %dma_start3A_50, %dma_start3A_51] : memref<2x8x128x16xf32, #tpu.memory_space<vmem>> -> memref<1x1x128x16xf32, #tpu.memory_space<vmem>>
    %dma_start3A_53 = tpu.memref_squeeze %dma_start3A_52 : memref<1x1x128x16xf32, #tpu.memory_space<vmem>> -> memref<128x16xf32, #tpu.memory_space<vmem>>
    %dma_start3A_54 = arith.constant 0 : i32
    %dma_start3A_55 = tpu.memref_slice %arg7[%dma_start3A_47, %dma_start3A_54] : memref<80x128xi32, #tpu.memory_space<vmem>> -> memref<1x128xi32, #tpu.memory_space<vmem>>
    %dma_start3A_56 = tpu.memref_squeeze %dma_start3A_55 : memref<1x128xi32, #tpu.memory_space<vmem>> -> memref<128xi32, #tpu.memory_space<vmem>>
    %dma_start3A_57 = arith.constant 0 : i32
    %dma_start3A_58 = arith.constant 0 : i32
    %dma_start3A_59 = tpu.memref_slice %arg2[%dma_start3A_57, %dma_start3A_58] : memref<10000x16xf32, #tpu.memory_space<hbm>> -> memref<10000x16xf32, #tpu.memory_space<hbm>>
    tpu.enqueue_indirect_dma source(%dma_start3A_59 : memref<10000x16xf32, #tpu.memory_space<hbm>>) target(%dma_start3A_53 : memref<128x16xf32, #tpu.memory_space<vmem>>) offsets(%dma_start3A_56 : memref<128xi32, #tpu.memory_space<vmem>>) semaphore(%arg11 : memref<!tpu.dma_semaphore, #tpu.memory_space<semaphore_mem>>)
    %dma_start3A_60 = arith.constant 4 : i32
    %dma_start3A_61 = arith.constant 0 : i32
    %dma_start3A_62 = arith.constant 4 : i32
    %dma_start3A_63 = arith.constant 0 : i32
    %dma_start3A_64 = arith.constant 0 : i32
    %dma_start3A_65 = tpu.memref_slice %arg9[%dma_start3A_61, %dma_start3A_62, %dma_start3A_63, %dma_start3A_64] : memref<2x8x128x16xf32, #tpu.memory_space<vmem>> -> memref<1x1x128x16xf32, #tpu.memory_space<vmem>>
    %dma_start3A_66 = tpu.memref_squeeze %dma_start3A_65 : memref<1x1x128x16xf32, #tpu.memory_space<vmem>> -> memref<128x16xf32, #tpu.memory_space<vmem>>
    %dma_start3A_67 = arith.constant 0 : i32
    %dma_start3A_68 = tpu.memref_slice %arg7[%dma_start3A_60, %dma_start3A_67] : memref<80x128xi32, #tpu.memory_space<vmem>> -> memref<1x128xi32, #tpu.memory_space<vmem>>
    %dma_start3A_69 = tpu.memref_squeeze %dma_start3A_68 : memref<1x128xi32, #tpu.memory_space<vmem>> -> memref<128xi32, #tpu.memory_space<vmem>>
    %dma_start3A_70 = arith.constant 0 : i32
    %dma_start3A_71 = arith.constant 0 : i32
    %dma_start3A_72 = tpu.memref_slice %arg2[%dma_start3A_70, %dma_start3A_71] : memref<10000x16xf32, #tpu.memory_space<hbm>> -> memref<10000x16xf32, #tpu.memory_space<hbm>>
    tpu.enqueue_indirect_dma source(%dma_start3A_72 : memref<10000x16xf32, #tpu.memory_space<hbm>>) target(%dma_start3A_66 : memref<128x16xf32, #tpu.memory_space<vmem>>) offsets(%dma_start3A_69 : memref<128xi32, #tpu.memory_space<vmem>>) semaphore(%arg11 : memref<!tpu.dma_semaphore, #tpu.memory_space<semaphore_mem>>)
    %dma_start3A_73 = arith.constant 5 : i32
    %dma_start3A_74 = arith.constant 0 : i32
    %dma_start3A_75 = arith.constant 5 : i32
    %dma_start3A_76 = arith.constant 0 : i32
    %dma_start3A_77 = arith.constant 0 : i32
    %dma_start3A_78 = tpu.memref_slice %arg9[%dma_start3A_74, %dma_start3A_75, %dma_start3A_76, %dma_start3A_77] : memref<2x8x128x16xf32, #tpu.memory_space<vmem>> -> memref<1x1x128x16xf32, #tpu.memory_space<vmem>>
    %dma_start3A_79 = tpu.memref_squeeze %dma_start3A_78 : memref<1x1x128x16xf32, #tpu.memory_space<vmem>> -> memref<128x16xf32, #tpu.memory_space<vmem>>
    %dma_start3A_80 = arith.constant 0 : i32
    %dma_start3A_81 = tpu.memref_slice %arg7[%dma_start3A_73, %dma_start3A_80] : memref<80x128xi32, #tpu.memory_space<vmem>> -> memref<1x128xi32, #tpu.memory_space<vmem>>
    %dma_start3A_82 = tpu.memref_squeeze %dma_start3A_81 : memref<1x128xi32, #tpu.memory_space<vmem>> -> memref<128xi32, #tpu.memory_space<vmem>>
    %dma_start3A_83 = arith.constant 0 : i32
    %dma_start3A_84 = arith.constant 0 : i32
    %dma_start3A_85 = tpu.memref_slice %arg2[%dma_start3A_83, %dma_start3A_84] : memref<10000x16xf32, #tpu.memory_space<hbm>> -> memref<10000x16xf32, #tpu.memory_space<hbm>>
    tpu.enqueue_indirect_dma source(%dma_start3A_85 : memref<10000x16xf32, #tpu.memory_space<hbm>>) target(%dma_start3A_79 : memref<128x16xf32, #tpu.memory_space<vmem>>) offsets(%dma_start3A_82 : memref<128xi32, #tpu.memory_space<vmem>>) semaphore(%arg11 : memref<!tpu.dma_semaphore, #tpu.memory_space<semaphore_mem>>)
    %dma_start3A_86 = arith.constant 6 : i32
    %dma_start3A_87 = arith.constant 0 : i32
    %dma_start3A_88 = arith.constant 6 : i32
    %dma_start3A_89 = arith.constant 0 : i32
    %dma_start3A_90 = arith.constant 0 : i32
    %dma_start3A_91 = tpu.memref_slice %arg9[%dma_start3A_87, %dma_start3A_88, %dma_start3A_89, %dma_start3A_90] : memref<2x8x128x16xf32, #tpu.memory_space<vmem>> -> memref<1x1x128x16xf32, #tpu.memory_space<vmem>>
    %dma_start3A_92 = tpu.memref_squeeze %dma_start3A_91 : memref<1x1x128x16xf32, #tpu.memory_space<vmem>> -> memref<128x16xf32, #tpu.memory_space<vmem>>
    %dma_start3A_93 = arith.constant 0 : i32
    %dma_start3A_94 = tpu.memref_slice %arg7[%dma_start3A_86, %dma_start3A_93] : memref<80x128xi32, #tpu.memory_space<vmem>> -> memref<1x128xi32, #tpu.memory_space<vmem>>
    %dma_start3A_95 = tpu.memref_squeeze %dma_start3A_94 : memref<1x128xi32, #tpu.memory_space<vmem>> -> memref<128xi32, #tpu.memory_space<vmem>>
    %dma_start3A_96 = arith.constant 0 : i32
    %dma_start3A_97 = arith.constant 0 : i32
    %dma_start3A_98 = tpu.memref_slice %arg2[%dma_start3A_96, %dma_start3A_97] : memref<10000x16xf32, #tpu.memory_space<hbm>> -> memref<10000x16xf32, #tpu.memory_space<hbm>>
    tpu.enqueue_indirect_dma source(%dma_start3A_98 : memref<10000x16xf32, #tpu.memory_space<hbm>>) target(%dma_start3A_92 : memref<128x16xf32, #tpu.memory_space<vmem>>) offsets(%dma_start3A_95 : memref<128xi32, #tpu.memory_space<vmem>>) semaphore(%arg11 : memref<!tpu.dma_semaphore, #tpu.memory_space<semaphore_mem>>)
    %dma_start3A_99 = arith.constant 7 : i32
    %dma_start3A_100 = arith.constant 0 : i32
    %dma_start3A_101 = arith.constant 7 : i32
    %dma_start3A_102 = arith.constant 0 : i32
    %dma_start3A_103 = arith.constant 0 : i32
    %dma_start3A_104 = tpu.memref_slice %arg9[%dma_start3A_100, %dma_start3A_101, %dma_start3A_102, %dma_start3A_103] : memref<2x8x128x16xf32, #tpu.memory_space<vmem>> -> memref<1x1x128x16xf32, #tpu.memory_space<vmem>>
    %dma_start3A_105 = tpu.memref_squeeze %dma_start3A_104 : memref<1x1x128x16xf32, #tpu.memory_space<vmem>> -> memref<128x16xf32, #tpu.memory_space<vmem>>
    %dma_start3A_106 = arith.constant 0 : i32
    %dma_start3A_107 = tpu.memref_slice %arg7[%dma_start3A_99, %dma_start3A_106] : memref<80x128xi32, #tpu.memory_space<vmem>> -> memref<1x128xi32, #tpu.memory_space<vmem>>
    %dma_start3A_108 = tpu.memref_squeeze %dma_start3A_107 : memref<1x128xi32, #tpu.memory_space<vmem>> -> memref<128xi32, #tpu.memory_space<vmem>>
    %dma_start3A_109 = arith.constant 0 : i32
    %dma_start3A_110 = arith.constant 0 : i32
    %dma_start3A_111 = tpu.memref_slice %arg2[%dma_start3A_109, %dma_start3A_110] : memref<10000x16xf32, #tpu.memory_space<hbm>> -> memref<10000x16xf32, #tpu.memory_space<hbm>>
    tpu.enqueue_indirect_dma source(%dma_start3A_111 : memref<10000x16xf32, #tpu.memory_space<hbm>>) target(%dma_start3A_105 : memref<128x16xf32, #tpu.memory_space<vmem>>) offsets(%dma_start3A_108 : memref<128xi32, #tpu.memory_space<vmem>>) semaphore(%arg11 : memref<!tpu.dma_semaphore, #tpu.memory_space<semaphore_mem>>)
    %scan3A = arith.constant 0 : i32
    %scan3A_112 = arith.constant 0 : i32
    %scan3A_113 = arith.constant 10 : i32
    %scan3A_114 = arith.addi %scan3A_112, %scan3A_113 : i32
    %scan3A_115 = arith.constant 1 : i32
    scf.for %scan3A_225 = %scan3A_112 to %scan3A_114 step %scan3A_115  : i32 {
      %jit3A = arith.constant 2 : i32
      %eq3A = arith.constant 0 : i32
      %eq3A_226 = arith.cmpi eq, %jit3A, %eq3A : i32
      %jit3A_227 = arith.constant 1 : i32
      %select_n3A = arith.select %eq3A_226, %jit3A_227, %jit3A : i32
      %rem3A = arith.remsi %scan3A_225, %select_n3A : i32
      %ne3A = arith.constant 0 : i32
      %ne3A_228 = arith.cmpi ne, %rem3A, %ne3A : i32
      %lt3A = arith.constant 0 : i32
      %lt3A_229 = arith.cmpi slt, %rem3A, %lt3A : i32
      %lt3A_230 = arith.constant 0 : i32
      %lt3A_231 = arith.cmpi slt, %select_n3A, %lt3A_230 : i32
      %ne3A_232 = arith.xori %lt3A_229, %lt3A_231 : i1
      %and3A = arith.andi %ne3A_232, %ne3A_228 : i1
      %add3A_233 = arith.addi %rem3A, %select_n3A : i32
      %select_n3A_234 = arith.select %and3A, %add3A_233, %rem3A : i32
      %mul3A_235 = arith.constant 8 : i32
      %mul3A_236 = arith.muli %scan3A_225, %mul3A_235 : i32
      %add3A_237 = arith.constant 0 : i32
      %add3A_238 = arith.addi %mul3A_236, %add3A_237 : i32
      %dma_wait3A_239 = arith.constant 0 : i32
      %dma_wait3A_240 = arith.constant 0 : i32
      %dma_wait3A_241 = arith.constant 0 : i32
      %dma_wait3A_242 = tpu.memref_slice %arg9[%select_n3A_234, %dma_wait3A_239, %dma_wait3A_240, %dma_wait3A_241] : memref<2x8x128x16xf32, #tpu.memory_space<vmem>> -> memref<1x1x128x16xf32, #tpu.memory_space<vmem>>
      %dma_wait3A_243 = tpu.memref_squeeze %dma_wait3A_242 : memref<1x1x128x16xf32, #tpu.memory_space<vmem>> -> memref<128x16xf32, #tpu.memory_space<vmem>>
      %dma_wait3A_244 = arith.constant 0 : i32
      %dma_wait3A_245 = tpu.memref_slice %arg7[%add3A_238, %dma_wait3A_244] : memref<80x128xi32, #tpu.memory_space<vmem>> -> memref<1x128xi32, #tpu.memory_space<vmem>>
      %dma_wait3A_246 = tpu.memref_squeeze %dma_wait3A_245 : memref<1x128xi32, #tpu.memory_space<vmem>> -> memref<128xi32, #tpu.memory_space<vmem>>
      %dma_wait3A_247 = arith.constant 0 : i32
      %dma_wait3A_248 = arith.constant 0 : i32
      %dma_wait3A_249 = tpu.memref_slice %arg2[%dma_wait3A_247, %dma_wait3A_248] : memref<10000x16xf32, #tpu.memory_space<hbm>> -> memref<10000x16xf32, #tpu.memory_space<hbm>>
      tpu.wait_indirect_dma semaphore(%arg11 : memref<!tpu.dma_semaphore, #tpu.memory_space<semaphore_mem>>) src(%dma_wait3A_249 : memref<10000x16xf32, #tpu.memory_space<hbm>>) dst(%dma_wait3A_243 : memref<128x16xf32, #tpu.memory_space<vmem>>)
      %mul3A_250 = arith.constant 8 : i32
      %mul3A_251 = arith.muli %scan3A_225, %mul3A_250 : i32
      %add3A_252 = arith.constant 1 : i32
      %add3A_253 = arith.addi %mul3A_251, %add3A_252 : i32
      %dma_wait3A_254 = arith.constant 1 : i32
      %dma_wait3A_255 = arith.constant 0 : i32
      %dma_wait3A_256 = arith.constant 0 : i32
      %dma_wait3A_257 = tpu.memref_slice %arg9[%select_n3A_234, %dma_wait3A_254, %dma_wait3A_255, %dma_wait3A_256] : memref<2x8x128x16xf32, #tpu.memory_space<vmem>> -> memref<1x1x128x16xf32, #tpu.memory_space<vmem>>
      %dma_wait3A_258 = tpu.memref_squeeze %dma_wait3A_257 : memref<1x1x128x16xf32, #tpu.memory_space<vmem>> -> memref<128x16xf32, #tpu.memory_space<vmem>>
      %dma_wait3A_259 = arith.constant 0 : i32
      %dma_wait3A_260 = tpu.memref_slice %arg7[%add3A_253, %dma_wait3A_259] : memref<80x128xi32, #tpu.memory_space<vmem>> -> memref<1x128xi32, #tpu.memory_space<vmem>>
      %dma_wait3A_261 = tpu.memref_squeeze %dma_wait3A_260 : memref<1x128xi32, #tpu.memory_space<vmem>> -> memref<128xi32, #tpu.memory_space<vmem>>
      %dma_wait3A_262 = arith.constant 0 : i32
      %dma_wait3A_263 = arith.constant 0 : i32
      %dma_wait3A_264 = tpu.memref_slice %arg2[%dma_wait3A_262, %dma_wait3A_263] : memref<10000x16xf32, #tpu.memory_space<hbm>> -> memref<10000x16xf32, #tpu.memory_space<hbm>>
      tpu.wait_indirect_dma semaphore(%arg11 : memref<!tpu.dma_semaphore, #tpu.memory_space<semaphore_mem>>) src(%dma_wait3A_264 : memref<10000x16xf32, #tpu.memory_space<hbm>>) dst(%dma_wait3A_258 : memref<128x16xf32, #tpu.memory_space<vmem>>)
      %mul3A_265 = arith.constant 8 : i32
      %mul3A_266 = arith.muli %scan3A_225, %mul3A_265 : i32
      %add3A_267 = arith.constant 2 : i32
      %add3A_268 = arith.addi %mul3A_266, %add3A_267 : i32
      %dma_wait3A_269 = arith.constant 2 : i32
      %dma_wait3A_270 = arith.constant 0 : i32
      %dma_wait3A_271 = arith.constant 0 : i32
      %dma_wait3A_272 = tpu.memref_slice %arg9[%select_n3A_234, %dma_wait3A_269, %dma_wait3A_270, %dma_wait3A_271] : memref<2x8x128x16xf32, #tpu.memory_space<vmem>> -> memref<1x1x128x16xf32, #tpu.memory_space<vmem>>
      %dma_wait3A_273 = tpu.memref_squeeze %dma_wait3A_272 : memref<1x1x128x16xf32, #tpu.memory_space<vmem>> -> memref<128x16xf32, #tpu.memory_space<vmem>>
      %dma_wait3A_274 = arith.constant 0 : i32
      %dma_wait3A_275 = tpu.memref_slice %arg7[%add3A_268, %dma_wait3A_274] : memref<80x128xi32, #tpu.memory_space<vmem>> -> memref<1x128xi32, #tpu.memory_space<vmem>>
      %dma_wait3A_276 = tpu.memref_squeeze %dma_wait3A_275 : memref<1x128xi32, #tpu.memory_space<vmem>> -> memref<128xi32, #tpu.memory_space<vmem>>
      %dma_wait3A_277 = arith.constant 0 : i32
      %dma_wait3A_278 = arith.constant 0 : i32
      %dma_wait3A_279 = tpu.memref_slice %arg2[%dma_wait3A_277, %dma_wait3A_278] : memref<10000x16xf32, #tpu.memory_space<hbm>> -> memref<10000x16xf32, #tpu.memory_space<hbm>>
      tpu.wait_indirect_dma semaphore(%arg11 : memref<!tpu.dma_semaphore, #tpu.memory_space<semaphore_mem>>) src(%dma_wait3A_279 : memref<10000x16xf32, #tpu.memory_space<hbm>>) dst(%dma_wait3A_273 : memref<128x16xf32, #tpu.memory_space<vmem>>)
      %mul3A_280 = arith.constant 8 : i32
      %mul3A_281 = arith.muli %scan3A_225, %mul3A_280 : i32
      %add3A_282 = arith.constant 3 : i32
      %add3A_283 = arith.addi %mul3A_281, %add3A_282 : i32
      %dma_wait3A_284 = arith.constant 3 : i32
      %dma_wait3A_285 = arith.constant 0 : i32
      %dma_wait3A_286 = arith.constant 0 : i32
      %dma_wait3A_287 = tpu.memref_slice %arg9[%select_n3A_234, %dma_wait3A_284, %dma_wait3A_285, %dma_wait3A_286] : memref<2x8x128x16xf32, #tpu.memory_space<vmem>> -> memref<1x1x128x16xf32, #tpu.memory_space<vmem>>
      %dma_wait3A_288 = tpu.memref_squeeze %dma_wait3A_287 : memref<1x1x128x16xf32, #tpu.memory_space<vmem>> -> memref<128x16xf32, #tpu.memory_space<vmem>>
      %dma_wait3A_289 = arith.constant 0 : i32
      %dma_wait3A_290 = tpu.memref_slice %arg7[%add3A_283, %dma_wait3A_289] : memref<80x128xi32, #tpu.memory_space<vmem>> -> memref<1x128xi32, #tpu.memory_space<vmem>>
      %dma_wait3A_291 = tpu.memref_squeeze %dma_wait3A_290 : memref<1x128xi32, #tpu.memory_space<vmem>> -> memref<128xi32, #tpu.memory_space<vmem>>
      %dma_wait3A_292 = arith.constant 0 : i32
      %dma_wait3A_293 = arith.constant 0 : i32
      %dma_wait3A_294 = tpu.memref_slice %arg2[%dma_wait3A_292, %dma_wait3A_293] : memref<10000x16xf32, #tpu.memory_space<hbm>> -> memref<10000x16xf32, #tpu.memory_space<hbm>>
      tpu.wait_indirect_dma semaphore(%arg11 : memref<!tpu.dma_semaphore, #tpu.memory_space<semaphore_mem>>) src(%dma_wait3A_294 : memref<10000x16xf32, #tpu.memory_space<hbm>>) dst(%dma_wait3A_288 : memref<128x16xf32, #tpu.memory_space<vmem>>)
      %mul3A_295 = arith.constant 8 : i32
      %mul3A_296 = arith.muli %scan3A_225, %mul3A_295 : i32
      %add3A_297 = arith.constant 4 : i32
      %add3A_298 = arith.addi %mul3A_296, %add3A_297 : i32
      %dma_wait3A_299 = arith.constant 4 : i32
      %dma_wait3A_300 = arith.constant 0 : i32
      %dma_wait3A_301 = arith.constant 0 : i32
      %dma_wait3A_302 = tpu.memref_slice %arg9[%select_n3A_234, %dma_wait3A_299, %dma_wait3A_300, %dma_wait3A_301] : memref<2x8x128x16xf32, #tpu.memory_space<vmem>> -> memref<1x1x128x16xf32, #tpu.memory_space<vmem>>
      %dma_wait3A_303 = tpu.memref_squeeze %dma_wait3A_302 : memref<1x1x128x16xf32, #tpu.memory_space<vmem>> -> memref<128x16xf32, #tpu.memory_space<vmem>>
      %dma_wait3A_304 = arith.constant 0 : i32
      %dma_wait3A_305 = tpu.memref_slice %arg7[%add3A_298, %dma_wait3A_304] : memref<80x128xi32, #tpu.memory_space<vmem>> -> memref<1x128xi32, #tpu.memory_space<vmem>>
      %dma_wait3A_306 = tpu.memref_squeeze %dma_wait3A_305 : memref<1x128xi32, #tpu.memory_space<vmem>> -> memref<128xi32, #tpu.memory_space<vmem>>
      %dma_wait3A_307 = arith.constant 0 : i32
      %dma_wait3A_308 = arith.constant 0 : i32
      %dma_wait3A_309 = tpu.memref_slice %arg2[%dma_wait3A_307, %dma_wait3A_308] : memref<10000x16xf32, #tpu.memory_space<hbm>> -> memref<10000x16xf32, #tpu.memory_space<hbm>>
      tpu.wait_indirect_dma semaphore(%arg11 : memref<!tpu.dma_semaphore, #tpu.memory_space<semaphore_mem>>) src(%dma_wait3A_309 : memref<10000x16xf32, #tpu.memory_space<hbm>>) dst(%dma_wait3A_303 : memref<128x16xf32, #tpu.memory_space<vmem>>)
      %mul3A_310 = arith.constant 8 : i32
      %mul3A_311 = arith.muli %scan3A_225, %mul3A_310 : i32
      %add3A_312 = arith.constant 5 : i32
      %add3A_313 = arith.addi %mul3A_311, %add3A_312 : i32
      %dma_wait3A_314 = arith.constant 5 : i32
      %dma_wait3A_315 = arith.constant 0 : i32
      %dma_wait3A_316 = arith.constant 0 : i32
      %dma_wait3A_317 = tpu.memref_slice %arg9[%select_n3A_234, %dma_wait3A_314, %dma_wait3A_315, %dma_wait3A_316] : memref<2x8x128x16xf32, #tpu.memory_space<vmem>> -> memref<1x1x128x16xf32, #tpu.memory_space<vmem>>
      %dma_wait3A_318 = tpu.memref_squeeze %dma_wait3A_317 : memref<1x1x128x16xf32, #tpu.memory_space<vmem>> -> memref<128x16xf32, #tpu.memory_space<vmem>>
      %dma_wait3A_319 = arith.constant 0 : i32
      %dma_wait3A_320 = tpu.memref_slice %arg7[%add3A_313, %dma_wait3A_319] : memref<80x128xi32, #tpu.memory_space<vmem>> -> memref<1x128xi32, #tpu.memory_space<vmem>>
      %dma_wait3A_321 = tpu.memref_squeeze %dma_wait3A_320 : memref<1x128xi32, #tpu.memory_space<vmem>> -> memref<128xi32, #tpu.memory_space<vmem>>
      %dma_wait3A_322 = arith.constant 0 : i32
      %dma_wait3A_323 = arith.constant 0 : i32
      %dma_wait3A_324 = tpu.memref_slice %arg2[%dma_wait3A_322, %dma_wait3A_323] : memref<10000x16xf32, #tpu.memory_space<hbm>> -> memref<10000x16xf32, #tpu.memory_space<hbm>>
      tpu.wait_indirect_dma semaphore(%arg11 : memref<!tpu.dma_semaphore, #tpu.memory_space<semaphore_mem>>) src(%dma_wait3A_324 : memref<10000x16xf32, #tpu.memory_space<hbm>>) dst(%dma_wait3A_318 : memref<128x16xf32, #tpu.memory_space<vmem>>)
      %mul3A_325 = arith.constant 8 : i32
      %mul3A_326 = arith.muli %scan3A_225, %mul3A_325 : i32
      %add3A_327 = arith.constant 6 : i32
      %add3A_328 = arith.addi %mul3A_326, %add3A_327 : i32
      %dma_wait3A_329 = arith.constant 6 : i32
      %dma_wait3A_330 = arith.constant 0 : i32
      %dma_wait3A_331 = arith.constant 0 : i32
      %dma_wait3A_332 = tpu.memref_slice %arg9[%select_n3A_234, %dma_wait3A_329, %dma_wait3A_330, %dma_wait3A_331] : memref<2x8x128x16xf32, #tpu.memory_space<vmem>> -> memref<1x1x128x16xf32, #tpu.memory_space<vmem>>
      %dma_wait3A_333 = tpu.memref_squeeze %dma_wait3A_332 : memref<1x1x128x16xf32, #tpu.memory_space<vmem>> -> memref<128x16xf32, #tpu.memory_space<vmem>>
      %dma_wait3A_334 = arith.constant 0 : i32
      %dma_wait3A_335 = tpu.memref_slice %arg7[%add3A_328, %dma_wait3A_334] : memref<80x128xi32, #tpu.memory_space<vmem>> -> memref<1x128xi32, #tpu.memory_space<vmem>>
      %dma_wait3A_336 = tpu.memref_squeeze %dma_wait3A_335 : memref<1x128xi32, #tpu.memory_space<vmem>> -> memref<128xi32, #tpu.memory_space<vmem>>
      %dma_wait3A_337 = arith.constant 0 : i32
      %dma_wait3A_338 = arith.constant 0 : i32
      %dma_wait3A_339 = tpu.memref_slice %arg2[%dma_wait3A_337, %dma_wait3A_338] : memref<10000x16xf32, #tpu.memory_space<hbm>> -> memref<10000x16xf32, #tpu.memory_space<hbm>>
      tpu.wait_indirect_dma semaphore(%arg11 : memref<!tpu.dma_semaphore, #tpu.memory_space<semaphore_mem>>) src(%dma_wait3A_339 : memref<10000x16xf32, #tpu.memory_space<hbm>>) dst(%dma_wait3A_333 : memref<128x16xf32, #tpu.memory_space<vmem>>)
      %mul3A_340 = arith.constant 8 : i32
      %mul3A_341 = arith.muli %scan3A_225, %mul3A_340 : i32
      %add3A_342 = arith.constant 7 : i32
      %add3A_343 = arith.addi %mul3A_341, %add3A_342 : i32
      %dma_wait3A_344 = arith.constant 7 : i32
      %dma_wait3A_345 = arith.constant 0 : i32
      %dma_wait3A_346 = arith.constant 0 : i32
      %dma_wait3A_347 = tpu.memref_slice %arg9[%select_n3A_234, %dma_wait3A_344, %dma_wait3A_345, %dma_wait3A_346] : memref<2x8x128x16xf32, #tpu.memory_space<vmem>> -> memref<1x1x128x16xf32, #tpu.memory_space<vmem>>
      %dma_wait3A_348 = tpu.memref_squeeze %dma_wait3A_347 : memref<1x1x128x16xf32, #tpu.memory_space<vmem>> -> memref<128x16xf32, #tpu.memory_space<vmem>>
      %dma_wait3A_349 = arith.constant 0 : i32
      %dma_wait3A_350 = tpu.memref_slice %arg7[%add3A_343, %dma_wait3A_349] : memref<80x128xi32, #tpu.memory_space<vmem>> -> memref<1x128xi32, #tpu.memory_space<vmem>>
      %dma_wait3A_351 = tpu.memref_squeeze %dma_wait3A_350 : memref<1x128xi32, #tpu.memory_space<vmem>> -> memref<128xi32, #tpu.memory_space<vmem>>
      %dma_wait3A_352 = arith.constant 0 : i32
      %dma_wait3A_353 = arith.constant 0 : i32
      %dma_wait3A_354 = tpu.memref_slice %arg2[%dma_wait3A_352, %dma_wait3A_353] : memref<10000x16xf32, #tpu.memory_space<hbm>> -> memref<10000x16xf32, #tpu.memory_space<hbm>>
      tpu.wait_indirect_dma semaphore(%arg11 : memref<!tpu.dma_semaphore, #tpu.memory_space<semaphore_mem>>) src(%dma_wait3A_354 : memref<10000x16xf32, #tpu.memory_space<hbm>>) dst(%dma_wait3A_348 : memref<128x16xf32, #tpu.memory_space<vmem>>)
      %ge3A = arith.constant 1 : i32
      %ge3A_355 = arith.cmpi sge, %scan3A_225, %ge3A : i32
      %convert_element_type3A = arith.extui %ge3A_355 : i1 to i32
      %cond3A = arith.constant 0 : i32
      %cond3A_356 = arith.cmpi ne, %convert_element_type3A, %cond3A : i32
      scf.if %cond3A_356 {
        %sub3A = arith.constant 1 : i32
        %sub3A_484 = arith.subi %sub3A, %select_n3A_234 : i32
        %sub3A_485 = arith.constant 1 : i32
        %sub3A_486 = arith.subi %scan3A_225, %sub3A_485 : i32
        %mul3A_487 = arith.constant 8 : i32
        %mul3A_488 = arith.muli %sub3A_486, %mul3A_487 : i32
        %add3A_489 = arith.constant 0 : i32
        %add3A_490 = arith.addi %mul3A_488, %add3A_489 : i32
        %dma_wait3A_491 = arith.constant 0 : i32
        %dma_wait3A_492 = arith.constant 0 : i32
        %dma_wait3A_493 = arith.constant 0 : i32
        %dma_wait3A_494 = tpu.memref_slice %arg9[%sub3A_484, %dma_wait3A_491, %dma_wait3A_492, %dma_wait3A_493] : memref<2x8x128x16xf32, #tpu.memory_space<vmem>> -> memref<1x1x128x16xf32, #tpu.memory_space<vmem>>
        %dma_wait3A_495 = tpu.memref_squeeze %dma_wait3A_494 : memref<1x1x128x16xf32, #tpu.memory_space<vmem>> -> memref<128x16xf32, #tpu.memory_space<vmem>>
        %dma_wait3A_496 = arith.constant 0 : i32
        %dma_wait3A_497 = tpu.memref_slice %arg8[%add3A_490, %dma_wait3A_496] : memref<80x128xi32, #tpu.memory_space<vmem>> -> memref<1x128xi32, #tpu.memory_space<vmem>>
        %dma_wait3A_498 = tpu.memref_squeeze %dma_wait3A_497 : memref<1x128xi32, #tpu.memory_space<vmem>> -> memref<128xi32, #tpu.memory_space<vmem>>
        %dma_wait3A_499 = arith.constant 0 : i32
        %dma_wait3A_500 = arith.constant 0 : i32
        %dma_wait3A_501 = tpu.memref_slice %arg10[%dma_wait3A_499, %dma_wait3A_500] : memref<10240x16xf32, #tpu.memory_space<vmem_shared>> -> memref<10240x16xf32, #tpu.memory_space<vmem_shared>>
        tpu.wait_indirect_dma semaphore(%arg12 : memref<!tpu.dma_semaphore, #tpu.memory_space<semaphore_mem>>) src(%dma_wait3A_495 : memref<128x16xf32, #tpu.memory_space<vmem>>) dst(%dma_wait3A_501 : memref<10240x16xf32, #tpu.memory_space<vmem_shared>>)
        %sub3A_502 = arith.constant 1 : i32
        %sub3A_503 = arith.subi %sub3A_502, %select_n3A_234 : i32
        %sub3A_504 = arith.constant 1 : i32
        %sub3A_505 = arith.subi %scan3A_225, %sub3A_504 : i32
        %mul3A_506 = arith.constant 8 : i32
        %mul3A_507 = arith.muli %sub3A_505, %mul3A_506 : i32
        %add3A_508 = arith.constant 1 : i32
        %add3A_509 = arith.addi %mul3A_507, %add3A_508 : i32
        %dma_wait3A_510 = arith.constant 1 : i32
        %dma_wait3A_511 = arith.constant 0 : i32
        %dma_wait3A_512 = arith.constant 0 : i32
        %dma_wait3A_513 = tpu.memref_slice %arg9[%sub3A_503, %dma_wait3A_510, %dma_wait3A_511, %dma_wait3A_512] : memref<2x8x128x16xf32, #tpu.memory_space<vmem>> -> memref<1x1x128x16xf32, #tpu.memory_space<vmem>>
        %dma_wait3A_514 = tpu.memref_squeeze %dma_wait3A_513 : memref<1x1x128x16xf32, #tpu.memory_space<vmem>> -> memref<128x16xf32, #tpu.memory_space<vmem>>
        %dma_wait3A_515 = arith.constant 0 : i32
        %dma_wait3A_516 = tpu.memref_slice %arg8[%add3A_509, %dma_wait3A_515] : memref<80x128xi32, #tpu.memory_space<vmem>> -> memref<1x128xi32, #tpu.memory_space<vmem>>
        %dma_wait3A_517 = tpu.memref_squeeze %dma_wait3A_516 : memref<1x128xi32, #tpu.memory_space<vmem>> -> memref<128xi32, #tpu.memory_space<vmem>>
        %dma_wait3A_518 = arith.constant 0 : i32
        %dma_wait3A_519 = arith.constant 0 : i32
        %dma_wait3A_520 = tpu.memref_slice %arg10[%dma_wait3A_518, %dma_wait3A_519] : memref<10240x16xf32, #tpu.memory_space<vmem_shared>> -> memref<10240x16xf32, #tpu.memory_space<vmem_shared>>
        tpu.wait_indirect_dma semaphore(%arg12 : memref<!tpu.dma_semaphore, #tpu.memory_space<semaphore_mem>>) src(%dma_wait3A_514 : memref<128x16xf32, #tpu.memory_space<vmem>>) dst(%dma_wait3A_520 : memref<10240x16xf32, #tpu.memory_space<vmem_shared>>)
        %sub3A_521 = arith.constant 1 : i32
        %sub3A_522 = arith.subi %sub3A_521, %select_n3A_234 : i32
        %sub3A_523 = arith.constant 1 : i32
        %sub3A_524 = arith.subi %scan3A_225, %sub3A_523 : i32
        %mul3A_525 = arith.constant 8 : i32
        %mul3A_526 = arith.muli %sub3A_524, %mul3A_525 : i32
        %add3A_527 = arith.constant 2 : i32
        %add3A_528 = arith.addi %mul3A_526, %add3A_527 : i32
        %dma_wait3A_529 = arith.constant 2 : i32
        %dma_wait3A_530 = arith.constant 0 : i32
        %dma_wait3A_531 = arith.constant 0 : i32
        %dma_wait3A_532 = tpu.memref_slice %arg9[%sub3A_522, %dma_wait3A_529, %dma_wait3A_530, %dma_wait3A_531] : memref<2x8x128x16xf32, #tpu.memory_space<vmem>> -> memref<1x1x128x16xf32, #tpu.memory_space<vmem>>
        %dma_wait3A_533 = tpu.memref_squeeze %dma_wait3A_532 : memref<1x1x128x16xf32, #tpu.memory_space<vmem>> -> memref<128x16xf32, #tpu.memory_space<vmem>>
        %dma_wait3A_534 = arith.constant 0 : i32
        %dma_wait3A_535 = tpu.memref_slice %arg8[%add3A_528, %dma_wait3A_534] : memref<80x128xi32, #tpu.memory_space<vmem>> -> memref<1x128xi32, #tpu.memory_space<vmem>>
        %dma_wait3A_536 = tpu.memref_squeeze %dma_wait3A_535 : memref<1x128xi32, #tpu.memory_space<vmem>> -> memref<128xi32, #tpu.memory_space<vmem>>
        %dma_wait3A_537 = arith.constant 0 : i32
        %dma_wait3A_538 = arith.constant 0 : i32
        %dma_wait3A_539 = tpu.memref_slice %arg10[%dma_wait3A_537, %dma_wait3A_538] : memref<10240x16xf32, #tpu.memory_space<vmem_shared>> -> memref<10240x16xf32, #tpu.memory_space<vmem_shared>>
        tpu.wait_indirect_dma semaphore(%arg12 : memref<!tpu.dma_semaphore, #tpu.memory_space<semaphore_mem>>) src(%dma_wait3A_533 : memref<128x16xf32, #tpu.memory_space<vmem>>) dst(%dma_wait3A_539 : memref<10240x16xf32, #tpu.memory_space<vmem_shared>>)
        %sub3A_540 = arith.constant 1 : i32
        %sub3A_541 = arith.subi %sub3A_540, %select_n3A_234 : i32
        %sub3A_542 = arith.constant 1 : i32
        %sub3A_543 = arith.subi %scan3A_225, %sub3A_542 : i32
        %mul3A_544 = arith.constant 8 : i32
        %mul3A_545 = arith.muli %sub3A_543, %mul3A_544 : i32
        %add3A_546 = arith.constant 3 : i32
        %add3A_547 = arith.addi %mul3A_545, %add3A_546 : i32
        %dma_wait3A_548 = arith.constant 3 : i32
        %dma_wait3A_549 = arith.constant 0 : i32
        %dma_wait3A_550 = arith.constant 0 : i32
        %dma_wait3A_551 = tpu.memref_slice %arg9[%sub3A_541, %dma_wait3A_548, %dma_wait3A_549, %dma_wait3A_550] : memref<2x8x128x16xf32, #tpu.memory_space<vmem>> -> memref<1x1x128x16xf32, #tpu.memory_space<vmem>>
        %dma_wait3A_552 = tpu.memref_squeeze %dma_wait3A_551 : memref<1x1x128x16xf32, #tpu.memory_space<vmem>> -> memref<128x16xf32, #tpu.memory_space<vmem>>
        %dma_wait3A_553 = arith.constant 0 : i32
        %dma_wait3A_554 = tpu.memref_slice %arg8[%add3A_547, %dma_wait3A_553] : memref<80x128xi32, #tpu.memory_space<vmem>> -> memref<1x128xi32, #tpu.memory_space<vmem>>
        %dma_wait3A_555 = tpu.memref_squeeze %dma_wait3A_554 : memref<1x128xi32, #tpu.memory_space<vmem>> -> memref<128xi32, #tpu.memory_space<vmem>>
        %dma_wait3A_556 = arith.constant 0 : i32
        %dma_wait3A_557 = arith.constant 0 : i32
        %dma_wait3A_558 = tpu.memref_slice %arg10[%dma_wait3A_556, %dma_wait3A_557] : memref<10240x16xf32, #tpu.memory_space<vmem_shared>> -> memref<10240x16xf32, #tpu.memory_space<vmem_shared>>
        tpu.wait_indirect_dma semaphore(%arg12 : memref<!tpu.dma_semaphore, #tpu.memory_space<semaphore_mem>>) src(%dma_wait3A_552 : memref<128x16xf32, #tpu.memory_space<vmem>>) dst(%dma_wait3A_558 : memref<10240x16xf32, #tpu.memory_space<vmem_shared>>)
        %sub3A_559 = arith.constant 1 : i32
        %sub3A_560 = arith.subi %sub3A_559, %select_n3A_234 : i32
        %sub3A_561 = arith.constant 1 : i32
        %sub3A_562 = arith.subi %scan3A_225, %sub3A_561 : i32
        %mul3A_563 = arith.constant 8 : i32
        %mul3A_564 = arith.muli %sub3A_562, %mul3A_563 : i32
        %add3A_565 = arith.constant 4 : i32
        %add3A_566 = arith.addi %mul3A_564, %add3A_565 : i32
        %dma_wait3A_567 = arith.constant 4 : i32
        %dma_wait3A_568 = arith.constant 0 : i32
        %dma_wait3A_569 = arith.constant 0 : i32
        %dma_wait3A_570 = tpu.memref_slice %arg9[%sub3A_560, %dma_wait3A_567, %dma_wait3A_568, %dma_wait3A_569] : memref<2x8x128x16xf32, #tpu.memory_space<vmem>> -> memref<1x1x128x16xf32, #tpu.memory_space<vmem>>
        %dma_wait3A_571 = tpu.memref_squeeze %dma_wait3A_570 : memref<1x1x128x16xf32, #tpu.memory_space<vmem>> -> memref<128x16xf32, #tpu.memory_space<vmem>>
        %dma_wait3A_572 = arith.constant 0 : i32
        %dma_wait3A_573 = tpu.memref_slice %arg8[%add3A_566, %dma_wait3A_572] : memref<80x128xi32, #tpu.memory_space<vmem>> -> memref<1x128xi32, #tpu.memory_space<vmem>>
        %dma_wait3A_574 = tpu.memref_squeeze %dma_wait3A_573 : memref<1x128xi32, #tpu.memory_space<vmem>> -> memref<128xi32, #tpu.memory_space<vmem>>
        %dma_wait3A_575 = arith.constant 0 : i32
        %dma_wait3A_576 = arith.constant 0 : i32
        %dma_wait3A_577 = tpu.memref_slice %arg10[%dma_wait3A_575, %dma_wait3A_576] : memref<10240x16xf32, #tpu.memory_space<vmem_shared>> -> memref<10240x16xf32, #tpu.memory_space<vmem_shared>>
        tpu.wait_indirect_dma semaphore(%arg12 : memref<!tpu.dma_semaphore, #tpu.memory_space<semaphore_mem>>) src(%dma_wait3A_571 : memref<128x16xf32, #tpu.memory_space<vmem>>) dst(%dma_wait3A_577 : memref<10240x16xf32, #tpu.memory_space<vmem_shared>>)
        %sub3A_578 = arith.constant 1 : i32
        %sub3A_579 = arith.subi %sub3A_578, %select_n3A_234 : i32
        %sub3A_580 = arith.constant 1 : i32
        %sub3A_581 = arith.subi %scan3A_225, %sub3A_580 : i32
        %mul3A_582 = arith.constant 8 : i32
        %mul3A_583 = arith.muli %sub3A_581, %mul3A_582 : i32
        %add3A_584 = arith.constant 5 : i32
        %add3A_585 = arith.addi %mul3A_583, %add3A_584 : i32
        %dma_wait3A_586 = arith.constant 5 : i32
        %dma_wait3A_587 = arith.constant 0 : i32
        %dma_wait3A_588 = arith.constant 0 : i32
        %dma_wait3A_589 = tpu.memref_slice %arg9[%sub3A_579, %dma_wait3A_586, %dma_wait3A_587, %dma_wait3A_588] : memref<2x8x128x16xf32, #tpu.memory_space<vmem>> -> memref<1x1x128x16xf32, #tpu.memory_space<vmem>>
        %dma_wait3A_590 = tpu.memref_squeeze %dma_wait3A_589 : memref<1x1x128x16xf32, #tpu.memory_space<vmem>> -> memref<128x16xf32, #tpu.memory_space<vmem>>
        %dma_wait3A_591 = arith.constant 0 : i32
        %dma_wait3A_592 = tpu.memref_slice %arg8[%add3A_585, %dma_wait3A_591] : memref<80x128xi32, #tpu.memory_space<vmem>> -> memref<1x128xi32, #tpu.memory_space<vmem>>
        %dma_wait3A_593 = tpu.memref_squeeze %dma_wait3A_592 : memref<1x128xi32, #tpu.memory_space<vmem>> -> memref<128xi32, #tpu.memory_space<vmem>>
        %dma_wait3A_594 = arith.constant 0 : i32
        %dma_wait3A_595 = arith.constant 0 : i32
        %dma_wait3A_596 = tpu.memref_slice %arg10[%dma_wait3A_594, %dma_wait3A_595] : memref<10240x16xf32, #tpu.memory_space<vmem_shared>> -> memref<10240x16xf32, #tpu.memory_space<vmem_shared>>
        tpu.wait_indirect_dma semaphore(%arg12 : memref<!tpu.dma_semaphore, #tpu.memory_space<semaphore_mem>>) src(%dma_wait3A_590 : memref<128x16xf32, #tpu.memory_space<vmem>>) dst(%dma_wait3A_596 : memref<10240x16xf32, #tpu.memory_space<vmem_shared>>)
        %sub3A_597 = arith.constant 1 : i32
        %sub3A_598 = arith.subi %sub3A_597, %select_n3A_234 : i32
        %sub3A_599 = arith.constant 1 : i32
        %sub3A_600 = arith.subi %scan3A_225, %sub3A_599 : i32
        %mul3A_601 = arith.constant 8 : i32
        %mul3A_602 = arith.muli %sub3A_600, %mul3A_601 : i32
        %add3A_603 = arith.constant 6 : i32
        %add3A_604 = arith.addi %mul3A_602, %add3A_603 : i32
        %dma_wait3A_605 = arith.constant 6 : i32
        %dma_wait3A_606 = arith.constant 0 : i32
        %dma_wait3A_607 = arith.constant 0 : i32
        %dma_wait3A_608 = tpu.memref_slice %arg9[%sub3A_598, %dma_wait3A_605, %dma_wait3A_606, %dma_wait3A_607] : memref<2x8x128x16xf32, #tpu.memory_space<vmem>> -> memref<1x1x128x16xf32, #tpu.memory_space<vmem>>
        %dma_wait3A_609 = tpu.memref_squeeze %dma_wait3A_608 : memref<1x1x128x16xf32, #tpu.memory_space<vmem>> -> memref<128x16xf32, #tpu.memory_space<vmem>>
        %dma_wait3A_610 = arith.constant 0 : i32
        %dma_wait3A_611 = tpu.memref_slice %arg8[%add3A_604, %dma_wait3A_610] : memref<80x128xi32, #tpu.memory_space<vmem>> -> memref<1x128xi32, #tpu.memory_space<vmem>>
        %dma_wait3A_612 = tpu.memref_squeeze %dma_wait3A_611 : memref<1x128xi32, #tpu.memory_space<vmem>> -> memref<128xi32, #tpu.memory_space<vmem>>
        %dma_wait3A_613 = arith.constant 0 : i32
        %dma_wait3A_614 = arith.constant 0 : i32
        %dma_wait3A_615 = tpu.memref_slice %arg10[%dma_wait3A_613, %dma_wait3A_614] : memref<10240x16xf32, #tpu.memory_space<vmem_shared>> -> memref<10240x16xf32, #tpu.memory_space<vmem_shared>>
        tpu.wait_indirect_dma semaphore(%arg12 : memref<!tpu.dma_semaphore, #tpu.memory_space<semaphore_mem>>) src(%dma_wait3A_609 : memref<128x16xf32, #tpu.memory_space<vmem>>) dst(%dma_wait3A_615 : memref<10240x16xf32, #tpu.memory_space<vmem_shared>>)
        %sub3A_616 = arith.constant 1 : i32
        %sub3A_617 = arith.subi %sub3A_616, %select_n3A_234 : i32
        %sub3A_618 = arith.constant 1 : i32
        %sub3A_619 = arith.subi %scan3A_225, %sub3A_618 : i32
        %mul3A_620 = arith.constant 8 : i32
        %mul3A_621 = arith.muli %sub3A_619, %mul3A_620 : i32
        %add3A_622 = arith.constant 7 : i32
        %add3A_623 = arith.addi %mul3A_621, %add3A_622 : i32
        %dma_wait3A_624 = arith.constant 7 : i32
        %dma_wait3A_625 = arith.constant 0 : i32
        %dma_wait3A_626 = arith.constant 0 : i32
        %dma_wait3A_627 = tpu.memref_slice %arg9[%sub3A_617, %dma_wait3A_624, %dma_wait3A_625, %dma_wait3A_626] : memref<2x8x128x16xf32, #tpu.memory_space<vmem>> -> memref<1x1x128x16xf32, #tpu.memory_space<vmem>>
        %dma_wait3A_628 = tpu.memref_squeeze %dma_wait3A_627 : memref<1x1x128x16xf32, #tpu.memory_space<vmem>> -> memref<128x16xf32, #tpu.memory_space<vmem>>
        %dma_wait3A_629 = arith.constant 0 : i32
        %dma_wait3A_630 = tpu.memref_slice %arg8[%add3A_623, %dma_wait3A_629] : memref<80x128xi32, #tpu.memory_space<vmem>> -> memref<1x128xi32, #tpu.memory_space<vmem>>
        %dma_wait3A_631 = tpu.memref_squeeze %dma_wait3A_630 : memref<1x128xi32, #tpu.memory_space<vmem>> -> memref<128xi32, #tpu.memory_space<vmem>>
        %dma_wait3A_632 = arith.constant 0 : i32
        %dma_wait3A_633 = arith.constant 0 : i32
        %dma_wait3A_634 = tpu.memref_slice %arg10[%dma_wait3A_632, %dma_wait3A_633] : memref<10240x16xf32, #tpu.memory_space<vmem_shared>> -> memref<10240x16xf32, #tpu.memory_space<vmem_shared>>
        tpu.wait_indirect_dma semaphore(%arg12 : memref<!tpu.dma_semaphore, #tpu.memory_space<semaphore_mem>>) src(%dma_wait3A_628 : memref<128x16xf32, #tpu.memory_space<vmem>>) dst(%dma_wait3A_634 : memref<10240x16xf32, #tpu.memory_space<vmem_shared>>)
      } else {
      }
      %add3A_357 = arith.constant 1 : i32
      %add3A_358 = arith.addi %scan3A_225, %add3A_357 : i32
      %lt3A_359 = arith.constant 10 : i32
      %lt3A_360 = arith.cmpi slt, %add3A_358, %lt3A_359 : i32
      %convert_element_type3A_361 = arith.extui %lt3A_360 : i1 to i32
      %cond3A_362 = arith.constant 0 : i32
      %cond3A_363 = arith.cmpi ne, %convert_element_type3A_361, %cond3A_362 : i32
      scf.if %cond3A_363 {
        %add3A_484 = arith.constant 1 : i32
        %add3A_485 = arith.addi %scan3A_225, %add3A_484 : i32
        %mul3A_486 = arith.constant 8 : i32
        %mul3A_487 = arith.muli %add3A_485, %mul3A_486 : i32
        %add3A_488 = arith.constant 0 : i32
        %add3A_489 = arith.addi %mul3A_487, %add3A_488 : i32
        %sub3A = arith.constant 1 : i32
        %sub3A_490 = arith.subi %sub3A, %select_n3A_234 : i32
        %dma_start3A_491 = arith.constant 0 : i32
        %dma_start3A_492 = arith.constant 0 : i32
        %dma_start3A_493 = arith.constant 0 : i32
        %dma_start3A_494 = tpu.memref_slice %arg9[%sub3A_490, %dma_start3A_491, %dma_start3A_492, %dma_start3A_493] : memref<2x8x128x16xf32, #tpu.memory_space<vmem>> -> memref<1x1x128x16xf32, #tpu.memory_space<vmem>>
        %dma_start3A_495 = tpu.memref_squeeze %dma_start3A_494 : memref<1x1x128x16xf32, #tpu.memory_space<vmem>> -> memref<128x16xf32, #tpu.memory_space<vmem>>
        %dma_start3A_496 = arith.constant 0 : i32
        %dma_start3A_497 = tpu.memref_slice %arg7[%add3A_489, %dma_start3A_496] : memref<80x128xi32, #tpu.memory_space<vmem>> -> memref<1x128xi32, #tpu.memory_space<vmem>>
        %dma_start3A_498 = tpu.memref_squeeze %dma_start3A_497 : memref<1x128xi32, #tpu.memory_space<vmem>> -> memref<128xi32, #tpu.memory_space<vmem>>
        %dma_start3A_499 = arith.constant 0 : i32
        %dma_start3A_500 = arith.constant 0 : i32
        %dma_start3A_501 = tpu.memref_slice %arg2[%dma_start3A_499, %dma_start3A_500] : memref<10000x16xf32, #tpu.memory_space<hbm>> -> memref<10000x16xf32, #tpu.memory_space<hbm>>
        tpu.enqueue_indirect_dma source(%dma_start3A_501 : memref<10000x16xf32, #tpu.memory_space<hbm>>) target(%dma_start3A_495 : memref<128x16xf32, #tpu.memory_space<vmem>>) offsets(%dma_start3A_498 : memref<128xi32, #tpu.memory_space<vmem>>) semaphore(%arg11 : memref<!tpu.dma_semaphore, #tpu.memory_space<semaphore_mem>>)
        %add3A_502 = arith.constant 1 : i32
        %add3A_503 = arith.addi %scan3A_225, %add3A_502 : i32
        %mul3A_504 = arith.constant 8 : i32
        %mul3A_505 = arith.muli %add3A_503, %mul3A_504 : i32
        %add3A_506 = arith.constant 1 : i32
        %add3A_507 = arith.addi %mul3A_505, %add3A_506 : i32
        %sub3A_508 = arith.constant 1 : i32
        %sub3A_509 = arith.subi %sub3A_508, %select_n3A_234 : i32
        %dma_start3A_510 = arith.constant 1 : i32
        %dma_start3A_511 = arith.constant 0 : i32
        %dma_start3A_512 = arith.constant 0 : i32
        %dma_start3A_513 = tpu.memref_slice %arg9[%sub3A_509, %dma_start3A_510, %dma_start3A_511, %dma_start3A_512] : memref<2x8x128x16xf32, #tpu.memory_space<vmem>> -> memref<1x1x128x16xf32, #tpu.memory_space<vmem>>
        %dma_start3A_514 = tpu.memref_squeeze %dma_start3A_513 : memref<1x1x128x16xf32, #tpu.memory_space<vmem>> -> memref<128x16xf32, #tpu.memory_space<vmem>>
        %dma_start3A_515 = arith.constant 0 : i32
        %dma_start3A_516 = tpu.memref_slice %arg7[%add3A_507, %dma_start3A_515] : memref<80x128xi32, #tpu.memory_space<vmem>> -> memref<1x128xi32, #tpu.memory_space<vmem>>
        %dma_start3A_517 = tpu.memref_squeeze %dma_start3A_516 : memref<1x128xi32, #tpu.memory_space<vmem>> -> memref<128xi32, #tpu.memory_space<vmem>>
        %dma_start3A_518 = arith.constant 0 : i32
        %dma_start3A_519 = arith.constant 0 : i32
        %dma_start3A_520 = tpu.memref_slice %arg2[%dma_start3A_518, %dma_start3A_519] : memref<10000x16xf32, #tpu.memory_space<hbm>> -> memref<10000x16xf32, #tpu.memory_space<hbm>>
        tpu.enqueue_indirect_dma source(%dma_start3A_520 : memref<10000x16xf32, #tpu.memory_space<hbm>>) target(%dma_start3A_514 : memref<128x16xf32, #tpu.memory_space<vmem>>) offsets(%dma_start3A_517 : memref<128xi32, #tpu.memory_space<vmem>>) semaphore(%arg11 : memref<!tpu.dma_semaphore, #tpu.memory_space<semaphore_mem>>)
        %add3A_521 = arith.constant 1 : i32
        %add3A_522 = arith.addi %scan3A_225, %add3A_521 : i32
        %mul3A_523 = arith.constant 8 : i32
        %mul3A_524 = arith.muli %add3A_522, %mul3A_523 : i32
        %add3A_525 = arith.constant 2 : i32
        %add3A_526 = arith.addi %mul3A_524, %add3A_525 : i32
        %sub3A_527 = arith.constant 1 : i32
        %sub3A_528 = arith.subi %sub3A_527, %select_n3A_234 : i32
        %dma_start3A_529 = arith.constant 2 : i32
        %dma_start3A_530 = arith.constant 0 : i32
        %dma_start3A_531 = arith.constant 0 : i32
        %dma_start3A_532 = tpu.memref_slice %arg9[%sub3A_528, %dma_start3A_529, %dma_start3A_530, %dma_start3A_531] : memref<2x8x128x16xf32, #tpu.memory_space<vmem>> -> memref<1x1x128x16xf32, #tpu.memory_space<vmem>>
        %dma_start3A_533 = tpu.memref_squeeze %dma_start3A_532 : memref<1x1x128x16xf32, #tpu.memory_space<vmem>> -> memref<128x16xf32, #tpu.memory_space<vmem>>
        %dma_start3A_534 = arith.constant 0 : i32
        %dma_start3A_535 = tpu.memref_slice %arg7[%add3A_526, %dma_start3A_534] : memref<80x128xi32, #tpu.memory_space<vmem>> -> memref<1x128xi32, #tpu.memory_space<vmem>>
        %dma_start3A_536 = tpu.memref_squeeze %dma_start3A_535 : memref<1x128xi32, #tpu.memory_space<vmem>> -> memref<128xi32, #tpu.memory_space<vmem>>
        %dma_start3A_537 = arith.constant 0 : i32
        %dma_start3A_538 = arith.constant 0 : i32
        %dma_start3A_539 = tpu.memref_slice %arg2[%dma_start3A_537, %dma_start3A_538] : memref<10000x16xf32, #tpu.memory_space<hbm>> -> memref<10000x16xf32, #tpu.memory_space<hbm>>
        tpu.enqueue_indirect_dma source(%dma_start3A_539 : memref<10000x16xf32, #tpu.memory_space<hbm>>) target(%dma_start3A_533 : memref<128x16xf32, #tpu.memory_space<vmem>>) offsets(%dma_start3A_536 : memref<128xi32, #tpu.memory_space<vmem>>) semaphore(%arg11 : memref<!tpu.dma_semaphore, #tpu.memory_space<semaphore_mem>>)
        %add3A_540 = arith.constant 1 : i32
        %add3A_541 = arith.addi %scan3A_225, %add3A_540 : i32
        %mul3A_542 = arith.constant 8 : i32
        %mul3A_543 = arith.muli %add3A_541, %mul3A_542 : i32
        %add3A_544 = arith.constant 3 : i32
        %add3A_545 = arith.addi %mul3A_543, %add3A_544 : i32
        %sub3A_546 = arith.constant 1 : i32
        %sub3A_547 = arith.subi %sub3A_546, %select_n3A_234 : i32
        %dma_start3A_548 = arith.constant 3 : i32
        %dma_start3A_549 = arith.constant 0 : i32
        %dma_start3A_550 = arith.constant 0 : i32
        %dma_start3A_551 = tpu.memref_slice %arg9[%sub3A_547, %dma_start3A_548, %dma_start3A_549, %dma_start3A_550] : memref<2x8x128x16xf32, #tpu.memory_space<vmem>> -> memref<1x1x128x16xf32, #tpu.memory_space<vmem>>
        %dma_start3A_552 = tpu.memref_squeeze %dma_start3A_551 : memref<1x1x128x16xf32, #tpu.memory_space<vmem>> -> memref<128x16xf32, #tpu.memory_space<vmem>>
        %dma_start3A_553 = arith.constant 0 : i32
        %dma_start3A_554 = tpu.memref_slice %arg7[%add3A_545, %dma_start3A_553] : memref<80x128xi32, #tpu.memory_space<vmem>> -> memref<1x128xi32, #tpu.memory_space<vmem>>
        %dma_start3A_555 = tpu.memref_squeeze %dma_start3A_554 : memref<1x128xi32, #tpu.memory_space<vmem>> -> memref<128xi32, #tpu.memory_space<vmem>>
        %dma_start3A_556 = arith.constant 0 : i32
        %dma_start3A_557 = arith.constant 0 : i32
        %dma_start3A_558 = tpu.memref_slice %arg2[%dma_start3A_556, %dma_start3A_557] : memref<10000x16xf32, #tpu.memory_space<hbm>> -> memref<10000x16xf32, #tpu.memory_space<hbm>>
        tpu.enqueue_indirect_dma source(%dma_start3A_558 : memref<10000x16xf32, #tpu.memory_space<hbm>>) target(%dma_start3A_552 : memref<128x16xf32, #tpu.memory_space<vmem>>) offsets(%dma_start3A_555 : memref<128xi32, #tpu.memory_space<vmem>>) semaphore(%arg11 : memref<!tpu.dma_semaphore, #tpu.memory_space<semaphore_mem>>)
        %add3A_559 = arith.constant 1 : i32
        %add3A_560 = arith.addi %scan3A_225, %add3A_559 : i32
        %mul3A_561 = arith.constant 8 : i32
        %mul3A_562 = arith.muli %add3A_560, %mul3A_561 : i32
        %add3A_563 = arith.constant 4 : i32
        %add3A_564 = arith.addi %mul3A_562, %add3A_563 : i32
        %sub3A_565 = arith.constant 1 : i32
        %sub3A_566 = arith.subi %sub3A_565, %select_n3A_234 : i32
        %dma_start3A_567 = arith.constant 4 : i32
        %dma_start3A_568 = arith.constant 0 : i32
        %dma_start3A_569 = arith.constant 0 : i32
        %dma_start3A_570 = tpu.memref_slice %arg9[%sub3A_566, %dma_start3A_567, %dma_start3A_568, %dma_start3A_569] : memref<2x8x128x16xf32, #tpu.memory_space<vmem>> -> memref<1x1x128x16xf32, #tpu.memory_space<vmem>>
        %dma_start3A_571 = tpu.memref_squeeze %dma_start3A_570 : memref<1x1x128x16xf32, #tpu.memory_space<vmem>> -> memref<128x16xf32, #tpu.memory_space<vmem>>
        %dma_start3A_572 = arith.constant 0 : i32
        %dma_start3A_573 = tpu.memref_slice %arg7[%add3A_564, %dma_start3A_572] : memref<80x128xi32, #tpu.memory_space<vmem>> -> memref<1x128xi32, #tpu.memory_space<vmem>>
        %dma_start3A_574 = tpu.memref_squeeze %dma_start3A_573 : memref<1x128xi32, #tpu.memory_space<vmem>> -> memref<128xi32, #tpu.memory_space<vmem>>
        %dma_start3A_575 = arith.constant 0 : i32
        %dma_start3A_576 = arith.constant 0 : i32
        %dma_start3A_577 = tpu.memref_slice %arg2[%dma_start3A_575, %dma_start3A_576] : memref<10000x16xf32, #tpu.memory_space<hbm>> -> memref<10000x16xf32, #tpu.memory_space<hbm>>
        tpu.enqueue_indirect_dma source(%dma_start3A_577 : memref<10000x16xf32, #tpu.memory_space<hbm>>) target(%dma_start3A_571 : memref<128x16xf32, #tpu.memory_space<vmem>>) offsets(%dma_start3A_574 : memref<128xi32, #tpu.memory_space<vmem>>) semaphore(%arg11 : memref<!tpu.dma_semaphore, #tpu.memory_space<semaphore_mem>>)
        %add3A_578 = arith.constant 1 : i32
        %add3A_579 = arith.addi %scan3A_225, %add3A_578 : i32
        %mul3A_580 = arith.constant 8 : i32
        %mul3A_581 = arith.muli %add3A_579, %mul3A_580 : i32
        %add3A_582 = arith.constant 5 : i32
        %add3A_583 = arith.addi %mul3A_581, %add3A_582 : i32
        %sub3A_584 = arith.constant 1 : i32
        %sub3A_585 = arith.subi %sub3A_584, %select_n3A_234 : i32
        %dma_start3A_586 = arith.constant 5 : i32
        %dma_start3A_587 = arith.constant 0 : i32
        %dma_start3A_588 = arith.constant 0 : i32
        %dma_start3A_589 = tpu.memref_slice %arg9[%sub3A_585, %dma_start3A_586, %dma_start3A_587, %dma_start3A_588] : memref<2x8x128x16xf32, #tpu.memory_space<vmem>> -> memref<1x1x128x16xf32, #tpu.memory_space<vmem>>
        %dma_start3A_590 = tpu.memref_squeeze %dma_start3A_589 : memref<1x1x128x16xf32, #tpu.memory_space<vmem>> -> memref<128x16xf32, #tpu.memory_space<vmem>>
        %dma_start3A_591 = arith.constant 0 : i32
        %dma_start3A_592 = tpu.memref_slice %arg7[%add3A_583, %dma_start3A_591] : memref<80x128xi32, #tpu.memory_space<vmem>> -> memref<1x128xi32, #tpu.memory_space<vmem>>
        %dma_start3A_593 = tpu.memref_squeeze %dma_start3A_592 : memref<1x128xi32, #tpu.memory_space<vmem>> -> memref<128xi32, #tpu.memory_space<vmem>>
        %dma_start3A_594 = arith.constant 0 : i32
        %dma_start3A_595 = arith.constant 0 : i32
        %dma_start3A_596 = tpu.memref_slice %arg2[%dma_start3A_594, %dma_start3A_595] : memref<10000x16xf32, #tpu.memory_space<hbm>> -> memref<10000x16xf32, #tpu.memory_space<hbm>>
        tpu.enqueue_indirect_dma source(%dma_start3A_596 : memref<10000x16xf32, #tpu.memory_space<hbm>>) target(%dma_start3A_590 : memref<128x16xf32, #tpu.memory_space<vmem>>) offsets(%dma_start3A_593 : memref<128xi32, #tpu.memory_space<vmem>>) semaphore(%arg11 : memref<!tpu.dma_semaphore, #tpu.memory_space<semaphore_mem>>)
        %add3A_597 = arith.constant 1 : i32
        %add3A_598 = arith.addi %scan3A_225, %add3A_597 : i32
        %mul3A_599 = arith.constant 8 : i32
        %mul3A_600 = arith.muli %add3A_598, %mul3A_599 : i32
        %add3A_601 = arith.constant 6 : i32
        %add3A_602 = arith.addi %mul3A_600, %add3A_601 : i32
        %sub3A_603 = arith.constant 1 : i32
        %sub3A_604 = arith.subi %sub3A_603, %select_n3A_234 : i32
        %dma_start3A_605 = arith.constant 6 : i32
        %dma_start3A_606 = arith.constant 0 : i32
        %dma_start3A_607 = arith.constant 0 : i32
        %dma_start3A_608 = tpu.memref_slice %arg9[%sub3A_604, %dma_start3A_605, %dma_start3A_606, %dma_start3A_607] : memref<2x8x128x16xf32, #tpu.memory_space<vmem>> -> memref<1x1x128x16xf32, #tpu.memory_space<vmem>>
        %dma_start3A_609 = tpu.memref_squeeze %dma_start3A_608 : memref<1x1x128x16xf32, #tpu.memory_space<vmem>> -> memref<128x16xf32, #tpu.memory_space<vmem>>
        %dma_start3A_610 = arith.constant 0 : i32
        %dma_start3A_611 = tpu.memref_slice %arg7[%add3A_602, %dma_start3A_610] : memref<80x128xi32, #tpu.memory_space<vmem>> -> memref<1x128xi32, #tpu.memory_space<vmem>>
        %dma_start3A_612 = tpu.memref_squeeze %dma_start3A_611 : memref<1x128xi32, #tpu.memory_space<vmem>> -> memref<128xi32, #tpu.memory_space<vmem>>
        %dma_start3A_613 = arith.constant 0 : i32
        %dma_start3A_614 = arith.constant 0 : i32
        %dma_start3A_615 = tpu.memref_slice %arg2[%dma_start3A_613, %dma_start3A_614] : memref<10000x16xf32, #tpu.memory_space<hbm>> -> memref<10000x16xf32, #tpu.memory_space<hbm>>
        tpu.enqueue_indirect_dma source(%dma_start3A_615 : memref<10000x16xf32, #tpu.memory_space<hbm>>) target(%dma_start3A_609 : memref<128x16xf32, #tpu.memory_space<vmem>>) offsets(%dma_start3A_612 : memref<128xi32, #tpu.memory_space<vmem>>) semaphore(%arg11 : memref<!tpu.dma_semaphore, #tpu.memory_space<semaphore_mem>>)
        %add3A_616 = arith.constant 1 : i32
        %add3A_617 = arith.addi %scan3A_225, %add3A_616 : i32
        %mul3A_618 = arith.constant 8 : i32
        %mul3A_619 = arith.muli %add3A_617, %mul3A_618 : i32
        %add3A_620 = arith.constant 7 : i32
        %add3A_621 = arith.addi %mul3A_619, %add3A_620 : i32
        %sub3A_622 = arith.constant 1 : i32
        %sub3A_623 = arith.subi %sub3A_622, %select_n3A_234 : i32
        %dma_start3A_624 = arith.constant 7 : i32
        %dma_start3A_625 = arith.constant 0 : i32
        %dma_start3A_626 = arith.constant 0 : i32
        %dma_start3A_627 = tpu.memref_slice %arg9[%sub3A_623, %dma_start3A_624, %dma_start3A_625, %dma_start3A_626] : memref<2x8x128x16xf32, #tpu.memory_space<vmem>> -> memref<1x1x128x16xf32, #tpu.memory_space<vmem>>
        %dma_start3A_628 = tpu.memref_squeeze %dma_start3A_627 : memref<1x1x128x16xf32, #tpu.memory_space<vmem>> -> memref<128x16xf32, #tpu.memory_space<vmem>>
        %dma_start3A_629 = arith.constant 0 : i32
        %dma_start3A_630 = tpu.memref_slice %arg7[%add3A_621, %dma_start3A_629] : memref<80x128xi32, #tpu.memory_space<vmem>> -> memref<1x128xi32, #tpu.memory_space<vmem>>
        %dma_start3A_631 = tpu.memref_squeeze %dma_start3A_630 : memref<1x128xi32, #tpu.memory_space<vmem>> -> memref<128xi32, #tpu.memory_space<vmem>>
        %dma_start3A_632 = arith.constant 0 : i32
        %dma_start3A_633 = arith.constant 0 : i32
        %dma_start3A_634 = tpu.memref_slice %arg2[%dma_start3A_632, %dma_start3A_633] : memref<10000x16xf32, #tpu.memory_space<hbm>> -> memref<10000x16xf32, #tpu.memory_space<hbm>>
        tpu.enqueue_indirect_dma source(%dma_start3A_634 : memref<10000x16xf32, #tpu.memory_space<hbm>>) target(%dma_start3A_628 : memref<128x16xf32, #tpu.memory_space<vmem>>) offsets(%dma_start3A_631 : memref<128xi32, #tpu.memory_space<vmem>>) semaphore(%arg11 : memref<!tpu.dma_semaphore, #tpu.memory_space<semaphore_mem>>)
      } else {
      }
      %mul3A_364 = arith.constant 8 : i32
      %mul3A_365 = arith.muli %scan3A_225, %mul3A_364 : i32
      %add3A_366 = arith.constant 0 : i32
      %add3A_367 = arith.addi %mul3A_365, %add3A_366 : i32
      %dma_start3A_368 = arith.constant 0 : i32
      %dma_start3A_369 = arith.constant 0 : i32
      %dma_start3A_370 = arith.constant 0 : i32
      %dma_start3A_371 = tpu.memref_slice %arg9[%select_n3A_234, %dma_start3A_368, %dma_start3A_369, %dma_start3A_370] : memref<2x8x128x16xf32, #tpu.memory_space<vmem>> -> memref<1x1x128x16xf32, #tpu.memory_space<vmem>>
      %dma_start3A_372 = tpu.memref_squeeze %dma_start3A_371 : memref<1x1x128x16xf32, #tpu.memory_space<vmem>> -> memref<128x16xf32, #tpu.memory_space<vmem>>
      %dma_start3A_373 = arith.constant 0 : i32
      %dma_start3A_374 = tpu.memref_slice %arg8[%add3A_367, %dma_start3A_373] : memref<80x128xi32, #tpu.memory_space<vmem>> -> memref<1x128xi32, #tpu.memory_space<vmem>>
      %dma_start3A_375 = tpu.memref_squeeze %dma_start3A_374 : memref<1x128xi32, #tpu.memory_space<vmem>> -> memref<128xi32, #tpu.memory_space<vmem>>
      %dma_start3A_376 = arith.constant 0 : i32
      %dma_start3A_377 = arith.constant 0 : i32
      %dma_start3A_378 = tpu.memref_slice %arg10[%dma_start3A_376, %dma_start3A_377] : memref<10240x16xf32, #tpu.memory_space<vmem_shared>> -> memref<10240x16xf32, #tpu.memory_space<vmem_shared>>
      tpu.enqueue_indirect_dma source(%dma_start3A_372 : memref<128x16xf32, #tpu.memory_space<vmem>>) target(%dma_start3A_378 : memref<10240x16xf32, #tpu.memory_space<vmem_shared>>) offsets(%dma_start3A_375 : memref<128xi32, #tpu.memory_space<vmem>>) semaphore(%arg12 : memref<!tpu.dma_semaphore, #tpu.memory_space<semaphore_mem>>) {add = true}
      %mul3A_379 = arith.constant 8 : i32
      %mul3A_380 = arith.muli %scan3A_225, %mul3A_379 : i32
      %add3A_381 = arith.constant 1 : i32
      %add3A_382 = arith.addi %mul3A_380, %add3A_381 : i32
      %dma_start3A_383 = arith.constant 1 : i32
      %dma_start3A_384 = arith.constant 0 : i32
      %dma_start3A_385 = arith.constant 0 : i32
      %dma_start3A_386 = tpu.memref_slice %arg9[%select_n3A_234, %dma_start3A_383, %dma_start3A_384, %dma_start3A_385] : memref<2x8x128x16xf32, #tpu.memory_space<vmem>> -> memref<1x1x128x16xf32, #tpu.memory_space<vmem>>
      %dma_start3A_387 = tpu.memref_squeeze %dma_start3A_386 : memref<1x1x128x16xf32, #tpu.memory_space<vmem>> -> memref<128x16xf32, #tpu.memory_space<vmem>>
      %dma_start3A_388 = arith.constant 0 : i32
      %dma_start3A_389 = tpu.memref_slice %arg8[%add3A_382, %dma_start3A_388] : memref<80x128xi32, #tpu.memory_space<vmem>> -> memref<1x128xi32, #tpu.memory_space<vmem>>
      %dma_start3A_390 = tpu.memref_squeeze %dma_start3A_389 : memref<1x128xi32, #tpu.memory_space<vmem>> -> memref<128xi32, #tpu.memory_space<vmem>>
      %dma_start3A_391 = arith.constant 0 : i32
      %dma_start3A_392 = arith.constant 0 : i32
      %dma_start3A_393 = tpu.memref_slice %arg10[%dma_start3A_391, %dma_start3A_392] : memref<10240x16xf32, #tpu.memory_space<vmem_shared>> -> memref<10240x16xf32, #tpu.memory_space<vmem_shared>>
      tpu.enqueue_indirect_dma source(%dma_start3A_387 : memref<128x16xf32, #tpu.memory_space<vmem>>) target(%dma_start3A_393 : memref<10240x16xf32, #tpu.memory_space<vmem_shared>>) offsets(%dma_start3A_390 : memref<128xi32, #tpu.memory_space<vmem>>) semaphore(%arg12 : memref<!tpu.dma_semaphore, #tpu.memory_space<semaphore_mem>>) {add = true}
      %mul3A_394 = arith.constant 8 : i32
      %mul3A_395 = arith.muli %scan3A_225, %mul3A_394 : i32
      %add3A_396 = arith.constant 2 : i32
      %add3A_397 = arith.addi %mul3A_395, %add3A_396 : i32
      %dma_start3A_398 = arith.constant 2 : i32
      %dma_start3A_399 = arith.constant 0 : i32
      %dma_start3A_400 = arith.constant 0 : i32
      %dma_start3A_401 = tpu.memref_slice %arg9[%select_n3A_234, %dma_start3A_398, %dma_start3A_399, %dma_start3A_400] : memref<2x8x128x16xf32, #tpu.memory_space<vmem>> -> memref<1x1x128x16xf32, #tpu.memory_space<vmem>>
      %dma_start3A_402 = tpu.memref_squeeze %dma_start3A_401 : memref<1x1x128x16xf32, #tpu.memory_space<vmem>> -> memref<128x16xf32, #tpu.memory_space<vmem>>
      %dma_start3A_403 = arith.constant 0 : i32
      %dma_start3A_404 = tpu.memref_slice %arg8[%add3A_397, %dma_start3A_403] : memref<80x128xi32, #tpu.memory_space<vmem>> -> memref<1x128xi32, #tpu.memory_space<vmem>>
      %dma_start3A_405 = tpu.memref_squeeze %dma_start3A_404 : memref<1x128xi32, #tpu.memory_space<vmem>> -> memref<128xi32, #tpu.memory_space<vmem>>
      %dma_start3A_406 = arith.constant 0 : i32
      %dma_start3A_407 = arith.constant 0 : i32
      %dma_start3A_408 = tpu.memref_slice %arg10[%dma_start3A_406, %dma_start3A_407] : memref<10240x16xf32, #tpu.memory_space<vmem_shared>> -> memref<10240x16xf32, #tpu.memory_space<vmem_shared>>
      tpu.enqueue_indirect_dma source(%dma_start3A_402 : memref<128x16xf32, #tpu.memory_space<vmem>>) target(%dma_start3A_408 : memref<10240x16xf32, #tpu.memory_space<vmem_shared>>) offsets(%dma_start3A_405 : memref<128xi32, #tpu.memory_space<vmem>>) semaphore(%arg12 : memref<!tpu.dma_semaphore, #tpu.memory_space<semaphore_mem>>) {add = true}
      %mul3A_409 = arith.constant 8 : i32
      %mul3A_410 = arith.muli %scan3A_225, %mul3A_409 : i32
      %add3A_411 = arith.constant 3 : i32
      %add3A_412 = arith.addi %mul3A_410, %add3A_411 : i32
      %dma_start3A_413 = arith.constant 3 : i32
      %dma_start3A_414 = arith.constant 0 : i32
      %dma_start3A_415 = arith.constant 0 : i32
      %dma_start3A_416 = tpu.memref_slice %arg9[%select_n3A_234, %dma_start3A_413, %dma_start3A_414, %dma_start3A_415] : memref<2x8x128x16xf32, #tpu.memory_space<vmem>> -> memref<1x1x128x16xf32, #tpu.memory_space<vmem>>
      %dma_start3A_417 = tpu.memref_squeeze %dma_start3A_416 : memref<1x1x128x16xf32, #tpu.memory_space<vmem>> -> memref<128x16xf32, #tpu.memory_space<vmem>>
      %dma_start3A_418 = arith.constant 0 : i32
      %dma_start3A_419 = tpu.memref_slice %arg8[%add3A_412, %dma_start3A_418] : memref<80x128xi32, #tpu.memory_space<vmem>> -> memref<1x128xi32, #tpu.memory_space<vmem>>
      %dma_start3A_420 = tpu.memref_squeeze %dma_start3A_419 : memref<1x128xi32, #tpu.memory_space<vmem>> -> memref<128xi32, #tpu.memory_space<vmem>>
      %dma_start3A_421 = arith.constant 0 : i32
      %dma_start3A_422 = arith.constant 0 : i32
      %dma_start3A_423 = tpu.memref_slice %arg10[%dma_start3A_421, %dma_start3A_422] : memref<10240x16xf32, #tpu.memory_space<vmem_shared>> -> memref<10240x16xf32, #tpu.memory_space<vmem_shared>>
      tpu.enqueue_indirect_dma source(%dma_start3A_417 : memref<128x16xf32, #tpu.memory_space<vmem>>) target(%dma_start3A_423 : memref<10240x16xf32, #tpu.memory_space<vmem_shared>>) offsets(%dma_start3A_420 : memref<128xi32, #tpu.memory_space<vmem>>) semaphore(%arg12 : memref<!tpu.dma_semaphore, #tpu.memory_space<semaphore_mem>>) {add = true}
      %mul3A_424 = arith.constant 8 : i32
      %mul3A_425 = arith.muli %scan3A_225, %mul3A_424 : i32
      %add3A_426 = arith.constant 4 : i32
      %add3A_427 = arith.addi %mul3A_425, %add3A_426 : i32
      %dma_start3A_428 = arith.constant 4 : i32
      %dma_start3A_429 = arith.constant 0 : i32
      %dma_start3A_430 = arith.constant 0 : i32
      %dma_start3A_431 = tpu.memref_slice %arg9[%select_n3A_234, %dma_start3A_428, %dma_start3A_429, %dma_start3A_430] : memref<2x8x128x16xf32, #tpu.memory_space<vmem>> -> memref<1x1x128x16xf32, #tpu.memory_space<vmem>>
      %dma_start3A_432 = tpu.memref_squeeze %dma_start3A_431 : memref<1x1x128x16xf32, #tpu.memory_space<vmem>> -> memref<128x16xf32, #tpu.memory_space<vmem>>
      %dma_start3A_433 = arith.constant 0 : i32
      %dma_start3A_434 = tpu.memref_slice %arg8[%add3A_427, %dma_start3A_433] : memref<80x128xi32, #tpu.memory_space<vmem>> -> memref<1x128xi32, #tpu.memory_space<vmem>>
      %dma_start3A_435 = tpu.memref_squeeze %dma_start3A_434 : memref<1x128xi32, #tpu.memory_space<vmem>> -> memref<128xi32, #tpu.memory_space<vmem>>
      %dma_start3A_436 = arith.constant 0 : i32
      %dma_start3A_437 = arith.constant 0 : i32
      %dma_start3A_438 = tpu.memref_slice %arg10[%dma_start3A_436, %dma_start3A_437] : memref<10240x16xf32, #tpu.memory_space<vmem_shared>> -> memref<10240x16xf32, #tpu.memory_space<vmem_shared>>
      tpu.enqueue_indirect_dma source(%dma_start3A_432 : memref<128x16xf32, #tpu.memory_space<vmem>>) target(%dma_start3A_438 : memref<10240x16xf32, #tpu.memory_space<vmem_shared>>) offsets(%dma_start3A_435 : memref<128xi32, #tpu.memory_space<vmem>>) semaphore(%arg12 : memref<!tpu.dma_semaphore, #tpu.memory_space<semaphore_mem>>) {add = true}
      %mul3A_439 = arith.constant 8 : i32
      %mul3A_440 = arith.muli %scan3A_225, %mul3A_439 : i32
      %add3A_441 = arith.constant 5 : i32
      %add3A_442 = arith.addi %mul3A_440, %add3A_441 : i32
      %dma_start3A_443 = arith.constant 5 : i32
      %dma_start3A_444 = arith.constant 0 : i32
      %dma_start3A_445 = arith.constant 0 : i32
      %dma_start3A_446 = tpu.memref_slice %arg9[%select_n3A_234, %dma_start3A_443, %dma_start3A_444, %dma_start3A_445] : memref<2x8x128x16xf32, #tpu.memory_space<vmem>> -> memref<1x1x128x16xf32, #tpu.memory_space<vmem>>
      %dma_start3A_447 = tpu.memref_squeeze %dma_start3A_446 : memref<1x1x128x16xf32, #tpu.memory_space<vmem>> -> memref<128x16xf32, #tpu.memory_space<vmem>>
      %dma_start3A_448 = arith.constant 0 : i32
      %dma_start3A_449 = tpu.memref_slice %arg8[%add3A_442, %dma_start3A_448] : memref<80x128xi32, #tpu.memory_space<vmem>> -> memref<1x128xi32, #tpu.memory_space<vmem>>
      %dma_start3A_450 = tpu.memref_squeeze %dma_start3A_449 : memref<1x128xi32, #tpu.memory_space<vmem>> -> memref<128xi32, #tpu.memory_space<vmem>>
      %dma_start3A_451 = arith.constant 0 : i32
      %dma_start3A_452 = arith.constant 0 : i32
      %dma_start3A_453 = tpu.memref_slice %arg10[%dma_start3A_451, %dma_start3A_452] : memref<10240x16xf32, #tpu.memory_space<vmem_shared>> -> memref<10240x16xf32, #tpu.memory_space<vmem_shared>>
      tpu.enqueue_indirect_dma source(%dma_start3A_447 : memref<128x16xf32, #tpu.memory_space<vmem>>) target(%dma_start3A_453 : memref<10240x16xf32, #tpu.memory_space<vmem_shared>>) offsets(%dma_start3A_450 : memref<128xi32, #tpu.memory_space<vmem>>) semaphore(%arg12 : memref<!tpu.dma_semaphore, #tpu.memory_space<semaphore_mem>>) {add = true}
      %mul3A_454 = arith.constant 8 : i32
      %mul3A_455 = arith.muli %scan3A_225, %mul3A_454 : i32
      %add3A_456 = arith.constant 6 : i32
      %add3A_457 = arith.addi %mul3A_455, %add3A_456 : i32
      %dma_start3A_458 = arith.constant 6 : i32
      %dma_start3A_459 = arith.constant 0 : i32
      %dma_start3A_460 = arith.constant 0 : i32
      %dma_start3A_461 = tpu.memref_slice %arg9[%select_n3A_234, %dma_start3A_458, %dma_start3A_459, %dma_start3A_460] : memref<2x8x128x16xf32, #tpu.memory_space<vmem>> -> memref<1x1x128x16xf32, #tpu.memory_space<vmem>>
      %dma_start3A_462 = tpu.memref_squeeze %dma_start3A_461 : memref<1x1x128x16xf32, #tpu.memory_space<vmem>> -> memref<128x16xf32, #tpu.memory_space<vmem>>
      %dma_start3A_463 = arith.constant 0 : i32
      %dma_start3A_464 = tpu.memref_slice %arg8[%add3A_457, %dma_start3A_463] : memref<80x128xi32, #tpu.memory_space<vmem>> -> memref<1x128xi32, #tpu.memory_space<vmem>>
      %dma_start3A_465 = tpu.memref_squeeze %dma_start3A_464 : memref<1x128xi32, #tpu.memory_space<vmem>> -> memref<128xi32, #tpu.memory_space<vmem>>
      %dma_start3A_466 = arith.constant 0 : i32
      %dma_start3A_467 = arith.constant 0 : i32
      %dma_start3A_468 = tpu.memref_slice %arg10[%dma_start3A_466, %dma_start3A_467] : memref<10240x16xf32, #tpu.memory_space<vmem_shared>> -> memref<10240x16xf32, #tpu.memory_space<vmem_shared>>
      tpu.enqueue_indirect_dma source(%dma_start3A_462 : memref<128x16xf32, #tpu.memory_space<vmem>>) target(%dma_start3A_468 : memref<10240x16xf32, #tpu.memory_space<vmem_shared>>) offsets(%dma_start3A_465 : memref<128xi32, #tpu.memory_space<vmem>>) semaphore(%arg12 : memref<!tpu.dma_semaphore, #tpu.memory_space<semaphore_mem>>) {add = true}
      %mul3A_469 = arith.constant 8 : i32
      %mul3A_470 = arith.muli %scan3A_225, %mul3A_469 : i32
      %add3A_471 = arith.constant 7 : i32
      %add3A_472 = arith.addi %mul3A_470, %add3A_471 : i32
      %dma_start3A_473 = arith.constant 7 : i32
      %dma_start3A_474 = arith.constant 0 : i32
      %dma_start3A_475 = arith.constant 0 : i32
      %dma_start3A_476 = tpu.memref_slice %arg9[%select_n3A_234, %dma_start3A_473, %dma_start3A_474, %dma_start3A_475] : memref<2x8x128x16xf32, #tpu.memory_space<vmem>> -> memref<1x1x128x16xf32, #tpu.memory_space<vmem>>
      %dma_start3A_477 = tpu.memref_squeeze %dma_start3A_476 : memref<1x1x128x16xf32, #tpu.memory_space<vmem>> -> memref<128x16xf32, #tpu.memory_space<vmem>>
      %dma_start3A_478 = arith.constant 0 : i32
      %dma_start3A_479 = tpu.memref_slice %arg8[%add3A_472, %dma_start3A_478] : memref<80x128xi32, #tpu.memory_space<vmem>> -> memref<1x128xi32, #tpu.memory_space<vmem>>
      %dma_start3A_480 = tpu.memref_squeeze %dma_start3A_479 : memref<1x128xi32, #tpu.memory_space<vmem>> -> memref<128xi32, #tpu.memory_space<vmem>>
      %dma_start3A_481 = arith.constant 0 : i32
      %dma_start3A_482 = arith.constant 0 : i32
      %dma_start3A_483 = tpu.memref_slice %arg10[%dma_start3A_481, %dma_start3A_482] : memref<10240x16xf32, #tpu.memory_space<vmem_shared>> -> memref<10240x16xf32, #tpu.memory_space<vmem_shared>>
      tpu.enqueue_indirect_dma source(%dma_start3A_477 : memref<128x16xf32, #tpu.memory_space<vmem>>) target(%dma_start3A_483 : memref<10240x16xf32, #tpu.memory_space<vmem_shared>>) offsets(%dma_start3A_480 : memref<128xi32, #tpu.memory_space<vmem>>) semaphore(%arg12 : memref<!tpu.dma_semaphore, #tpu.memory_space<semaphore_mem>>) {add = true}
    }
    %scan3A_116 = arith.constant 10 : i32
    %dma_wait3A = arith.constant 1 : i32
    %dma_wait3A_117 = arith.constant 0 : i32
    %dma_wait3A_118 = arith.constant 72 : i32
    %dma_wait3A_119 = arith.constant 0 : i32
    %dma_wait3A_120 = arith.constant 0 : i32
    %dma_wait3A_121 = tpu.memref_slice %arg9[%dma_wait3A, %dma_wait3A_117, %dma_wait3A_119, %dma_wait3A_120] : memref<2x8x128x16xf32, #tpu.memory_space<vmem>> -> memref<1x1x128x16xf32, #tpu.memory_space<vmem>>
    %dma_wait3A_122 = tpu.memref_squeeze %dma_wait3A_121 : memref<1x1x128x16xf32, #tpu.memory_space<vmem>> -> memref<128x16xf32, #tpu.memory_space<vmem>>
    %dma_wait3A_123 = arith.constant 0 : i32
    %dma_wait3A_124 = tpu.memref_slice %arg8[%dma_wait3A_118, %dma_wait3A_123] : memref<80x128xi32, #tpu.memory_space<vmem>> -> memref<1x128xi32, #tpu.memory_space<vmem>>
    %dma_wait3A_125 = tpu.memref_squeeze %dma_wait3A_124 : memref<1x128xi32, #tpu.memory_space<vmem>> -> memref<128xi32, #tpu.memory_space<vmem>>
    %dma_wait3A_126 = arith.constant 0 : i32
    %dma_wait3A_127 = arith.constant 0 : i32
    %dma_wait3A_128 = tpu.memref_slice %arg10[%dma_wait3A_126, %dma_wait3A_127] : memref<10240x16xf32, #tpu.memory_space<vmem_shared>> -> memref<10240x16xf32, #tpu.memory_space<vmem_shared>>
    tpu.wait_indirect_dma semaphore(%arg12 : memref<!tpu.dma_semaphore, #tpu.memory_space<semaphore_mem>>) src(%dma_wait3A_122 : memref<128x16xf32, #tpu.memory_space<vmem>>) dst(%dma_wait3A_128 : memref<10240x16xf32, #tpu.memory_space<vmem_shared>>)
    %dma_wait3A_129 = arith.constant 1 : i32
    %dma_wait3A_130 = arith.constant 1 : i32
    %dma_wait3A_131 = arith.constant 73 : i32
    %dma_wait3A_132 = arith.constant 0 : i32
    %dma_wait3A_133 = arith.constant 0 : i32
    %dma_wait3A_134 = tpu.memref_slice %arg9[%dma_wait3A_129, %dma_wait3A_130, %dma_wait3A_132, %dma_wait3A_133] : memref<2x8x128x16xf32, #tpu.memory_space<vmem>> -> memref<1x1x128x16xf32, #tpu.memory_space<vmem>>
    %dma_wait3A_135 = tpu.memref_squeeze %dma_wait3A_134 : memref<1x1x128x16xf32, #tpu.memory_space<vmem>> -> memref<128x16xf32, #tpu.memory_space<vmem>>
    %dma_wait3A_136 = arith.constant 0 : i32
    %dma_wait3A_137 = tpu.memref_slice %arg8[%dma_wait3A_131, %dma_wait3A_136] : memref<80x128xi32, #tpu.memory_space<vmem>> -> memref<1x128xi32, #tpu.memory_space<vmem>>
    %dma_wait3A_138 = tpu.memref_squeeze %dma_wait3A_137 : memref<1x128xi32, #tpu.memory_space<vmem>> -> memref<128xi32, #tpu.memory_space<vmem>>
    %dma_wait3A_139 = arith.constant 0 : i32
    %dma_wait3A_140 = arith.constant 0 : i32
    %dma_wait3A_141 = tpu.memref_slice %arg10[%dma_wait3A_139, %dma_wait3A_140] : memref<10240x16xf32, #tpu.memory_space<vmem_shared>> -> memref<10240x16xf32, #tpu.memory_space<vmem_shared>>
    tpu.wait_indirect_dma semaphore(%arg12 : memref<!tpu.dma_semaphore, #tpu.memory_space<semaphore_mem>>) src(%dma_wait3A_135 : memref<128x16xf32, #tpu.memory_space<vmem>>) dst(%dma_wait3A_141 : memref<10240x16xf32, #tpu.memory_space<vmem_shared>>)
    %dma_wait3A_142 = arith.constant 1 : i32
    %dma_wait3A_143 = arith.constant 2 : i32
    %dma_wait3A_144 = arith.constant 74 : i32
    %dma_wait3A_145 = arith.constant 0 : i32
    %dma_wait3A_146 = arith.constant 0 : i32
    %dma_wait3A_147 = tpu.memref_slice %arg9[%dma_wait3A_142, %dma_wait3A_143, %dma_wait3A_145, %dma_wait3A_146] : memref<2x8x128x16xf32, #tpu.memory_space<vmem>> -> memref<1x1x128x16xf32, #tpu.memory_space<vmem>>
    %dma_wait3A_148 = tpu.memref_squeeze %dma_wait3A_147 : memref<1x1x128x16xf32, #tpu.memory_space<vmem>> -> memref<128x16xf32, #tpu.memory_space<vmem>>
    %dma_wait3A_149 = arith.constant 0 : i32
    %dma_wait3A_150 = tpu.memref_slice %arg8[%dma_wait3A_144, %dma_wait3A_149] : memref<80x128xi32, #tpu.memory_space<vmem>> -> memref<1x128xi32, #tpu.memory_space<vmem>>
    %dma_wait3A_151 = tpu.memref_squeeze %dma_wait3A_150 : memref<1x128xi32, #tpu.memory_space<vmem>> -> memref<128xi32, #tpu.memory_space<vmem>>
    %dma_wait3A_152 = arith.constant 0 : i32
    %dma_wait3A_153 = arith.constant 0 : i32
    %dma_wait3A_154 = tpu.memref_slice %arg10[%dma_wait3A_152, %dma_wait3A_153] : memref<10240x16xf32, #tpu.memory_space<vmem_shared>> -> memref<10240x16xf32, #tpu.memory_space<vmem_shared>>
    tpu.wait_indirect_dma semaphore(%arg12 : memref<!tpu.dma_semaphore, #tpu.memory_space<semaphore_mem>>) src(%dma_wait3A_148 : memref<128x16xf32, #tpu.memory_space<vmem>>) dst(%dma_wait3A_154 : memref<10240x16xf32, #tpu.memory_space<vmem_shared>>)
    %dma_wait3A_155 = arith.constant 1 : i32
    %dma_wait3A_156 = arith.constant 3 : i32
    %dma_wait3A_157 = arith.constant 75 : i32
    %dma_wait3A_158 = arith.constant 0 : i32
    %dma_wait3A_159 = arith.constant 0 : i32
    %dma_wait3A_160 = tpu.memref_slice %arg9[%dma_wait3A_155, %dma_wait3A_156, %dma_wait3A_158, %dma_wait3A_159] : memref<2x8x128x16xf32, #tpu.memory_space<vmem>> -> memref<1x1x128x16xf32, #tpu.memory_space<vmem>>
    %dma_wait3A_161 = tpu.memref_squeeze %dma_wait3A_160 : memref<1x1x128x16xf32, #tpu.memory_space<vmem>> -> memref<128x16xf32, #tpu.memory_space<vmem>>
    %dma_wait3A_162 = arith.constant 0 : i32
    %dma_wait3A_163 = tpu.memref_slice %arg8[%dma_wait3A_157, %dma_wait3A_162] : memref<80x128xi32, #tpu.memory_space<vmem>> -> memref<1x128xi32, #tpu.memory_space<vmem>>
    %dma_wait3A_164 = tpu.memref_squeeze %dma_wait3A_163 : memref<1x128xi32, #tpu.memory_space<vmem>> -> memref<128xi32, #tpu.memory_space<vmem>>
    %dma_wait3A_165 = arith.constant 0 : i32
    %dma_wait3A_166 = arith.constant 0 : i32
    %dma_wait3A_167 = tpu.memref_slice %arg10[%dma_wait3A_165, %dma_wait3A_166] : memref<10240x16xf32, #tpu.memory_space<vmem_shared>> -> memref<10240x16xf32, #tpu.memory_space<vmem_shared>>
    tpu.wait_indirect_dma semaphore(%arg12 : memref<!tpu.dma_semaphore, #tpu.memory_space<semaphore_mem>>) src(%dma_wait3A_161 : memref<128x16xf32, #tpu.memory_space<vmem>>) dst(%dma_wait3A_167 : memref<10240x16xf32, #tpu.memory_space<vmem_shared>>)
    %dma_wait3A_168 = arith.constant 1 : i32
    %dma_wait3A_169 = arith.constant 4 : i32
    %dma_wait3A_170 = arith.constant 76 : i32
    %dma_wait3A_171 = arith.constant 0 : i32
    %dma_wait3A_172 = arith.constant 0 : i32
    %dma_wait3A_173 = tpu.memref_slice %arg9[%dma_wait3A_168, %dma_wait3A_169, %dma_wait3A_171, %dma_wait3A_172] : memref<2x8x128x16xf32, #tpu.memory_space<vmem>> -> memref<1x1x128x16xf32, #tpu.memory_space<vmem>>
    %dma_wait3A_174 = tpu.memref_squeeze %dma_wait3A_173 : memref<1x1x128x16xf32, #tpu.memory_space<vmem>> -> memref<128x16xf32, #tpu.memory_space<vmem>>
    %dma_wait3A_175 = arith.constant 0 : i32
    %dma_wait3A_176 = tpu.memref_slice %arg8[%dma_wait3A_170, %dma_wait3A_175] : memref<80x128xi32, #tpu.memory_space<vmem>> -> memref<1x128xi32, #tpu.memory_space<vmem>>
    %dma_wait3A_177 = tpu.memref_squeeze %dma_wait3A_176 : memref<1x128xi32, #tpu.memory_space<vmem>> -> memref<128xi32, #tpu.memory_space<vmem>>
    %dma_wait3A_178 = arith.constant 0 : i32
    %dma_wait3A_179 = arith.constant 0 : i32
    %dma_wait3A_180 = tpu.memref_slice %arg10[%dma_wait3A_178, %dma_wait3A_179] : memref<10240x16xf32, #tpu.memory_space<vmem_shared>> -> memref<10240x16xf32, #tpu.memory_space<vmem_shared>>
    tpu.wait_indirect_dma semaphore(%arg12 : memref<!tpu.dma_semaphore, #tpu.memory_space<semaphore_mem>>) src(%dma_wait3A_174 : memref<128x16xf32, #tpu.memory_space<vmem>>) dst(%dma_wait3A_180 : memref<10240x16xf32, #tpu.memory_space<vmem_shared>>)
    %dma_wait3A_181 = arith.constant 1 : i32
    %dma_wait3A_182 = arith.constant 5 : i32
    %dma_wait3A_183 = arith.constant 77 : i32
    %dma_wait3A_184 = arith.constant 0 : i32
    %dma_wait3A_185 = arith.constant 0 : i32
    %dma_wait3A_186 = tpu.memref_slice %arg9[%dma_wait3A_181, %dma_wait3A_182, %dma_wait3A_184, %dma_wait3A_185] : memref<2x8x128x16xf32, #tpu.memory_space<vmem>> -> memref<1x1x128x16xf32, #tpu.memory_space<vmem>>
    %dma_wait3A_187 = tpu.memref_squeeze %dma_wait3A_186 : memref<1x1x128x16xf32, #tpu.memory_space<vmem>> -> memref<128x16xf32, #tpu.memory_space<vmem>>
    %dma_wait3A_188 = arith.constant 0 : i32
    %dma_wait3A_189 = tpu.memref_slice %arg8[%dma_wait3A_183, %dma_wait3A_188] : memref<80x128xi32, #tpu.memory_space<vmem>> -> memref<1x128xi32, #tpu.memory_space<vmem>>
    %dma_wait3A_190 = tpu.memref_squeeze %dma_wait3A_189 : memref<1x128xi32, #tpu.memory_space<vmem>> -> memref<128xi32, #tpu.memory_space<vmem>>
    %dma_wait3A_191 = arith.constant 0 : i32
    %dma_wait3A_192 = arith.constant 0 : i32
    %dma_wait3A_193 = tpu.memref_slice %arg10[%dma_wait3A_191, %dma_wait3A_192] : memref<10240x16xf32, #tpu.memory_space<vmem_shared>> -> memref<10240x16xf32, #tpu.memory_space<vmem_shared>>
    tpu.wait_indirect_dma semaphore(%arg12 : memref<!tpu.dma_semaphore, #tpu.memory_space<semaphore_mem>>) src(%dma_wait3A_187 : memref<128x16xf32, #tpu.memory_space<vmem>>) dst(%dma_wait3A_193 : memref<10240x16xf32, #tpu.memory_space<vmem_shared>>)
    %dma_wait3A_194 = arith.constant 1 : i32
    %dma_wait3A_195 = arith.constant 6 : i32
    %dma_wait3A_196 = arith.constant 78 : i32
    %dma_wait3A_197 = arith.constant 0 : i32
    %dma_wait3A_198 = arith.constant 0 : i32
    %dma_wait3A_199 = tpu.memref_slice %arg9[%dma_wait3A_194, %dma_wait3A_195, %dma_wait3A_197, %dma_wait3A_198] : memref<2x8x128x16xf32, #tpu.memory_space<vmem>> -> memref<1x1x128x16xf32, #tpu.memory_space<vmem>>
    %dma_wait3A_200 = tpu.memref_squeeze %dma_wait3A_199 : memref<1x1x128x16xf32, #tpu.memory_space<vmem>> -> memref<128x16xf32, #tpu.memory_space<vmem>>
    %dma_wait3A_201 = arith.constant 0 : i32
    %dma_wait3A_202 = tpu.memref_slice %arg8[%dma_wait3A_196, %dma_wait3A_201] : memref<80x128xi32, #tpu.memory_space<vmem>> -> memref<1x128xi32, #tpu.memory_space<vmem>>
    %dma_wait3A_203 = tpu.memref_squeeze %dma_wait3A_202 : memref<1x128xi32, #tpu.memory_space<vmem>> -> memref<128xi32, #tpu.memory_space<vmem>>
    %dma_wait3A_204 = arith.constant 0 : i32
    %dma_wait3A_205 = arith.constant 0 : i32
    %dma_wait3A_206 = tpu.memref_slice %arg10[%dma_wait3A_204, %dma_wait3A_205] : memref<10240x16xf32, #tpu.memory_space<vmem_shared>> -> memref<10240x16xf32, #tpu.memory_space<vmem_shared>>
    tpu.wait_indirect_dma semaphore(%arg12 : memref<!tpu.dma_semaphore, #tpu.memory_space<semaphore_mem>>) src(%dma_wait3A_200 : memref<128x16xf32, #tpu.memory_space<vmem>>) dst(%dma_wait3A_206 : memref<10240x16xf32, #tpu.memory_space<vmem_shared>>)
    %dma_wait3A_207 = arith.constant 1 : i32
    %dma_wait3A_208 = arith.constant 7 : i32
    %dma_wait3A_209 = arith.constant 79 : i32
    %dma_wait3A_210 = arith.constant 0 : i32
    %dma_wait3A_211 = arith.constant 0 : i32
    %dma_wait3A_212 = tpu.memref_slice %arg9[%dma_wait3A_207, %dma_wait3A_208, %dma_wait3A_210, %dma_wait3A_211] : memref<2x8x128x16xf32, #tpu.memory_space<vmem>> -> memref<1x1x128x16xf32, #tpu.memory_space<vmem>>
    %dma_wait3A_213 = tpu.memref_squeeze %dma_wait3A_212 : memref<1x1x128x16xf32, #tpu.memory_space<vmem>> -> memref<128x16xf32, #tpu.memory_space<vmem>>
    %dma_wait3A_214 = arith.constant 0 : i32
    %dma_wait3A_215 = tpu.memref_slice %arg8[%dma_wait3A_209, %dma_wait3A_214] : memref<80x128xi32, #tpu.memory_space<vmem>> -> memref<1x128xi32, #tpu.memory_space<vmem>>
    %dma_wait3A_216 = tpu.memref_squeeze %dma_wait3A_215 : memref<1x128xi32, #tpu.memory_space<vmem>> -> memref<128xi32, #tpu.memory_space<vmem>>
    %dma_wait3A_217 = arith.constant 0 : i32
    %dma_wait3A_218 = arith.constant 0 : i32
    %dma_wait3A_219 = tpu.memref_slice %arg10[%dma_wait3A_217, %dma_wait3A_218] : memref<10240x16xf32, #tpu.memory_space<vmem_shared>> -> memref<10240x16xf32, #tpu.memory_space<vmem_shared>>
    tpu.wait_indirect_dma semaphore(%arg12 : memref<!tpu.dma_semaphore, #tpu.memory_space<semaphore_mem>>) src(%dma_wait3A_213 : memref<128x16xf32, #tpu.memory_space<vmem>>) dst(%dma_wait3A_219 : memref<10240x16xf32, #tpu.memory_space<vmem_shared>>)
    %barrier3A_220 = arith.constant 0 : index
    tpu.barrier barrier_id(%barrier3A_220)
    %mul3A_221 = arith.constant 640 : i32
    %mul3A_222 = arith.muli %arg1, %mul3A_221 : i32
    %mul3A_223 = arith.constant 640 : i32
    %mul3A_224 = arith.muli %arg1, %mul3A_223 : i32
    "tpu.region"() ({
      %run_scoped3A = tpu.sem_alloc : memref<!tpu.dma_semaphore, #tpu.memory_space<semaphore_mem>>
      %dma_start3A_225 = arith.constant 0 : i32
      %dma_start3A_226 = tpu.memref_slice %arg6[%arg0, %mul3A_224, %dma_start3A_225] : memref<2x10240x16xf32, #tpu.memory_space<hbm>> -> memref<1x640x16xf32, #tpu.memory_space<hbm>>
      %dma_start3A_227 = tpu.memref_squeeze %dma_start3A_226 : memref<1x640x16xf32, #tpu.memory_space<hbm>> -> memref<640x16xf32, #tpu.memory_space<hbm>>
      %dma_start3A_228 = arith.constant 0 : i32
      %dma_start3A_229 = tpu.memref_slice %arg10[%mul3A_222, %dma_start3A_228] : memref<10240x16xf32, #tpu.memory_space<vmem_shared>> -> memref<640x16xf32, #tpu.memory_space<vmem_shared>>
      tpu.enqueue_dma source(%dma_start3A_229 : memref<640x16xf32, #tpu.memory_space<vmem_shared>>) target(%dma_start3A_227 : memref<640x16xf32, #tpu.memory_space<hbm>>) target_semaphore(%run_scoped3A : memref<!tpu.dma_semaphore, #tpu.memory_space<semaphore_mem>>)
      %dma_wait3A_230 = arith.constant 0 : i32
      %dma_wait3A_231 = tpu.memref_slice %arg6[%arg0, %mul3A_224, %dma_wait3A_230] : memref<2x10240x16xf32, #tpu.memory_space<hbm>> -> memref<1x640x16xf32, #tpu.memory_space<hbm>>
      %dma_wait3A_232 = tpu.memref_squeeze %dma_wait3A_231 : memref<1x640x16xf32, #tpu.memory_space<hbm>> -> memref<640x16xf32, #tpu.memory_space<hbm>>
      %dma_wait3A_233 = arith.constant 0 : i32
      %dma_wait3A_234 = tpu.memref_slice %arg10[%mul3A_222, %dma_wait3A_233] : memref<10240x16xf32, #tpu.memory_space<vmem_shared>> -> memref<640x16xf32, #tpu.memory_space<vmem_shared>>
      tpu.wait_dma2 semaphore(%run_scoped3A : memref<!tpu.dma_semaphore, #tpu.memory_space<semaphore_mem>>) src(%dma_wait3A_234 : memref<640x16xf32, #tpu.memory_space<vmem_shared>>) dst(%dma_wait3A_232 : memref<640x16xf32, #tpu.memory_space<hbm>>)
      tpu.yield
    }) : () -> ()
    return
  }
}

#map = affine_map<(d0, d1) -> (0, 0)>
#map1 = affine_map<(d0, d1) -> (0, 0, 0)>
module attributes {stable_mosaic.version = 14 : i64} {
  func.func @_deg_body(%arg0: i32, %arg1: i32, %arg2: memref<2560x128xi32, #tpu.memory_space<hbm>>, %arg3: memref<128x16xf32, #tpu.memory_space<hbm>>, %arg4: memref<10240x16xf32, #tpu.memory_space<hbm>>, %arg5: memref<2x10240x16xf32, #tpu.memory_space<hbm>>, %arg6: memref<80x128xi32, #tpu.memory_space<vmem>>, %arg7: memref<128x16xf32, #tpu.memory_space<vmem>>, %arg8: memref<10240x16xf32, #tpu.memory_space<vmem_shared>>, %arg9: memref<!tpu.dma_semaphore, #tpu.memory_space<semaphore_mem>>) attributes {dimension_semantics = [#tpu.dimension_semantics<core_parallel>, #tpu.dimension_semantics<subcore_parallel>], iteration_bounds = array<i64: 2, 16>, scalar_prefetch = 0 : i64, scratch_operands = 4 : i64, tpu.core_type = #tpu.core_type<sc_vector_subcore>, window_params = [{transform_indices = #map}, {transform_indices = #map}, {transform_indices = #map}, {transform_indices = #map1}]} {
    %mul3A = arith.constant 16 : i32
    %mul3A_0 = arith.muli %arg0, %mul3A : i32
    %add3A = arith.addi %mul3A_0, %arg1 : i32
    %mul3A_1 = arith.constant 640 : i32
    %mul3A_2 = arith.muli %arg1, %mul3A_1 : i32
    %mul3A_3 = arith.constant 640 : i32
    %mul3A_4 = arith.muli %arg1, %mul3A_3 : i32
    "tpu.region"() ({
      %run_scoped3A = tpu.sem_alloc : memref<!tpu.dma_semaphore, #tpu.memory_space<semaphore_mem>>
      %dma_start3A = arith.constant 0 : i32
      %dma_start3A_23 = tpu.memref_slice %arg8[%mul3A_4, %dma_start3A] : memref<10240x16xf32, #tpu.memory_space<vmem_shared>> -> memref<640x16xf32, #tpu.memory_space<vmem_shared>>
      %dma_start3A_24 = arith.constant 0 : i32
      %dma_start3A_25 = tpu.memref_slice %arg4[%mul3A_2, %dma_start3A_24] : memref<10240x16xf32, #tpu.memory_space<hbm>> -> memref<640x16xf32, #tpu.memory_space<hbm>>
      tpu.enqueue_dma source(%dma_start3A_25 : memref<640x16xf32, #tpu.memory_space<hbm>>) target(%dma_start3A_23 : memref<640x16xf32, #tpu.memory_space<vmem_shared>>) target_semaphore(%run_scoped3A : memref<!tpu.dma_semaphore, #tpu.memory_space<semaphore_mem>>)
      %dma_wait3A = arith.constant 0 : i32
      %dma_wait3A_26 = tpu.memref_slice %arg8[%mul3A_4, %dma_wait3A] : memref<10240x16xf32, #tpu.memory_space<vmem_shared>> -> memref<640x16xf32, #tpu.memory_space<vmem_shared>>
      %dma_wait3A_27 = arith.constant 0 : i32
      %dma_wait3A_28 = tpu.memref_slice %arg4[%mul3A_2, %dma_wait3A_27] : memref<10240x16xf32, #tpu.memory_space<hbm>> -> memref<640x16xf32, #tpu.memory_space<hbm>>
      tpu.wait_dma2 semaphore(%run_scoped3A : memref<!tpu.dma_semaphore, #tpu.memory_space<semaphore_mem>>) src(%dma_wait3A_28 : memref<640x16xf32, #tpu.memory_space<hbm>>) dst(%dma_wait3A_26 : memref<640x16xf32, #tpu.memory_space<vmem_shared>>)
      tpu.yield
    }) : () -> ()
    "tpu.region"() ({
      %run_scoped3A = tpu.sem_alloc : memref<!tpu.dma_semaphore, #tpu.memory_space<semaphore_mem>>
      tpu.enqueue_dma source(%arg3 : memref<128x16xf32, #tpu.memory_space<hbm>>) target(%arg7 : memref<128x16xf32, #tpu.memory_space<vmem>>) target_semaphore(%run_scoped3A : memref<!tpu.dma_semaphore, #tpu.memory_space<semaphore_mem>>)
      tpu.wait_dma2 semaphore(%run_scoped3A : memref<!tpu.dma_semaphore, #tpu.memory_space<semaphore_mem>>) src(%arg3 : memref<128x16xf32, #tpu.memory_space<hbm>>) dst(%arg7 : memref<128x16xf32, #tpu.memory_space<vmem>>)
      tpu.yield
    }) : () -> ()
    %mul3A_5 = arith.constant 80 : i32
    %mul3A_6 = arith.muli %add3A, %mul3A_5 : i32
    "tpu.region"() ({
      %run_scoped3A = tpu.sem_alloc : memref<!tpu.dma_semaphore, #tpu.memory_space<semaphore_mem>>
      %dma_start3A = arith.constant 0 : i32
      %dma_start3A_23 = tpu.memref_slice %arg2[%mul3A_6, %dma_start3A] : memref<2560x128xi32, #tpu.memory_space<hbm>> -> memref<80x128xi32, #tpu.memory_space<hbm>>
      %dma_start3A_24 = arith.constant 0 : i32
      %dma_start3A_25 = tpu.memref_slice %arg2[%mul3A_6, %dma_start3A_24] : memref<2560x128xi32, #tpu.memory_space<hbm>> -> memref<80x128xi32, #tpu.memory_space<hbm>>
      tpu.enqueue_dma source(%dma_start3A_25 : memref<80x128xi32, #tpu.memory_space<hbm>>) target(%arg6 : memref<80x128xi32, #tpu.memory_space<vmem>>) target_semaphore(%run_scoped3A : memref<!tpu.dma_semaphore, #tpu.memory_space<semaphore_mem>>)
      %dma_wait3A = arith.constant 0 : i32
      %dma_wait3A_26 = tpu.memref_slice %arg2[%mul3A_6, %dma_wait3A] : memref<2560x128xi32, #tpu.memory_space<hbm>> -> memref<80x128xi32, #tpu.memory_space<hbm>>
      %dma_wait3A_27 = arith.constant 0 : i32
      %dma_wait3A_28 = tpu.memref_slice %arg2[%mul3A_6, %dma_wait3A_27] : memref<2560x128xi32, #tpu.memory_space<hbm>> -> memref<80x128xi32, #tpu.memory_space<hbm>>
      tpu.wait_dma2 semaphore(%run_scoped3A : memref<!tpu.dma_semaphore, #tpu.memory_space<semaphore_mem>>) src(%dma_wait3A_28 : memref<80x128xi32, #tpu.memory_space<hbm>>) dst(%arg6 : memref<80x128xi32, #tpu.memory_space<vmem>>)
      tpu.yield
    }) : () -> ()
    %barrier3A = arith.constant 0 : index
    tpu.barrier barrier_id(%barrier3A)
    %scan3A = arith.constant 0 : i32
    %scan3A_7 = arith.constant 0 : i32
    %scan3A_8 = arith.constant 80 : i32
    %scan3A_9 = arith.addi %scan3A_7, %scan3A_8 : i32
    %scan3A_10 = arith.constant 1 : i32
    scf.for %scan3A_23 = %scan3A_7 to %scan3A_9 step %scan3A_10  : i32 {
      %dma_start3A = arith.constant 0 : i32
      %dma_start3A_24 = tpu.memref_slice %arg6[%scan3A_23, %dma_start3A] : memref<80x128xi32, #tpu.memory_space<vmem>> -> memref<1x128xi32, #tpu.memory_space<vmem>>
      %dma_start3A_25 = tpu.memref_squeeze %dma_start3A_24 : memref<1x128xi32, #tpu.memory_space<vmem>> -> memref<128xi32, #tpu.memory_space<vmem>>
      %dma_start3A_26 = arith.constant 0 : i32
      %dma_start3A_27 = arith.constant 0 : i32
      %dma_start3A_28 = tpu.memref_slice %arg8[%dma_start3A_26, %dma_start3A_27] : memref<10240x16xf32, #tpu.memory_space<vmem_shared>> -> memref<10240x16xf32, #tpu.memory_space<vmem_shared>>
      tpu.enqueue_indirect_dma source(%arg7 : memref<128x16xf32, #tpu.memory_space<vmem>>) target(%dma_start3A_28 : memref<10240x16xf32, #tpu.memory_space<vmem_shared>>) offsets(%dma_start3A_25 : memref<128xi32, #tpu.memory_space<vmem>>) semaphore(%arg9 : memref<!tpu.dma_semaphore, #tpu.memory_space<semaphore_mem>>) {add = true}
    }
    %scan3A_11 = arith.constant 80 : i32
    %scan3A_12 = arith.constant 0 : i32
    %scan3A_13 = arith.constant 0 : i32
    %scan3A_14 = arith.constant 80 : i32
    %scan3A_15 = arith.addi %scan3A_13, %scan3A_14 : i32
    %scan3A_16 = arith.constant 1 : i32
    scf.for %scan3A_23 = %scan3A_13 to %scan3A_15 step %scan3A_16  : i32 {
      %dma_wait3A = arith.constant 0 : i32
      %dma_wait3A_24 = tpu.memref_slice %arg6[%scan3A_23, %dma_wait3A] : memref<80x128xi32, #tpu.memory_space<vmem>> -> memref<1x128xi32, #tpu.memory_space<vmem>>
      %dma_wait3A_25 = tpu.memref_squeeze %dma_wait3A_24 : memref<1x128xi32, #tpu.memory_space<vmem>> -> memref<128xi32, #tpu.memory_space<vmem>>
      %dma_wait3A_26 = arith.constant 0 : i32
      %dma_wait3A_27 = arith.constant 0 : i32
      %dma_wait3A_28 = tpu.memref_slice %arg8[%dma_wait3A_26, %dma_wait3A_27] : memref<10240x16xf32, #tpu.memory_space<vmem_shared>> -> memref<10240x16xf32, #tpu.memory_space<vmem_shared>>
      tpu.wait_indirect_dma semaphore(%arg9 : memref<!tpu.dma_semaphore, #tpu.memory_space<semaphore_mem>>) src(%arg7 : memref<128x16xf32, #tpu.memory_space<vmem>>) dst(%dma_wait3A_28 : memref<10240x16xf32, #tpu.memory_space<vmem_shared>>)
    }
    %scan3A_17 = arith.constant 80 : i32
    %barrier3A_18 = arith.constant 0 : index
    tpu.barrier barrier_id(%barrier3A_18)
    %mul3A_19 = arith.constant 640 : i32
    %mul3A_20 = arith.muli %arg1, %mul3A_19 : i32
    %mul3A_21 = arith.constant 640 : i32
    %mul3A_22 = arith.muli %arg1, %mul3A_21 : i32
    "tpu.region"() ({
      %run_scoped3A = tpu.sem_alloc : memref<!tpu.dma_semaphore, #tpu.memory_space<semaphore_mem>>
      %dma_start3A = arith.constant 0 : i32
      %dma_start3A_23 = tpu.memref_slice %arg5[%arg0, %mul3A_22, %dma_start3A] : memref<2x10240x16xf32, #tpu.memory_space<hbm>> -> memref<1x640x16xf32, #tpu.memory_space<hbm>>
      %dma_start3A_24 = tpu.memref_squeeze %dma_start3A_23 : memref<1x640x16xf32, #tpu.memory_space<hbm>> -> memref<640x16xf32, #tpu.memory_space<hbm>>
      %dma_start3A_25 = arith.constant 0 : i32
      %dma_start3A_26 = tpu.memref_slice %arg8[%mul3A_20, %dma_start3A_25] : memref<10240x16xf32, #tpu.memory_space<vmem_shared>> -> memref<640x16xf32, #tpu.memory_space<vmem_shared>>
      tpu.enqueue_dma source(%dma_start3A_26 : memref<640x16xf32, #tpu.memory_space<vmem_shared>>) target(%dma_start3A_24 : memref<640x16xf32, #tpu.memory_space<hbm>>) target_semaphore(%run_scoped3A : memref<!tpu.dma_semaphore, #tpu.memory_space<semaphore_mem>>)
      %dma_wait3A = arith.constant 0 : i32
      %dma_wait3A_27 = tpu.memref_slice %arg5[%arg0, %mul3A_22, %dma_wait3A] : memref<2x10240x16xf32, #tpu.memory_space<hbm>> -> memref<1x640x16xf32, #tpu.memory_space<hbm>>
      %dma_wait3A_28 = tpu.memref_squeeze %dma_wait3A_27 : memref<1x640x16xf32, #tpu.memory_space<hbm>> -> memref<640x16xf32, #tpu.memory_space<hbm>>
      %dma_wait3A_29 = arith.constant 0 : i32
      %dma_wait3A_30 = tpu.memref_slice %arg8[%mul3A_20, %dma_wait3A_29] : memref<10240x16xf32, #tpu.memory_space<vmem_shared>> -> memref<640x16xf32, #tpu.memory_space<vmem_shared>>
      tpu.wait_dma2 semaphore(%run_scoped3A : memref<!tpu.dma_semaphore, #tpu.memory_space<semaphore_mem>>) src(%dma_wait3A_30 : memref<640x16xf32, #tpu.memory_space<vmem_shared>>) dst(%dma_wait3A_28 : memref<640x16xf32, #tpu.memory_space<hbm>>)
      tpu.yield
    }) : () -> ()
    return
  }
}

#map = affine_map<(d0, d1) -> (0, 0)>
#map1 = affine_map<(d0, d1) -> (0, 0, 0)>
module attributes {stable_mosaic.version = 14 : i64} {
  func.func @_segsum_body(%arg0: i32, %arg1: i32, %arg2: memref<10000x16xf32, #tpu.memory_space<hbm>>, %arg3: memref<2560x128xi32, #tpu.memory_space<hbm>>, %arg4: memref<2560x128xi32, #tpu.memory_space<hbm>>, %arg5: memref<10240x16xf32, #tpu.memory_space<hbm>>, %arg6: memref<2x10240x16xf32, #tpu.memory_space<hbm>>, %arg7: memref<80x128xi32, #tpu.memory_space<vmem>>, %arg8: memref<80x128xi32, #tpu.memory_space<vmem>>, %arg9: memref<2x8x128x16xf32, #tpu.memory_space<vmem>>, %arg10: memref<10240x16xf32, #tpu.memory_space<vmem_shared>>, %arg11: memref<!tpu.dma_semaphore, #tpu.memory_space<semaphore_mem>>, %arg12: memref<!tpu.dma_semaphore, #tpu.memory_space<semaphore_mem>>) attributes {dimension_semantics = [#tpu.dimension_semantics<core_parallel>, #tpu.dimension_semantics<subcore_parallel>], iteration_bounds = array<i64: 2, 16>, scalar_prefetch = 0 : i64, scratch_operands = 6 : i64, tpu.core_type = #tpu.core_type<sc_vector_subcore>, window_params = [{transform_indices = #map}, {transform_indices = #map}, {transform_indices = #map}, {transform_indices = #map}, {transform_indices = #map1}]} {
    %mul3A = arith.constant 16 : i32
    %mul3A_0 = arith.muli %arg0, %mul3A : i32
    %add3A = arith.addi %mul3A_0, %arg1 : i32
    %mul3A_1 = arith.constant 640 : i32
    %mul3A_2 = arith.muli %arg1, %mul3A_1 : i32
    %mul3A_3 = arith.constant 640 : i32
    %mul3A_4 = arith.muli %arg1, %mul3A_3 : i32
    "tpu.region"() ({
      %run_scoped3A = tpu.sem_alloc : memref<!tpu.dma_semaphore, #tpu.memory_space<semaphore_mem>>
      %dma_start3A_225 = arith.constant 0 : i32
      %dma_start3A_226 = tpu.memref_slice %arg10[%mul3A_4, %dma_start3A_225] : memref<10240x16xf32, #tpu.memory_space<vmem_shared>> -> memref<640x16xf32, #tpu.memory_space<vmem_shared>>
      %dma_start3A_227 = arith.constant 0 : i32
      %dma_start3A_228 = tpu.memref_slice %arg5[%mul3A_2, %dma_start3A_227] : memref<10240x16xf32, #tpu.memory_space<hbm>> -> memref<640x16xf32, #tpu.memory_space<hbm>>
      tpu.enqueue_dma source(%dma_start3A_228 : memref<640x16xf32, #tpu.memory_space<hbm>>) target(%dma_start3A_226 : memref<640x16xf32, #tpu.memory_space<vmem_shared>>) target_semaphore(%run_scoped3A : memref<!tpu.dma_semaphore, #tpu.memory_space<semaphore_mem>>)
      %dma_wait3A_229 = arith.constant 0 : i32
      %dma_wait3A_230 = tpu.memref_slice %arg10[%mul3A_4, %dma_wait3A_229] : memref<10240x16xf32, #tpu.memory_space<vmem_shared>> -> memref<640x16xf32, #tpu.memory_space<vmem_shared>>
      %dma_wait3A_231 = arith.constant 0 : i32
      %dma_wait3A_232 = tpu.memref_slice %arg5[%mul3A_2, %dma_wait3A_231] : memref<10240x16xf32, #tpu.memory_space<hbm>> -> memref<640x16xf32, #tpu.memory_space<hbm>>
      tpu.wait_dma2 semaphore(%run_scoped3A : memref<!tpu.dma_semaphore, #tpu.memory_space<semaphore_mem>>) src(%dma_wait3A_232 : memref<640x16xf32, #tpu.memory_space<hbm>>) dst(%dma_wait3A_230 : memref<640x16xf32, #tpu.memory_space<vmem_shared>>)
      tpu.yield
    }) : () -> ()
    %mul3A_5 = arith.constant 80 : i32
    %mul3A_6 = arith.muli %add3A, %mul3A_5 : i32
    "tpu.region"() ({
      %run_scoped3A = tpu.sem_alloc : memref<!tpu.dma_semaphore, #tpu.memory_space<semaphore_mem>>
      %dma_start3A_225 = arith.constant 0 : i32
      %dma_start3A_226 = tpu.memref_slice %arg3[%mul3A_6, %dma_start3A_225] : memref<2560x128xi32, #tpu.memory_space<hbm>> -> memref<80x128xi32, #tpu.memory_space<hbm>>
      %dma_start3A_227 = arith.constant 0 : i32
      %dma_start3A_228 = tpu.memref_slice %arg3[%mul3A_6, %dma_start3A_227] : memref<2560x128xi32, #tpu.memory_space<hbm>> -> memref<80x128xi32, #tpu.memory_space<hbm>>
      tpu.enqueue_dma source(%dma_start3A_228 : memref<80x128xi32, #tpu.memory_space<hbm>>) target(%arg7 : memref<80x128xi32, #tpu.memory_space<vmem>>) target_semaphore(%run_scoped3A : memref<!tpu.dma_semaphore, #tpu.memory_space<semaphore_mem>>)
      %dma_wait3A_229 = arith.constant 0 : i32
      %dma_wait3A_230 = tpu.memref_slice %arg3[%mul3A_6, %dma_wait3A_229] : memref<2560x128xi32, #tpu.memory_space<hbm>> -> memref<80x128xi32, #tpu.memory_space<hbm>>
      %dma_wait3A_231 = arith.constant 0 : i32
      %dma_wait3A_232 = tpu.memref_slice %arg3[%mul3A_6, %dma_wait3A_231] : memref<2560x128xi32, #tpu.memory_space<hbm>> -> memref<80x128xi32, #tpu.memory_space<hbm>>
      tpu.wait_dma2 semaphore(%run_scoped3A : memref<!tpu.dma_semaphore, #tpu.memory_space<semaphore_mem>>) src(%dma_wait3A_232 : memref<80x128xi32, #tpu.memory_space<hbm>>) dst(%arg7 : memref<80x128xi32, #tpu.memory_space<vmem>>)
      tpu.yield
    }) : () -> ()
    %mul3A_7 = arith.constant 80 : i32
    %mul3A_8 = arith.muli %add3A, %mul3A_7 : i32
    "tpu.region"() ({
      %run_scoped3A = tpu.sem_alloc : memref<!tpu.dma_semaphore, #tpu.memory_space<semaphore_mem>>
      %dma_start3A_225 = arith.constant 0 : i32
      %dma_start3A_226 = tpu.memref_slice %arg4[%mul3A_8, %dma_start3A_225] : memref<2560x128xi32, #tpu.memory_space<hbm>> -> memref<80x128xi32, #tpu.memory_space<hbm>>
      %dma_start3A_227 = arith.constant 0 : i32
      %dma_start3A_228 = tpu.memref_slice %arg4[%mul3A_8, %dma_start3A_227] : memref<2560x128xi32, #tpu.memory_space<hbm>> -> memref<80x128xi32, #tpu.memory_space<hbm>>
      tpu.enqueue_dma source(%dma_start3A_228 : memref<80x128xi32, #tpu.memory_space<hbm>>) target(%arg8 : memref<80x128xi32, #tpu.memory_space<vmem>>) target_semaphore(%run_scoped3A : memref<!tpu.dma_semaphore, #tpu.memory_space<semaphore_mem>>)
      %dma_wait3A_229 = arith.constant 0 : i32
      %dma_wait3A_230 = tpu.memref_slice %arg4[%mul3A_8, %dma_wait3A_229] : memref<2560x128xi32, #tpu.memory_space<hbm>> -> memref<80x128xi32, #tpu.memory_space<hbm>>
      %dma_wait3A_231 = arith.constant 0 : i32
      %dma_wait3A_232 = tpu.memref_slice %arg4[%mul3A_8, %dma_wait3A_231] : memref<2560x128xi32, #tpu.memory_space<hbm>> -> memref<80x128xi32, #tpu.memory_space<hbm>>
      tpu.wait_dma2 semaphore(%run_scoped3A : memref<!tpu.dma_semaphore, #tpu.memory_space<semaphore_mem>>) src(%dma_wait3A_232 : memref<80x128xi32, #tpu.memory_space<hbm>>) dst(%arg8 : memref<80x128xi32, #tpu.memory_space<vmem>>)
      tpu.yield
    }) : () -> ()
    %barrier3A = arith.constant 0 : index
    tpu.barrier barrier_id(%barrier3A)
    %dma_start3A = arith.constant 0 : i32
    %dma_start3A_9 = arith.constant 0 : i32
    %dma_start3A_10 = arith.constant 0 : i32
    %dma_start3A_11 = arith.constant 0 : i32
    %dma_start3A_12 = arith.constant 0 : i32
    %dma_start3A_13 = tpu.memref_slice %arg9[%dma_start3A_9, %dma_start3A_10, %dma_start3A_11, %dma_start3A_12] : memref<2x8x128x16xf32, #tpu.memory_space<vmem>> -> memref<1x1x128x16xf32, #tpu.memory_space<vmem>>
    %dma_start3A_14 = tpu.memref_squeeze %dma_start3A_13 : memref<1x1x128x16xf32, #tpu.memory_space<vmem>> -> memref<128x16xf32, #tpu.memory_space<vmem>>
    %dma_start3A_15 = arith.constant 0 : i32
    %dma_start3A_16 = tpu.memref_slice %arg7[%dma_start3A, %dma_start3A_15] : memref<80x128xi32, #tpu.memory_space<vmem>> -> memref<1x128xi32, #tpu.memory_space<vmem>>
    %dma_start3A_17 = tpu.memref_squeeze %dma_start3A_16 : memref<1x128xi32, #tpu.memory_space<vmem>> -> memref<128xi32, #tpu.memory_space<vmem>>
    %dma_start3A_18 = arith.constant 0 : i32
    %dma_start3A_19 = arith.constant 0 : i32
    %dma_start3A_20 = tpu.memref_slice %arg2[%dma_start3A_18, %dma_start3A_19] : memref<10000x16xf32, #tpu.memory_space<hbm>> -> memref<10000x16xf32, #tpu.memory_space<hbm>>
    tpu.enqueue_indirect_dma source(%dma_start3A_20 : memref<10000x16xf32, #tpu.memory_space<hbm>>) target(%dma_start3A_14 : memref<128x16xf32, #tpu.memory_space<vmem>>) offsets(%dma_start3A_17 : memref<128xi32, #tpu.memory_space<vmem>>) semaphore(%arg11 : memref<!tpu.dma_semaphore, #tpu.memory_space<semaphore_mem>>)
    %dma_start3A_21 = arith.constant 1 : i32
    %dma_start3A_22 = arith.constant 0 : i32
    %dma_start3A_23 = arith.constant 1 : i32
    %dma_start3A_24 = arith.constant 0 : i32
    %dma_start3A_25 = arith.constant 0 : i32
    %dma_start3A_26 = tpu.memref_slice %arg9[%dma_start3A_22, %dma_start3A_23, %dma_start3A_24, %dma_start3A_25] : memref<2x8x128x16xf32, #tpu.memory_space<vmem>> -> memref<1x1x128x16xf32, #tpu.memory_space<vmem>>
    %dma_start3A_27 = tpu.memref_squeeze %dma_start3A_26 : memref<1x1x128x16xf32, #tpu.memory_space<vmem>> -> memref<128x16xf32, #tpu.memory_space<vmem>>
    %dma_start3A_28 = arith.constant 0 : i32
    %dma_start3A_29 = tpu.memref_slice %arg7[%dma_start3A_21, %dma_start3A_28] : memref<80x128xi32, #tpu.memory_space<vmem>> -> memref<1x128xi32, #tpu.memory_space<vmem>>
    %dma_start3A_30 = tpu.memref_squeeze %dma_start3A_29 : memref<1x128xi32, #tpu.memory_space<vmem>> -> memref<128xi32, #tpu.memory_space<vmem>>
    %dma_start3A_31 = arith.constant 0 : i32
    %dma_start3A_32 = arith.constant 0 : i32
    %dma_start3A_33 = tpu.memref_slice %arg2[%dma_start3A_31, %dma_start3A_32] : memref<10000x16xf32, #tpu.memory_space<hbm>> -> memref<10000x16xf32, #tpu.memory_space<hbm>>
    tpu.enqueue_indirect_dma source(%dma_start3A_33 : memref<10000x16xf32, #tpu.memory_space<hbm>>) target(%dma_start3A_27 : memref<128x16xf32, #tpu.memory_space<vmem>>) offsets(%dma_start3A_30 : memref<128xi32, #tpu.memory_space<vmem>>) semaphore(%arg11 : memref<!tpu.dma_semaphore, #tpu.memory_space<semaphore_mem>>)
    %dma_start3A_34 = arith.constant 2 : i32
    %dma_start3A_35 = arith.constant 0 : i32
    %dma_start3A_36 = arith.constant 2 : i32
    %dma_start3A_37 = arith.constant 0 : i32
    %dma_start3A_38 = arith.constant 0 : i32
    %dma_start3A_39 = tpu.memref_slice %arg9[%dma_start3A_35, %dma_start3A_36, %dma_start3A_37, %dma_start3A_38] : memref<2x8x128x16xf32, #tpu.memory_space<vmem>> -> memref<1x1x128x16xf32, #tpu.memory_space<vmem>>
    %dma_start3A_40 = tpu.memref_squeeze %dma_start3A_39 : memref<1x1x128x16xf32, #tpu.memory_space<vmem>> -> memref<128x16xf32, #tpu.memory_space<vmem>>
    %dma_start3A_41 = arith.constant 0 : i32
    %dma_start3A_42 = tpu.memref_slice %arg7[%dma_start3A_34, %dma_start3A_41] : memref<80x128xi32, #tpu.memory_space<vmem>> -> memref<1x128xi32, #tpu.memory_space<vmem>>
    %dma_start3A_43 = tpu.memref_squeeze %dma_start3A_42 : memref<1x128xi32, #tpu.memory_space<vmem>> -> memref<128xi32, #tpu.memory_space<vmem>>
    %dma_start3A_44 = arith.constant 0 : i32
    %dma_start3A_45 = arith.constant 0 : i32
    %dma_start3A_46 = tpu.memref_slice %arg2[%dma_start3A_44, %dma_start3A_45] : memref<10000x16xf32, #tpu.memory_space<hbm>> -> memref<10000x16xf32, #tpu.memory_space<hbm>>
    tpu.enqueue_indirect_dma source(%dma_start3A_46 : memref<10000x16xf32, #tpu.memory_space<hbm>>) target(%dma_start3A_40 : memref<128x16xf32, #tpu.memory_space<vmem>>) offsets(%dma_start3A_43 : memref<128xi32, #tpu.memory_space<vmem>>) semaphore(%arg11 : memref<!tpu.dma_semaphore, #tpu.memory_space<semaphore_mem>>)
    %dma_start3A_47 = arith.constant 3 : i32
    %dma_start3A_48 = arith.constant 0 : i32
    %dma_start3A_49 = arith.constant 3 : i32
    %dma_start3A_50 = arith.constant 0 : i32
    %dma_start3A_51 = arith.constant 0 : i32
    %dma_start3A_52 = tpu.memref_slice %arg9[%dma_start3A_48, %dma_start3A_49, %dma_start3A_50, %dma_start3A_51] : memref<2x8x128x16xf32, #tpu.memory_space<vmem>> -> memref<1x1x128x16xf32, #tpu.memory_space<vmem>>
    %dma_start3A_53 = tpu.memref_squeeze %dma_start3A_52 : memref<1x1x128x16xf32, #tpu.memory_space<vmem>> -> memref<128x16xf32, #tpu.memory_space<vmem>>
    %dma_start3A_54 = arith.constant 0 : i32
    %dma_start3A_55 = tpu.memref_slice %arg7[%dma_start3A_47, %dma_start3A_54] : memref<80x128xi32, #tpu.memory_space<vmem>> -> memref<1x128xi32, #tpu.memory_space<vmem>>
    %dma_start3A_56 = tpu.memref_squeeze %dma_start3A_55 : memref<1x128xi32, #tpu.memory_space<vmem>> -> memref<128xi32, #tpu.memory_space<vmem>>
    %dma_start3A_57 = arith.constant 0 : i32
    %dma_start3A_58 = arith.constant 0 : i32
    %dma_start3A_59 = tpu.memref_slice %arg2[%dma_start3A_57, %dma_start3A_58] : memref<10000x16xf32, #tpu.memory_space<hbm>> -> memref<10000x16xf32, #tpu.memory_space<hbm>>
    tpu.enqueue_indirect_dma source(%dma_start3A_59 : memref<10000x16xf32, #tpu.memory_space<hbm>>) target(%dma_start3A_53 : memref<128x16xf32, #tpu.memory_space<vmem>>) offsets(%dma_start3A_56 : memref<128xi32, #tpu.memory_space<vmem>>) semaphore(%arg11 : memref<!tpu.dma_semaphore, #tpu.memory_space<semaphore_mem>>)
    %dma_start3A_60 = arith.constant 4 : i32
    %dma_start3A_61 = arith.constant 0 : i32
    %dma_start3A_62 = arith.constant 4 : i32
    %dma_start3A_63 = arith.constant 0 : i32
    %dma_start3A_64 = arith.constant 0 : i32
    %dma_start3A_65 = tpu.memref_slice %arg9[%dma_start3A_61, %dma_start3A_62, %dma_start3A_63, %dma_start3A_64] : memref<2x8x128x16xf32, #tpu.memory_space<vmem>> -> memref<1x1x128x16xf32, #tpu.memory_space<vmem>>
    %dma_start3A_66 = tpu.memref_squeeze %dma_start3A_65 : memref<1x1x128x16xf32, #tpu.memory_space<vmem>> -> memref<128x16xf32, #tpu.memory_space<vmem>>
    %dma_start3A_67 = arith.constant 0 : i32
    %dma_start3A_68 = tpu.memref_slice %arg7[%dma_start3A_60, %dma_start3A_67] : memref<80x128xi32, #tpu.memory_space<vmem>> -> memref<1x128xi32, #tpu.memory_space<vmem>>
    %dma_start3A_69 = tpu.memref_squeeze %dma_start3A_68 : memref<1x128xi32, #tpu.memory_space<vmem>> -> memref<128xi32, #tpu.memory_space<vmem>>
    %dma_start3A_70 = arith.constant 0 : i32
    %dma_start3A_71 = arith.constant 0 : i32
    %dma_start3A_72 = tpu.memref_slice %arg2[%dma_start3A_70, %dma_start3A_71] : memref<10000x16xf32, #tpu.memory_space<hbm>> -> memref<10000x16xf32, #tpu.memory_space<hbm>>
    tpu.enqueue_indirect_dma source(%dma_start3A_72 : memref<10000x16xf32, #tpu.memory_space<hbm>>) target(%dma_start3A_66 : memref<128x16xf32, #tpu.memory_space<vmem>>) offsets(%dma_start3A_69 : memref<128xi32, #tpu.memory_space<vmem>>) semaphore(%arg11 : memref<!tpu.dma_semaphore, #tpu.memory_space<semaphore_mem>>)
    %dma_start3A_73 = arith.constant 5 : i32
    %dma_start3A_74 = arith.constant 0 : i32
    %dma_start3A_75 = arith.constant 5 : i32
    %dma_start3A_76 = arith.constant 0 : i32
    %dma_start3A_77 = arith.constant 0 : i32
    %dma_start3A_78 = tpu.memref_slice %arg9[%dma_start3A_74, %dma_start3A_75, %dma_start3A_76, %dma_start3A_77] : memref<2x8x128x16xf32, #tpu.memory_space<vmem>> -> memref<1x1x128x16xf32, #tpu.memory_space<vmem>>
    %dma_start3A_79 = tpu.memref_squeeze %dma_start3A_78 : memref<1x1x128x16xf32, #tpu.memory_space<vmem>> -> memref<128x16xf32, #tpu.memory_space<vmem>>
    %dma_start3A_80 = arith.constant 0 : i32
    %dma_start3A_81 = tpu.memref_slice %arg7[%dma_start3A_73, %dma_start3A_80] : memref<80x128xi32, #tpu.memory_space<vmem>> -> memref<1x128xi32, #tpu.memory_space<vmem>>
    %dma_start3A_82 = tpu.memref_squeeze %dma_start3A_81 : memref<1x128xi32, #tpu.memory_space<vmem>> -> memref<128xi32, #tpu.memory_space<vmem>>
    %dma_start3A_83 = arith.constant 0 : i32
    %dma_start3A_84 = arith.constant 0 : i32
    %dma_start3A_85 = tpu.memref_slice %arg2[%dma_start3A_83, %dma_start3A_84] : memref<10000x16xf32, #tpu.memory_space<hbm>> -> memref<10000x16xf32, #tpu.memory_space<hbm>>
    tpu.enqueue_indirect_dma source(%dma_start3A_85 : memref<10000x16xf32, #tpu.memory_space<hbm>>) target(%dma_start3A_79 : memref<128x16xf32, #tpu.memory_space<vmem>>) offsets(%dma_start3A_82 : memref<128xi32, #tpu.memory_space<vmem>>) semaphore(%arg11 : memref<!tpu.dma_semaphore, #tpu.memory_space<semaphore_mem>>)
    %dma_start3A_86 = arith.constant 6 : i32
    %dma_start3A_87 = arith.constant 0 : i32
    %dma_start3A_88 = arith.constant 6 : i32
    %dma_start3A_89 = arith.constant 0 : i32
    %dma_start3A_90 = arith.constant 0 : i32
    %dma_start3A_91 = tpu.memref_slice %arg9[%dma_start3A_87, %dma_start3A_88, %dma_start3A_89, %dma_start3A_90] : memref<2x8x128x16xf32, #tpu.memory_space<vmem>> -> memref<1x1x128x16xf32, #tpu.memory_space<vmem>>
    %dma_start3A_92 = tpu.memref_squeeze %dma_start3A_91 : memref<1x1x128x16xf32, #tpu.memory_space<vmem>> -> memref<128x16xf32, #tpu.memory_space<vmem>>
    %dma_start3A_93 = arith.constant 0 : i32
    %dma_start3A_94 = tpu.memref_slice %arg7[%dma_start3A_86, %dma_start3A_93] : memref<80x128xi32, #tpu.memory_space<vmem>> -> memref<1x128xi32, #tpu.memory_space<vmem>>
    %dma_start3A_95 = tpu.memref_squeeze %dma_start3A_94 : memref<1x128xi32, #tpu.memory_space<vmem>> -> memref<128xi32, #tpu.memory_space<vmem>>
    %dma_start3A_96 = arith.constant 0 : i32
    %dma_start3A_97 = arith.constant 0 : i32
    %dma_start3A_98 = tpu.memref_slice %arg2[%dma_start3A_96, %dma_start3A_97] : memref<10000x16xf32, #tpu.memory_space<hbm>> -> memref<10000x16xf32, #tpu.memory_space<hbm>>
    tpu.enqueue_indirect_dma source(%dma_start3A_98 : memref<10000x16xf32, #tpu.memory_space<hbm>>) target(%dma_start3A_92 : memref<128x16xf32, #tpu.memory_space<vmem>>) offsets(%dma_start3A_95 : memref<128xi32, #tpu.memory_space<vmem>>) semaphore(%arg11 : memref<!tpu.dma_semaphore, #tpu.memory_space<semaphore_mem>>)
    %dma_start3A_99 = arith.constant 7 : i32
    %dma_start3A_100 = arith.constant 0 : i32
    %dma_start3A_101 = arith.constant 7 : i32
    %dma_start3A_102 = arith.constant 0 : i32
    %dma_start3A_103 = arith.constant 0 : i32
    %dma_start3A_104 = tpu.memref_slice %arg9[%dma_start3A_100, %dma_start3A_101, %dma_start3A_102, %dma_start3A_103] : memref<2x8x128x16xf32, #tpu.memory_space<vmem>> -> memref<1x1x128x16xf32, #tpu.memory_space<vmem>>
    %dma_start3A_105 = tpu.memref_squeeze %dma_start3A_104 : memref<1x1x128x16xf32, #tpu.memory_space<vmem>> -> memref<128x16xf32, #tpu.memory_space<vmem>>
    %dma_start3A_106 = arith.constant 0 : i32
    %dma_start3A_107 = tpu.memref_slice %arg7[%dma_start3A_99, %dma_start3A_106] : memref<80x128xi32, #tpu.memory_space<vmem>> -> memref<1x128xi32, #tpu.memory_space<vmem>>
    %dma_start3A_108 = tpu.memref_squeeze %dma_start3A_107 : memref<1x128xi32, #tpu.memory_space<vmem>> -> memref<128xi32, #tpu.memory_space<vmem>>
    %dma_start3A_109 = arith.constant 0 : i32
    %dma_start3A_110 = arith.constant 0 : i32
    %dma_start3A_111 = tpu.memref_slice %arg2[%dma_start3A_109, %dma_start3A_110] : memref<10000x16xf32, #tpu.memory_space<hbm>> -> memref<10000x16xf32, #tpu.memory_space<hbm>>
    tpu.enqueue_indirect_dma source(%dma_start3A_111 : memref<10000x16xf32, #tpu.memory_space<hbm>>) target(%dma_start3A_105 : memref<128x16xf32, #tpu.memory_space<vmem>>) offsets(%dma_start3A_108 : memref<128xi32, #tpu.memory_space<vmem>>) semaphore(%arg11 : memref<!tpu.dma_semaphore, #tpu.memory_space<semaphore_mem>>)
    %scan3A = arith.constant 0 : i32
    %scan3A_112 = arith.constant 0 : i32
    %scan3A_113 = arith.constant 10 : i32
    %scan3A_114 = arith.addi %scan3A_112, %scan3A_113 : i32
    %scan3A_115 = arith.constant 1 : i32
    scf.for %scan3A_225 = %scan3A_112 to %scan3A_114 step %scan3A_115  : i32 {
      %jit3A = arith.constant 2 : i32
      %eq3A = arith.constant 0 : i32
      %eq3A_226 = arith.cmpi eq, %jit3A, %eq3A : i32
      %jit3A_227 = arith.constant 1 : i32
      %select_n3A = arith.select %eq3A_226, %jit3A_227, %jit3A : i32
      %rem3A = arith.remsi %scan3A_225, %select_n3A : i32
      %ne3A = arith.constant 0 : i32
      %ne3A_228 = arith.cmpi ne, %rem3A, %ne3A : i32
      %lt3A = arith.constant 0 : i32
      %lt3A_229 = arith.cmpi slt, %rem3A, %lt3A : i32
      %lt3A_230 = arith.constant 0 : i32
      %lt3A_231 = arith.cmpi slt, %select_n3A, %lt3A_230 : i32
      %ne3A_232 = arith.xori %lt3A_229, %lt3A_231 : i1
      %and3A = arith.andi %ne3A_232, %ne3A_228 : i1
      %add3A_233 = arith.addi %rem3A, %select_n3A : i32
      %select_n3A_234 = arith.select %and3A, %add3A_233, %rem3A : i32
      %mul3A_235 = arith.constant 8 : i32
      %mul3A_236 = arith.muli %scan3A_225, %mul3A_235 : i32
      %add3A_237 = arith.constant 0 : i32
      %add3A_238 = arith.addi %mul3A_236, %add3A_237 : i32
      %dma_wait3A_239 = arith.constant 0 : i32
      %dma_wait3A_240 = arith.constant 0 : i32
      %dma_wait3A_241 = arith.constant 0 : i32
      %dma_wait3A_242 = tpu.memref_slice %arg9[%select_n3A_234, %dma_wait3A_239, %dma_wait3A_240, %dma_wait3A_241] : memref<2x8x128x16xf32, #tpu.memory_space<vmem>> -> memref<1x1x128x16xf32, #tpu.memory_space<vmem>>
      %dma_wait3A_243 = tpu.memref_squeeze %dma_wait3A_242 : memref<1x1x128x16xf32, #tpu.memory_space<vmem>> -> memref<128x16xf32, #tpu.memory_space<vmem>>
      %dma_wait3A_244 = arith.constant 0 : i32
      %dma_wait3A_245 = tpu.memref_slice %arg7[%add3A_238, %dma_wait3A_244] : memref<80x128xi32, #tpu.memory_space<vmem>> -> memref<1x128xi32, #tpu.memory_space<vmem>>
      %dma_wait3A_246 = tpu.memref_squeeze %dma_wait3A_245 : memref<1x128xi32, #tpu.memory_space<vmem>> -> memref<128xi32, #tpu.memory_space<vmem>>
      %dma_wait3A_247 = arith.constant 0 : i32
      %dma_wait3A_248 = arith.constant 0 : i32
      %dma_wait3A_249 = tpu.memref_slice %arg2[%dma_wait3A_247, %dma_wait3A_248] : memref<10000x16xf32, #tpu.memory_space<hbm>> -> memref<10000x16xf32, #tpu.memory_space<hbm>>
      tpu.wait_indirect_dma semaphore(%arg11 : memref<!tpu.dma_semaphore, #tpu.memory_space<semaphore_mem>>) src(%dma_wait3A_249 : memref<10000x16xf32, #tpu.memory_space<hbm>>) dst(%dma_wait3A_243 : memref<128x16xf32, #tpu.memory_space<vmem>>)
      %mul3A_250 = arith.constant 8 : i32
      %mul3A_251 = arith.muli %scan3A_225, %mul3A_250 : i32
      %add3A_252 = arith.constant 1 : i32
      %add3A_253 = arith.addi %mul3A_251, %add3A_252 : i32
      %dma_wait3A_254 = arith.constant 1 : i32
      %dma_wait3A_255 = arith.constant 0 : i32
      %dma_wait3A_256 = arith.constant 0 : i32
      %dma_wait3A_257 = tpu.memref_slice %arg9[%select_n3A_234, %dma_wait3A_254, %dma_wait3A_255, %dma_wait3A_256] : memref<2x8x128x16xf32, #tpu.memory_space<vmem>> -> memref<1x1x128x16xf32, #tpu.memory_space<vmem>>
      %dma_wait3A_258 = tpu.memref_squeeze %dma_wait3A_257 : memref<1x1x128x16xf32, #tpu.memory_space<vmem>> -> memref<128x16xf32, #tpu.memory_space<vmem>>
      %dma_wait3A_259 = arith.constant 0 : i32
      %dma_wait3A_260 = tpu.memref_slice %arg7[%add3A_253, %dma_wait3A_259] : memref<80x128xi32, #tpu.memory_space<vmem>> -> memref<1x128xi32, #tpu.memory_space<vmem>>
      %dma_wait3A_261 = tpu.memref_squeeze %dma_wait3A_260 : memref<1x128xi32, #tpu.memory_space<vmem>> -> memref<128xi32, #tpu.memory_space<vmem>>
      %dma_wait3A_262 = arith.constant 0 : i32
      %dma_wait3A_263 = arith.constant 0 : i32
      %dma_wait3A_264 = tpu.memref_slice %arg2[%dma_wait3A_262, %dma_wait3A_263] : memref<10000x16xf32, #tpu.memory_space<hbm>> -> memref<10000x16xf32, #tpu.memory_space<hbm>>
      tpu.wait_indirect_dma semaphore(%arg11 : memref<!tpu.dma_semaphore, #tpu.memory_space<semaphore_mem>>) src(%dma_wait3A_264 : memref<10000x16xf32, #tpu.memory_space<hbm>>) dst(%dma_wait3A_258 : memref<128x16xf32, #tpu.memory_space<vmem>>)
      %mul3A_265 = arith.constant 8 : i32
      %mul3A_266 = arith.muli %scan3A_225, %mul3A_265 : i32
      %add3A_267 = arith.constant 2 : i32
      %add3A_268 = arith.addi %mul3A_266, %add3A_267 : i32
      %dma_wait3A_269 = arith.constant 2 : i32
      %dma_wait3A_270 = arith.constant 0 : i32
      %dma_wait3A_271 = arith.constant 0 : i32
      %dma_wait3A_272 = tpu.memref_slice %arg9[%select_n3A_234, %dma_wait3A_269, %dma_wait3A_270, %dma_wait3A_271] : memref<2x8x128x16xf32, #tpu.memory_space<vmem>> -> memref<1x1x128x16xf32, #tpu.memory_space<vmem>>
      %dma_wait3A_273 = tpu.memref_squeeze %dma_wait3A_272 : memref<1x1x128x16xf32, #tpu.memory_space<vmem>> -> memref<128x16xf32, #tpu.memory_space<vmem>>
      %dma_wait3A_274 = arith.constant 0 : i32
      %dma_wait3A_275 = tpu.memref_slice %arg7[%add3A_268, %dma_wait3A_274] : memref<80x128xi32, #tpu.memory_space<vmem>> -> memref<1x128xi32, #tpu.memory_space<vmem>>
      %dma_wait3A_276 = tpu.memref_squeeze %dma_wait3A_275 : memref<1x128xi32, #tpu.memory_space<vmem>> -> memref<128xi32, #tpu.memory_space<vmem>>
      %dma_wait3A_277 = arith.constant 0 : i32
      %dma_wait3A_278 = arith.constant 0 : i32
      %dma_wait3A_279 = tpu.memref_slice %arg2[%dma_wait3A_277, %dma_wait3A_278] : memref<10000x16xf32, #tpu.memory_space<hbm>> -> memref<10000x16xf32, #tpu.memory_space<hbm>>
      tpu.wait_indirect_dma semaphore(%arg11 : memref<!tpu.dma_semaphore, #tpu.memory_space<semaphore_mem>>) src(%dma_wait3A_279 : memref<10000x16xf32, #tpu.memory_space<hbm>>) dst(%dma_wait3A_273 : memref<128x16xf32, #tpu.memory_space<vmem>>)
      %mul3A_280 = arith.constant 8 : i32
      %mul3A_281 = arith.muli %scan3A_225, %mul3A_280 : i32
      %add3A_282 = arith.constant 3 : i32
      %add3A_283 = arith.addi %mul3A_281, %add3A_282 : i32
      %dma_wait3A_284 = arith.constant 3 : i32
      %dma_wait3A_285 = arith.constant 0 : i32
      %dma_wait3A_286 = arith.constant 0 : i32
      %dma_wait3A_287 = tpu.memref_slice %arg9[%select_n3A_234, %dma_wait3A_284, %dma_wait3A_285, %dma_wait3A_286] : memref<2x8x128x16xf32, #tpu.memory_space<vmem>> -> memref<1x1x128x16xf32, #tpu.memory_space<vmem>>
      %dma_wait3A_288 = tpu.memref_squeeze %dma_wait3A_287 : memref<1x1x128x16xf32, #tpu.memory_space<vmem>> -> memref<128x16xf32, #tpu.memory_space<vmem>>
      %dma_wait3A_289 = arith.constant 0 : i32
      %dma_wait3A_290 = tpu.memref_slice %arg7[%add3A_283, %dma_wait3A_289] : memref<80x128xi32, #tpu.memory_space<vmem>> -> memref<1x128xi32, #tpu.memory_space<vmem>>
      %dma_wait3A_291 = tpu.memref_squeeze %dma_wait3A_290 : memref<1x128xi32, #tpu.memory_space<vmem>> -> memref<128xi32, #tpu.memory_space<vmem>>
      %dma_wait3A_292 = arith.constant 0 : i32
      %dma_wait3A_293 = arith.constant 0 : i32
      %dma_wait3A_294 = tpu.memref_slice %arg2[%dma_wait3A_292, %dma_wait3A_293] : memref<10000x16xf32, #tpu.memory_space<hbm>> -> memref<10000x16xf32, #tpu.memory_space<hbm>>
      tpu.wait_indirect_dma semaphore(%arg11 : memref<!tpu.dma_semaphore, #tpu.memory_space<semaphore_mem>>) src(%dma_wait3A_294 : memref<10000x16xf32, #tpu.memory_space<hbm>>) dst(%dma_wait3A_288 : memref<128x16xf32, #tpu.memory_space<vmem>>)
      %mul3A_295 = arith.constant 8 : i32
      %mul3A_296 = arith.muli %scan3A_225, %mul3A_295 : i32
      %add3A_297 = arith.constant 4 : i32
      %add3A_298 = arith.addi %mul3A_296, %add3A_297 : i32
      %dma_wait3A_299 = arith.constant 4 : i32
      %dma_wait3A_300 = arith.constant 0 : i32
      %dma_wait3A_301 = arith.constant 0 : i32
      %dma_wait3A_302 = tpu.memref_slice %arg9[%select_n3A_234, %dma_wait3A_299, %dma_wait3A_300, %dma_wait3A_301] : memref<2x8x128x16xf32, #tpu.memory_space<vmem>> -> memref<1x1x128x16xf32, #tpu.memory_space<vmem>>
      %dma_wait3A_303 = tpu.memref_squeeze %dma_wait3A_302 : memref<1x1x128x16xf32, #tpu.memory_space<vmem>> -> memref<128x16xf32, #tpu.memory_space<vmem>>
      %dma_wait3A_304 = arith.constant 0 : i32
      %dma_wait3A_305 = tpu.memref_slice %arg7[%add3A_298, %dma_wait3A_304] : memref<80x128xi32, #tpu.memory_space<vmem>> -> memref<1x128xi32, #tpu.memory_space<vmem>>
      %dma_wait3A_306 = tpu.memref_squeeze %dma_wait3A_305 : memref<1x128xi32, #tpu.memory_space<vmem>> -> memref<128xi32, #tpu.memory_space<vmem>>
      %dma_wait3A_307 = arith.constant 0 : i32
      %dma_wait3A_308 = arith.constant 0 : i32
      %dma_wait3A_309 = tpu.memref_slice %arg2[%dma_wait3A_307, %dma_wait3A_308] : memref<10000x16xf32, #tpu.memory_space<hbm>> -> memref<10000x16xf32, #tpu.memory_space<hbm>>
      tpu.wait_indirect_dma semaphore(%arg11 : memref<!tpu.dma_semaphore, #tpu.memory_space<semaphore_mem>>) src(%dma_wait3A_309 : memref<10000x16xf32, #tpu.memory_space<hbm>>) dst(%dma_wait3A_303 : memref<128x16xf32, #tpu.memory_space<vmem>>)
      %mul3A_310 = arith.constant 8 : i32
      %mul3A_311 = arith.muli %scan3A_225, %mul3A_310 : i32
      %add3A_312 = arith.constant 5 : i32
      %add3A_313 = arith.addi %mul3A_311, %add3A_312 : i32
      %dma_wait3A_314 = arith.constant 5 : i32
      %dma_wait3A_315 = arith.constant 0 : i32
      %dma_wait3A_316 = arith.constant 0 : i32
      %dma_wait3A_317 = tpu.memref_slice %arg9[%select_n3A_234, %dma_wait3A_314, %dma_wait3A_315, %dma_wait3A_316] : memref<2x8x128x16xf32, #tpu.memory_space<vmem>> -> memref<1x1x128x16xf32, #tpu.memory_space<vmem>>
      %dma_wait3A_318 = tpu.memref_squeeze %dma_wait3A_317 : memref<1x1x128x16xf32, #tpu.memory_space<vmem>> -> memref<128x16xf32, #tpu.memory_space<vmem>>
      %dma_wait3A_319 = arith.constant 0 : i32
      %dma_wait3A_320 = tpu.memref_slice %arg7[%add3A_313, %dma_wait3A_319] : memref<80x128xi32, #tpu.memory_space<vmem>> -> memref<1x128xi32, #tpu.memory_space<vmem>>
      %dma_wait3A_321 = tpu.memref_squeeze %dma_wait3A_320 : memref<1x128xi32, #tpu.memory_space<vmem>> -> memref<128xi32, #tpu.memory_space<vmem>>
      %dma_wait3A_322 = arith.constant 0 : i32
      %dma_wait3A_323 = arith.constant 0 : i32
      %dma_wait3A_324 = tpu.memref_slice %arg2[%dma_wait3A_322, %dma_wait3A_323] : memref<10000x16xf32, #tpu.memory_space<hbm>> -> memref<10000x16xf32, #tpu.memory_space<hbm>>
      tpu.wait_indirect_dma semaphore(%arg11 : memref<!tpu.dma_semaphore, #tpu.memory_space<semaphore_mem>>) src(%dma_wait3A_324 : memref<10000x16xf32, #tpu.memory_space<hbm>>) dst(%dma_wait3A_318 : memref<128x16xf32, #tpu.memory_space<vmem>>)
      %mul3A_325 = arith.constant 8 : i32
      %mul3A_326 = arith.muli %scan3A_225, %mul3A_325 : i32
      %add3A_327 = arith.constant 6 : i32
      %add3A_328 = arith.addi %mul3A_326, %add3A_327 : i32
      %dma_wait3A_329 = arith.constant 6 : i32
      %dma_wait3A_330 = arith.constant 0 : i32
      %dma_wait3A_331 = arith.constant 0 : i32
      %dma_wait3A_332 = tpu.memref_slice %arg9[%select_n3A_234, %dma_wait3A_329, %dma_wait3A_330, %dma_wait3A_331] : memref<2x8x128x16xf32, #tpu.memory_space<vmem>> -> memref<1x1x128x16xf32, #tpu.memory_space<vmem>>
      %dma_wait3A_333 = tpu.memref_squeeze %dma_wait3A_332 : memref<1x1x128x16xf32, #tpu.memory_space<vmem>> -> memref<128x16xf32, #tpu.memory_space<vmem>>
      %dma_wait3A_334 = arith.constant 0 : i32
      %dma_wait3A_335 = tpu.memref_slice %arg7[%add3A_328, %dma_wait3A_334] : memref<80x128xi32, #tpu.memory_space<vmem>> -> memref<1x128xi32, #tpu.memory_space<vmem>>
      %dma_wait3A_336 = tpu.memref_squeeze %dma_wait3A_335 : memref<1x128xi32, #tpu.memory_space<vmem>> -> memref<128xi32, #tpu.memory_space<vmem>>
      %dma_wait3A_337 = arith.constant 0 : i32
      %dma_wait3A_338 = arith.constant 0 : i32
      %dma_wait3A_339 = tpu.memref_slice %arg2[%dma_wait3A_337, %dma_wait3A_338] : memref<10000x16xf32, #tpu.memory_space<hbm>> -> memref<10000x16xf32, #tpu.memory_space<hbm>>
      tpu.wait_indirect_dma semaphore(%arg11 : memref<!tpu.dma_semaphore, #tpu.memory_space<semaphore_mem>>) src(%dma_wait3A_339 : memref<10000x16xf32, #tpu.memory_space<hbm>>) dst(%dma_wait3A_333 : memref<128x16xf32, #tpu.memory_space<vmem>>)
      %mul3A_340 = arith.constant 8 : i32
      %mul3A_341 = arith.muli %scan3A_225, %mul3A_340 : i32
      %add3A_342 = arith.constant 7 : i32
      %add3A_343 = arith.addi %mul3A_341, %add3A_342 : i32
      %dma_wait3A_344 = arith.constant 7 : i32
      %dma_wait3A_345 = arith.constant 0 : i32
      %dma_wait3A_346 = arith.constant 0 : i32
      %dma_wait3A_347 = tpu.memref_slice %arg9[%select_n3A_234, %dma_wait3A_344, %dma_wait3A_345, %dma_wait3A_346] : memref<2x8x128x16xf32, #tpu.memory_space<vmem>> -> memref<1x1x128x16xf32, #tpu.memory_space<vmem>>
      %dma_wait3A_348 = tpu.memref_squeeze %dma_wait3A_347 : memref<1x1x128x16xf32, #tpu.memory_space<vmem>> -> memref<128x16xf32, #tpu.memory_space<vmem>>
      %dma_wait3A_349 = arith.constant 0 : i32
      %dma_wait3A_350 = tpu.memref_slice %arg7[%add3A_343, %dma_wait3A_349] : memref<80x128xi32, #tpu.memory_space<vmem>> -> memref<1x128xi32, #tpu.memory_space<vmem>>
      %dma_wait3A_351 = tpu.memref_squeeze %dma_wait3A_350 : memref<1x128xi32, #tpu.memory_space<vmem>> -> memref<128xi32, #tpu.memory_space<vmem>>
      %dma_wait3A_352 = arith.constant 0 : i32
      %dma_wait3A_353 = arith.constant 0 : i32
      %dma_wait3A_354 = tpu.memref_slice %arg2[%dma_wait3A_352, %dma_wait3A_353] : memref<10000x16xf32, #tpu.memory_space<hbm>> -> memref<10000x16xf32, #tpu.memory_space<hbm>>
      tpu.wait_indirect_dma semaphore(%arg11 : memref<!tpu.dma_semaphore, #tpu.memory_space<semaphore_mem>>) src(%dma_wait3A_354 : memref<10000x16xf32, #tpu.memory_space<hbm>>) dst(%dma_wait3A_348 : memref<128x16xf32, #tpu.memory_space<vmem>>)
      %ge3A = arith.constant 1 : i32
      %ge3A_355 = arith.cmpi sge, %scan3A_225, %ge3A : i32
      %convert_element_type3A = arith.extui %ge3A_355 : i1 to i32
      %cond3A = arith.constant 0 : i32
      %cond3A_356 = arith.cmpi ne, %convert_element_type3A, %cond3A : i32
      scf.if %cond3A_356 {
        %sub3A = arith.constant 1 : i32
        %sub3A_484 = arith.subi %sub3A, %select_n3A_234 : i32
        %sub3A_485 = arith.constant 1 : i32
        %sub3A_486 = arith.subi %scan3A_225, %sub3A_485 : i32
        %mul3A_487 = arith.constant 8 : i32
        %mul3A_488 = arith.muli %sub3A_486, %mul3A_487 : i32
        %add3A_489 = arith.constant 0 : i32
        %add3A_490 = arith.addi %mul3A_488, %add3A_489 : i32
        %dma_wait3A_491 = arith.constant 0 : i32
        %dma_wait3A_492 = arith.constant 0 : i32
        %dma_wait3A_493 = arith.constant 0 : i32
        %dma_wait3A_494 = tpu.memref_slice %arg9[%sub3A_484, %dma_wait3A_491, %dma_wait3A_492, %dma_wait3A_493] : memref<2x8x128x16xf32, #tpu.memory_space<vmem>> -> memref<1x1x128x16xf32, #tpu.memory_space<vmem>>
        %dma_wait3A_495 = tpu.memref_squeeze %dma_wait3A_494 : memref<1x1x128x16xf32, #tpu.memory_space<vmem>> -> memref<128x16xf32, #tpu.memory_space<vmem>>
        %dma_wait3A_496 = arith.constant 0 : i32
        %dma_wait3A_497 = tpu.memref_slice %arg8[%add3A_490, %dma_wait3A_496] : memref<80x128xi32, #tpu.memory_space<vmem>> -> memref<1x128xi32, #tpu.memory_space<vmem>>
        %dma_wait3A_498 = tpu.memref_squeeze %dma_wait3A_497 : memref<1x128xi32, #tpu.memory_space<vmem>> -> memref<128xi32, #tpu.memory_space<vmem>>
        %dma_wait3A_499 = arith.constant 0 : i32
        %dma_wait3A_500 = arith.constant 0 : i32
        %dma_wait3A_501 = tpu.memref_slice %arg10[%dma_wait3A_499, %dma_wait3A_500] : memref<10240x16xf32, #tpu.memory_space<vmem_shared>> -> memref<10240x16xf32, #tpu.memory_space<vmem_shared>>
        tpu.wait_indirect_dma semaphore(%arg12 : memref<!tpu.dma_semaphore, #tpu.memory_space<semaphore_mem>>) src(%dma_wait3A_495 : memref<128x16xf32, #tpu.memory_space<vmem>>) dst(%dma_wait3A_501 : memref<10240x16xf32, #tpu.memory_space<vmem_shared>>)
        %sub3A_502 = arith.constant 1 : i32
        %sub3A_503 = arith.subi %sub3A_502, %select_n3A_234 : i32
        %sub3A_504 = arith.constant 1 : i32
        %sub3A_505 = arith.subi %scan3A_225, %sub3A_504 : i32
        %mul3A_506 = arith.constant 8 : i32
        %mul3A_507 = arith.muli %sub3A_505, %mul3A_506 : i32
        %add3A_508 = arith.constant 1 : i32
        %add3A_509 = arith.addi %mul3A_507, %add3A_508 : i32
        %dma_wait3A_510 = arith.constant 1 : i32
        %dma_wait3A_511 = arith.constant 0 : i32
        %dma_wait3A_512 = arith.constant 0 : i32
        %dma_wait3A_513 = tpu.memref_slice %arg9[%sub3A_503, %dma_wait3A_510, %dma_wait3A_511, %dma_wait3A_512] : memref<2x8x128x16xf32, #tpu.memory_space<vmem>> -> memref<1x1x128x16xf32, #tpu.memory_space<vmem>>
        %dma_wait3A_514 = tpu.memref_squeeze %dma_wait3A_513 : memref<1x1x128x16xf32, #tpu.memory_space<vmem>> -> memref<128x16xf32, #tpu.memory_space<vmem>>
        %dma_wait3A_515 = arith.constant 0 : i32
        %dma_wait3A_516 = tpu.memref_slice %arg8[%add3A_509, %dma_wait3A_515] : memref<80x128xi32, #tpu.memory_space<vmem>> -> memref<1x128xi32, #tpu.memory_space<vmem>>
        %dma_wait3A_517 = tpu.memref_squeeze %dma_wait3A_516 : memref<1x128xi32, #tpu.memory_space<vmem>> -> memref<128xi32, #tpu.memory_space<vmem>>
        %dma_wait3A_518 = arith.constant 0 : i32
        %dma_wait3A_519 = arith.constant 0 : i32
        %dma_wait3A_520 = tpu.memref_slice %arg10[%dma_wait3A_518, %dma_wait3A_519] : memref<10240x16xf32, #tpu.memory_space<vmem_shared>> -> memref<10240x16xf32, #tpu.memory_space<vmem_shared>>
        tpu.wait_indirect_dma semaphore(%arg12 : memref<!tpu.dma_semaphore, #tpu.memory_space<semaphore_mem>>) src(%dma_wait3A_514 : memref<128x16xf32, #tpu.memory_space<vmem>>) dst(%dma_wait3A_520 : memref<10240x16xf32, #tpu.memory_space<vmem_shared>>)
        %sub3A_521 = arith.constant 1 : i32
        %sub3A_522 = arith.subi %sub3A_521, %select_n3A_234 : i32
        %sub3A_523 = arith.constant 1 : i32
        %sub3A_524 = arith.subi %scan3A_225, %sub3A_523 : i32
        %mul3A_525 = arith.constant 8 : i32
        %mul3A_526 = arith.muli %sub3A_524, %mul3A_525 : i32
        %add3A_527 = arith.constant 2 : i32
        %add3A_528 = arith.addi %mul3A_526, %add3A_527 : i32
        %dma_wait3A_529 = arith.constant 2 : i32
        %dma_wait3A_530 = arith.constant 0 : i32
        %dma_wait3A_531 = arith.constant 0 : i32
        %dma_wait3A_532 = tpu.memref_slice %arg9[%sub3A_522, %dma_wait3A_529, %dma_wait3A_530, %dma_wait3A_531] : memref<2x8x128x16xf32, #tpu.memory_space<vmem>> -> memref<1x1x128x16xf32, #tpu.memory_space<vmem>>
        %dma_wait3A_533 = tpu.memref_squeeze %dma_wait3A_532 : memref<1x1x128x16xf32, #tpu.memory_space<vmem>> -> memref<128x16xf32, #tpu.memory_space<vmem>>
        %dma_wait3A_534 = arith.constant 0 : i32
        %dma_wait3A_535 = tpu.memref_slice %arg8[%add3A_528, %dma_wait3A_534] : memref<80x128xi32, #tpu.memory_space<vmem>> -> memref<1x128xi32, #tpu.memory_space<vmem>>
        %dma_wait3A_536 = tpu.memref_squeeze %dma_wait3A_535 : memref<1x128xi32, #tpu.memory_space<vmem>> -> memref<128xi32, #tpu.memory_space<vmem>>
        %dma_wait3A_537 = arith.constant 0 : i32
        %dma_wait3A_538 = arith.constant 0 : i32
        %dma_wait3A_539 = tpu.memref_slice %arg10[%dma_wait3A_537, %dma_wait3A_538] : memref<10240x16xf32, #tpu.memory_space<vmem_shared>> -> memref<10240x16xf32, #tpu.memory_space<vmem_shared>>
        tpu.wait_indirect_dma semaphore(%arg12 : memref<!tpu.dma_semaphore, #tpu.memory_space<semaphore_mem>>) src(%dma_wait3A_533 : memref<128x16xf32, #tpu.memory_space<vmem>>) dst(%dma_wait3A_539 : memref<10240x16xf32, #tpu.memory_space<vmem_shared>>)
        %sub3A_540 = arith.constant 1 : i32
        %sub3A_541 = arith.subi %sub3A_540, %select_n3A_234 : i32
        %sub3A_542 = arith.constant 1 : i32
        %sub3A_543 = arith.subi %scan3A_225, %sub3A_542 : i32
        %mul3A_544 = arith.constant 8 : i32
        %mul3A_545 = arith.muli %sub3A_543, %mul3A_544 : i32
        %add3A_546 = arith.constant 3 : i32
        %add3A_547 = arith.addi %mul3A_545, %add3A_546 : i32
        %dma_wait3A_548 = arith.constant 3 : i32
        %dma_wait3A_549 = arith.constant 0 : i32
        %dma_wait3A_550 = arith.constant 0 : i32
        %dma_wait3A_551 = tpu.memref_slice %arg9[%sub3A_541, %dma_wait3A_548, %dma_wait3A_549, %dma_wait3A_550] : memref<2x8x128x16xf32, #tpu.memory_space<vmem>> -> memref<1x1x128x16xf32, #tpu.memory_space<vmem>>
        %dma_wait3A_552 = tpu.memref_squeeze %dma_wait3A_551 : memref<1x1x128x16xf32, #tpu.memory_space<vmem>> -> memref<128x16xf32, #tpu.memory_space<vmem>>
        %dma_wait3A_553 = arith.constant 0 : i32
        %dma_wait3A_554 = tpu.memref_slice %arg8[%add3A_547, %dma_wait3A_553] : memref<80x128xi32, #tpu.memory_space<vmem>> -> memref<1x128xi32, #tpu.memory_space<vmem>>
        %dma_wait3A_555 = tpu.memref_squeeze %dma_wait3A_554 : memref<1x128xi32, #tpu.memory_space<vmem>> -> memref<128xi32, #tpu.memory_space<vmem>>
        %dma_wait3A_556 = arith.constant 0 : i32
        %dma_wait3A_557 = arith.constant 0 : i32
        %dma_wait3A_558 = tpu.memref_slice %arg10[%dma_wait3A_556, %dma_wait3A_557] : memref<10240x16xf32, #tpu.memory_space<vmem_shared>> -> memref<10240x16xf32, #tpu.memory_space<vmem_shared>>
        tpu.wait_indirect_dma semaphore(%arg12 : memref<!tpu.dma_semaphore, #tpu.memory_space<semaphore_mem>>) src(%dma_wait3A_552 : memref<128x16xf32, #tpu.memory_space<vmem>>) dst(%dma_wait3A_558 : memref<10240x16xf32, #tpu.memory_space<vmem_shared>>)
        %sub3A_559 = arith.constant 1 : i32
        %sub3A_560 = arith.subi %sub3A_559, %select_n3A_234 : i32
        %sub3A_561 = arith.constant 1 : i32
        %sub3A_562 = arith.subi %scan3A_225, %sub3A_561 : i32
        %mul3A_563 = arith.constant 8 : i32
        %mul3A_564 = arith.muli %sub3A_562, %mul3A_563 : i32
        %add3A_565 = arith.constant 4 : i32
        %add3A_566 = arith.addi %mul3A_564, %add3A_565 : i32
        %dma_wait3A_567 = arith.constant 4 : i32
        %dma_wait3A_568 = arith.constant 0 : i32
        %dma_wait3A_569 = arith.constant 0 : i32
        %dma_wait3A_570 = tpu.memref_slice %arg9[%sub3A_560, %dma_wait3A_567, %dma_wait3A_568, %dma_wait3A_569] : memref<2x8x128x16xf32, #tpu.memory_space<vmem>> -> memref<1x1x128x16xf32, #tpu.memory_space<vmem>>
        %dma_wait3A_571 = tpu.memref_squeeze %dma_wait3A_570 : memref<1x1x128x16xf32, #tpu.memory_space<vmem>> -> memref<128x16xf32, #tpu.memory_space<vmem>>
        %dma_wait3A_572 = arith.constant 0 : i32
        %dma_wait3A_573 = tpu.memref_slice %arg8[%add3A_566, %dma_wait3A_572] : memref<80x128xi32, #tpu.memory_space<vmem>> -> memref<1x128xi32, #tpu.memory_space<vmem>>
        %dma_wait3A_574 = tpu.memref_squeeze %dma_wait3A_573 : memref<1x128xi32, #tpu.memory_space<vmem>> -> memref<128xi32, #tpu.memory_space<vmem>>
        %dma_wait3A_575 = arith.constant 0 : i32
        %dma_wait3A_576 = arith.constant 0 : i32
        %dma_wait3A_577 = tpu.memref_slice %arg10[%dma_wait3A_575, %dma_wait3A_576] : memref<10240x16xf32, #tpu.memory_space<vmem_shared>> -> memref<10240x16xf32, #tpu.memory_space<vmem_shared>>
        tpu.wait_indirect_dma semaphore(%arg12 : memref<!tpu.dma_semaphore, #tpu.memory_space<semaphore_mem>>) src(%dma_wait3A_571 : memref<128x16xf32, #tpu.memory_space<vmem>>) dst(%dma_wait3A_577 : memref<10240x16xf32, #tpu.memory_space<vmem_shared>>)
        %sub3A_578 = arith.constant 1 : i32
        %sub3A_579 = arith.subi %sub3A_578, %select_n3A_234 : i32
        %sub3A_580 = arith.constant 1 : i32
        %sub3A_581 = arith.subi %scan3A_225, %sub3A_580 : i32
        %mul3A_582 = arith.constant 8 : i32
        %mul3A_583 = arith.muli %sub3A_581, %mul3A_582 : i32
        %add3A_584 = arith.constant 5 : i32
        %add3A_585 = arith.addi %mul3A_583, %add3A_584 : i32
        %dma_wait3A_586 = arith.constant 5 : i32
        %dma_wait3A_587 = arith.constant 0 : i32
        %dma_wait3A_588 = arith.constant 0 : i32
        %dma_wait3A_589 = tpu.memref_slice %arg9[%sub3A_579, %dma_wait3A_586, %dma_wait3A_587, %dma_wait3A_588] : memref<2x8x128x16xf32, #tpu.memory_space<vmem>> -> memref<1x1x128x16xf32, #tpu.memory_space<vmem>>
        %dma_wait3A_590 = tpu.memref_squeeze %dma_wait3A_589 : memref<1x1x128x16xf32, #tpu.memory_space<vmem>> -> memref<128x16xf32, #tpu.memory_space<vmem>>
        %dma_wait3A_591 = arith.constant 0 : i32
        %dma_wait3A_592 = tpu.memref_slice %arg8[%add3A_585, %dma_wait3A_591] : memref<80x128xi32, #tpu.memory_space<vmem>> -> memref<1x128xi32, #tpu.memory_space<vmem>>
        %dma_wait3A_593 = tpu.memref_squeeze %dma_wait3A_592 : memref<1x128xi32, #tpu.memory_space<vmem>> -> memref<128xi32, #tpu.memory_space<vmem>>
        %dma_wait3A_594 = arith.constant 0 : i32
        %dma_wait3A_595 = arith.constant 0 : i32
        %dma_wait3A_596 = tpu.memref_slice %arg10[%dma_wait3A_594, %dma_wait3A_595] : memref<10240x16xf32, #tpu.memory_space<vmem_shared>> -> memref<10240x16xf32, #tpu.memory_space<vmem_shared>>
        tpu.wait_indirect_dma semaphore(%arg12 : memref<!tpu.dma_semaphore, #tpu.memory_space<semaphore_mem>>) src(%dma_wait3A_590 : memref<128x16xf32, #tpu.memory_space<vmem>>) dst(%dma_wait3A_596 : memref<10240x16xf32, #tpu.memory_space<vmem_shared>>)
        %sub3A_597 = arith.constant 1 : i32
        %sub3A_598 = arith.subi %sub3A_597, %select_n3A_234 : i32
        %sub3A_599 = arith.constant 1 : i32
        %sub3A_600 = arith.subi %scan3A_225, %sub3A_599 : i32
        %mul3A_601 = arith.constant 8 : i32
        %mul3A_602 = arith.muli %sub3A_600, %mul3A_601 : i32
        %add3A_603 = arith.constant 6 : i32
        %add3A_604 = arith.addi %mul3A_602, %add3A_603 : i32
        %dma_wait3A_605 = arith.constant 6 : i32
        %dma_wait3A_606 = arith.constant 0 : i32
        %dma_wait3A_607 = arith.constant 0 : i32
        %dma_wait3A_608 = tpu.memref_slice %arg9[%sub3A_598, %dma_wait3A_605, %dma_wait3A_606, %dma_wait3A_607] : memref<2x8x128x16xf32, #tpu.memory_space<vmem>> -> memref<1x1x128x16xf32, #tpu.memory_space<vmem>>
        %dma_wait3A_609 = tpu.memref_squeeze %dma_wait3A_608 : memref<1x1x128x16xf32, #tpu.memory_space<vmem>> -> memref<128x16xf32, #tpu.memory_space<vmem>>
        %dma_wait3A_610 = arith.constant 0 : i32
        %dma_wait3A_611 = tpu.memref_slice %arg8[%add3A_604, %dma_wait3A_610] : memref<80x128xi32, #tpu.memory_space<vmem>> -> memref<1x128xi32, #tpu.memory_space<vmem>>
        %dma_wait3A_612 = tpu.memref_squeeze %dma_wait3A_611 : memref<1x128xi32, #tpu.memory_space<vmem>> -> memref<128xi32, #tpu.memory_space<vmem>>
        %dma_wait3A_613 = arith.constant 0 : i32
        %dma_wait3A_614 = arith.constant 0 : i32
        %dma_wait3A_615 = tpu.memref_slice %arg10[%dma_wait3A_613, %dma_wait3A_614] : memref<10240x16xf32, #tpu.memory_space<vmem_shared>> -> memref<10240x16xf32, #tpu.memory_space<vmem_shared>>
        tpu.wait_indirect_dma semaphore(%arg12 : memref<!tpu.dma_semaphore, #tpu.memory_space<semaphore_mem>>) src(%dma_wait3A_609 : memref<128x16xf32, #tpu.memory_space<vmem>>) dst(%dma_wait3A_615 : memref<10240x16xf32, #tpu.memory_space<vmem_shared>>)
        %sub3A_616 = arith.constant 1 : i32
        %sub3A_617 = arith.subi %sub3A_616, %select_n3A_234 : i32
        %sub3A_618 = arith.constant 1 : i32
        %sub3A_619 = arith.subi %scan3A_225, %sub3A_618 : i32
        %mul3A_620 = arith.constant 8 : i32
        %mul3A_621 = arith.muli %sub3A_619, %mul3A_620 : i32
        %add3A_622 = arith.constant 7 : i32
        %add3A_623 = arith.addi %mul3A_621, %add3A_622 : i32
        %dma_wait3A_624 = arith.constant 7 : i32
        %dma_wait3A_625 = arith.constant 0 : i32
        %dma_wait3A_626 = arith.constant 0 : i32
        %dma_wait3A_627 = tpu.memref_slice %arg9[%sub3A_617, %dma_wait3A_624, %dma_wait3A_625, %dma_wait3A_626] : memref<2x8x128x16xf32, #tpu.memory_space<vmem>> -> memref<1x1x128x16xf32, #tpu.memory_space<vmem>>
        %dma_wait3A_628 = tpu.memref_squeeze %dma_wait3A_627 : memref<1x1x128x16xf32, #tpu.memory_space<vmem>> -> memref<128x16xf32, #tpu.memory_space<vmem>>
        %dma_wait3A_629 = arith.constant 0 : i32
        %dma_wait3A_630 = tpu.memref_slice %arg8[%add3A_623, %dma_wait3A_629] : memref<80x128xi32, #tpu.memory_space<vmem>> -> memref<1x128xi32, #tpu.memory_space<vmem>>
        %dma_wait3A_631 = tpu.memref_squeeze %dma_wait3A_630 : memref<1x128xi32, #tpu.memory_space<vmem>> -> memref<128xi32, #tpu.memory_space<vmem>>
        %dma_wait3A_632 = arith.constant 0 : i32
        %dma_wait3A_633 = arith.constant 0 : i32
        %dma_wait3A_634 = tpu.memref_slice %arg10[%dma_wait3A_632, %dma_wait3A_633] : memref<10240x16xf32, #tpu.memory_space<vmem_shared>> -> memref<10240x16xf32, #tpu.memory_space<vmem_shared>>
        tpu.wait_indirect_dma semaphore(%arg12 : memref<!tpu.dma_semaphore, #tpu.memory_space<semaphore_mem>>) src(%dma_wait3A_628 : memref<128x16xf32, #tpu.memory_space<vmem>>) dst(%dma_wait3A_634 : memref<10240x16xf32, #tpu.memory_space<vmem_shared>>)
      } else {
      }
      %add3A_357 = arith.constant 1 : i32
      %add3A_358 = arith.addi %scan3A_225, %add3A_357 : i32
      %lt3A_359 = arith.constant 10 : i32
      %lt3A_360 = arith.cmpi slt, %add3A_358, %lt3A_359 : i32
      %convert_element_type3A_361 = arith.extui %lt3A_360 : i1 to i32
      %cond3A_362 = arith.constant 0 : i32
      %cond3A_363 = arith.cmpi ne, %convert_element_type3A_361, %cond3A_362 : i32
      scf.if %cond3A_363 {
        %add3A_484 = arith.constant 1 : i32
        %add3A_485 = arith.addi %scan3A_225, %add3A_484 : i32
        %mul3A_486 = arith.constant 8 : i32
        %mul3A_487 = arith.muli %add3A_485, %mul3A_486 : i32
        %add3A_488 = arith.constant 0 : i32
        %add3A_489 = arith.addi %mul3A_487, %add3A_488 : i32
        %sub3A = arith.constant 1 : i32
        %sub3A_490 = arith.subi %sub3A, %select_n3A_234 : i32
        %dma_start3A_491 = arith.constant 0 : i32
        %dma_start3A_492 = arith.constant 0 : i32
        %dma_start3A_493 = arith.constant 0 : i32
        %dma_start3A_494 = tpu.memref_slice %arg9[%sub3A_490, %dma_start3A_491, %dma_start3A_492, %dma_start3A_493] : memref<2x8x128x16xf32, #tpu.memory_space<vmem>> -> memref<1x1x128x16xf32, #tpu.memory_space<vmem>>
        %dma_start3A_495 = tpu.memref_squeeze %dma_start3A_494 : memref<1x1x128x16xf32, #tpu.memory_space<vmem>> -> memref<128x16xf32, #tpu.memory_space<vmem>>
        %dma_start3A_496 = arith.constant 0 : i32
        %dma_start3A_497 = tpu.memref_slice %arg7[%add3A_489, %dma_start3A_496] : memref<80x128xi32, #tpu.memory_space<vmem>> -> memref<1x128xi32, #tpu.memory_space<vmem>>
        %dma_start3A_498 = tpu.memref_squeeze %dma_start3A_497 : memref<1x128xi32, #tpu.memory_space<vmem>> -> memref<128xi32, #tpu.memory_space<vmem>>
        %dma_start3A_499 = arith.constant 0 : i32
        %dma_start3A_500 = arith.constant 0 : i32
        %dma_start3A_501 = tpu.memref_slice %arg2[%dma_start3A_499, %dma_start3A_500] : memref<10000x16xf32, #tpu.memory_space<hbm>> -> memref<10000x16xf32, #tpu.memory_space<hbm>>
        tpu.enqueue_indirect_dma source(%dma_start3A_501 : memref<10000x16xf32, #tpu.memory_space<hbm>>) target(%dma_start3A_495 : memref<128x16xf32, #tpu.memory_space<vmem>>) offsets(%dma_start3A_498 : memref<128xi32, #tpu.memory_space<vmem>>) semaphore(%arg11 : memref<!tpu.dma_semaphore, #tpu.memory_space<semaphore_mem>>)
        %add3A_502 = arith.constant 1 : i32
        %add3A_503 = arith.addi %scan3A_225, %add3A_502 : i32
        %mul3A_504 = arith.constant 8 : i32
        %mul3A_505 = arith.muli %add3A_503, %mul3A_504 : i32
        %add3A_506 = arith.constant 1 : i32
        %add3A_507 = arith.addi %mul3A_505, %add3A_506 : i32
        %sub3A_508 = arith.constant 1 : i32
        %sub3A_509 = arith.subi %sub3A_508, %select_n3A_234 : i32
        %dma_start3A_510 = arith.constant 1 : i32
        %dma_start3A_511 = arith.constant 0 : i32
        %dma_start3A_512 = arith.constant 0 : i32
        %dma_start3A_513 = tpu.memref_slice %arg9[%sub3A_509, %dma_start3A_510, %dma_start3A_511, %dma_start3A_512] : memref<2x8x128x16xf32, #tpu.memory_space<vmem>> -> memref<1x1x128x16xf32, #tpu.memory_space<vmem>>
        %dma_start3A_514 = tpu.memref_squeeze %dma_start3A_513 : memref<1x1x128x16xf32, #tpu.memory_space<vmem>> -> memref<128x16xf32, #tpu.memory_space<vmem>>
        %dma_start3A_515 = arith.constant 0 : i32
        %dma_start3A_516 = tpu.memref_slice %arg7[%add3A_507, %dma_start3A_515] : memref<80x128xi32, #tpu.memory_space<vmem>> -> memref<1x128xi32, #tpu.memory_space<vmem>>
        %dma_start3A_517 = tpu.memref_squeeze %dma_start3A_516 : memref<1x128xi32, #tpu.memory_space<vmem>> -> memref<128xi32, #tpu.memory_space<vmem>>
        %dma_start3A_518 = arith.constant 0 : i32
        %dma_start3A_519 = arith.constant 0 : i32
        %dma_start3A_520 = tpu.memref_slice %arg2[%dma_start3A_518, %dma_start3A_519] : memref<10000x16xf32, #tpu.memory_space<hbm>> -> memref<10000x16xf32, #tpu.memory_space<hbm>>
        tpu.enqueue_indirect_dma source(%dma_start3A_520 : memref<10000x16xf32, #tpu.memory_space<hbm>>) target(%dma_start3A_514 : memref<128x16xf32, #tpu.memory_space<vmem>>) offsets(%dma_start3A_517 : memref<128xi32, #tpu.memory_space<vmem>>) semaphore(%arg11 : memref<!tpu.dma_semaphore, #tpu.memory_space<semaphore_mem>>)
        %add3A_521 = arith.constant 1 : i32
        %add3A_522 = arith.addi %scan3A_225, %add3A_521 : i32
        %mul3A_523 = arith.constant 8 : i32
        %mul3A_524 = arith.muli %add3A_522, %mul3A_523 : i32
        %add3A_525 = arith.constant 2 : i32
        %add3A_526 = arith.addi %mul3A_524, %add3A_525 : i32
        %sub3A_527 = arith.constant 1 : i32
        %sub3A_528 = arith.subi %sub3A_527, %select_n3A_234 : i32
        %dma_start3A_529 = arith.constant 2 : i32
        %dma_start3A_530 = arith.constant 0 : i32
        %dma_start3A_531 = arith.constant 0 : i32
        %dma_start3A_532 = tpu.memref_slice %arg9[%sub3A_528, %dma_start3A_529, %dma_start3A_530, %dma_start3A_531] : memref<2x8x128x16xf32, #tpu.memory_space<vmem>> -> memref<1x1x128x16xf32, #tpu.memory_space<vmem>>
        %dma_start3A_533 = tpu.memref_squeeze %dma_start3A_532 : memref<1x1x128x16xf32, #tpu.memory_space<vmem>> -> memref<128x16xf32, #tpu.memory_space<vmem>>
        %dma_start3A_534 = arith.constant 0 : i32
        %dma_start3A_535 = tpu.memref_slice %arg7[%add3A_526, %dma_start3A_534] : memref<80x128xi32, #tpu.memory_space<vmem>> -> memref<1x128xi32, #tpu.memory_space<vmem>>
        %dma_start3A_536 = tpu.memref_squeeze %dma_start3A_535 : memref<1x128xi32, #tpu.memory_space<vmem>> -> memref<128xi32, #tpu.memory_space<vmem>>
        %dma_start3A_537 = arith.constant 0 : i32
        %dma_start3A_538 = arith.constant 0 : i32
        %dma_start3A_539 = tpu.memref_slice %arg2[%dma_start3A_537, %dma_start3A_538] : memref<10000x16xf32, #tpu.memory_space<hbm>> -> memref<10000x16xf32, #tpu.memory_space<hbm>>
        tpu.enqueue_indirect_dma source(%dma_start3A_539 : memref<10000x16xf32, #tpu.memory_space<hbm>>) target(%dma_start3A_533 : memref<128x16xf32, #tpu.memory_space<vmem>>) offsets(%dma_start3A_536 : memref<128xi32, #tpu.memory_space<vmem>>) semaphore(%arg11 : memref<!tpu.dma_semaphore, #tpu.memory_space<semaphore_mem>>)
        %add3A_540 = arith.constant 1 : i32
        %add3A_541 = arith.addi %scan3A_225, %add3A_540 : i32
        %mul3A_542 = arith.constant 8 : i32
        %mul3A_543 = arith.muli %add3A_541, %mul3A_542 : i32
        %add3A_544 = arith.constant 3 : i32
        %add3A_545 = arith.addi %mul3A_543, %add3A_544 : i32
        %sub3A_546 = arith.constant 1 : i32
        %sub3A_547 = arith.subi %sub3A_546, %select_n3A_234 : i32
        %dma_start3A_548 = arith.constant 3 : i32
        %dma_start3A_549 = arith.constant 0 : i32
        %dma_start3A_550 = arith.constant 0 : i32
        %dma_start3A_551 = tpu.memref_slice %arg9[%sub3A_547, %dma_start3A_548, %dma_start3A_549, %dma_start3A_550] : memref<2x8x128x16xf32, #tpu.memory_space<vmem>> -> memref<1x1x128x16xf32, #tpu.memory_space<vmem>>
        %dma_start3A_552 = tpu.memref_squeeze %dma_start3A_551 : memref<1x1x128x16xf32, #tpu.memory_space<vmem>> -> memref<128x16xf32, #tpu.memory_space<vmem>>
        %dma_start3A_553 = arith.constant 0 : i32
        %dma_start3A_554 = tpu.memref_slice %arg7[%add3A_545, %dma_start3A_553] : memref<80x128xi32, #tpu.memory_space<vmem>> -> memref<1x128xi32, #tpu.memory_space<vmem>>
        %dma_start3A_555 = tpu.memref_squeeze %dma_start3A_554 : memref<1x128xi32, #tpu.memory_space<vmem>> -> memref<128xi32, #tpu.memory_space<vmem>>
        %dma_start3A_556 = arith.constant 0 : i32
        %dma_start3A_557 = arith.constant 0 : i32
        %dma_start3A_558 = tpu.memref_slice %arg2[%dma_start3A_556, %dma_start3A_557] : memref<10000x16xf32, #tpu.memory_space<hbm>> -> memref<10000x16xf32, #tpu.memory_space<hbm>>
        tpu.enqueue_indirect_dma source(%dma_start3A_558 : memref<10000x16xf32, #tpu.memory_space<hbm>>) target(%dma_start3A_552 : memref<128x16xf32, #tpu.memory_space<vmem>>) offsets(%dma_start3A_555 : memref<128xi32, #tpu.memory_space<vmem>>) semaphore(%arg11 : memref<!tpu.dma_semaphore, #tpu.memory_space<semaphore_mem>>)
        %add3A_559 = arith.constant 1 : i32
        %add3A_560 = arith.addi %scan3A_225, %add3A_559 : i32
        %mul3A_561 = arith.constant 8 : i32
        %mul3A_562 = arith.muli %add3A_560, %mul3A_561 : i32
        %add3A_563 = arith.constant 4 : i32
        %add3A_564 = arith.addi %mul3A_562, %add3A_563 : i32
        %sub3A_565 = arith.constant 1 : i32
        %sub3A_566 = arith.subi %sub3A_565, %select_n3A_234 : i32
        %dma_start3A_567 = arith.constant 4 : i32
        %dma_start3A_568 = arith.constant 0 : i32
        %dma_start3A_569 = arith.constant 0 : i32
        %dma_start3A_570 = tpu.memref_slice %arg9[%sub3A_566, %dma_start3A_567, %dma_start3A_568, %dma_start3A_569] : memref<2x8x128x16xf32, #tpu.memory_space<vmem>> -> memref<1x1x128x16xf32, #tpu.memory_space<vmem>>
        %dma_start3A_571 = tpu.memref_squeeze %dma_start3A_570 : memref<1x1x128x16xf32, #tpu.memory_space<vmem>> -> memref<128x16xf32, #tpu.memory_space<vmem>>
        %dma_start3A_572 = arith.constant 0 : i32
        %dma_start3A_573 = tpu.memref_slice %arg7[%add3A_564, %dma_start3A_572] : memref<80x128xi32, #tpu.memory_space<vmem>> -> memref<1x128xi32, #tpu.memory_space<vmem>>
        %dma_start3A_574 = tpu.memref_squeeze %dma_start3A_573 : memref<1x128xi32, #tpu.memory_space<vmem>> -> memref<128xi32, #tpu.memory_space<vmem>>
        %dma_start3A_575 = arith.constant 0 : i32
        %dma_start3A_576 = arith.constant 0 : i32
        %dma_start3A_577 = tpu.memref_slice %arg2[%dma_start3A_575, %dma_start3A_576] : memref<10000x16xf32, #tpu.memory_space<hbm>> -> memref<10000x16xf32, #tpu.memory_space<hbm>>
        tpu.enqueue_indirect_dma source(%dma_start3A_577 : memref<10000x16xf32, #tpu.memory_space<hbm>>) target(%dma_start3A_571 : memref<128x16xf32, #tpu.memory_space<vmem>>) offsets(%dma_start3A_574 : memref<128xi32, #tpu.memory_space<vmem>>) semaphore(%arg11 : memref<!tpu.dma_semaphore, #tpu.memory_space<semaphore_mem>>)
        %add3A_578 = arith.constant 1 : i32
        %add3A_579 = arith.addi %scan3A_225, %add3A_578 : i32
        %mul3A_580 = arith.constant 8 : i32
        %mul3A_581 = arith.muli %add3A_579, %mul3A_580 : i32
        %add3A_582 = arith.constant 5 : i32
        %add3A_583 = arith.addi %mul3A_581, %add3A_582 : i32
        %sub3A_584 = arith.constant 1 : i32
        %sub3A_585 = arith.subi %sub3A_584, %select_n3A_234 : i32
        %dma_start3A_586 = arith.constant 5 : i32
        %dma_start3A_587 = arith.constant 0 : i32
        %dma_start3A_588 = arith.constant 0 : i32
        %dma_start3A_589 = tpu.memref_slice %arg9[%sub3A_585, %dma_start3A_586, %dma_start3A_587, %dma_start3A_588] : memref<2x8x128x16xf32, #tpu.memory_space<vmem>> -> memref<1x1x128x16xf32, #tpu.memory_space<vmem>>
        %dma_start3A_590 = tpu.memref_squeeze %dma_start3A_589 : memref<1x1x128x16xf32, #tpu.memory_space<vmem>> -> memref<128x16xf32, #tpu.memory_space<vmem>>
        %dma_start3A_591 = arith.constant 0 : i32
        %dma_start3A_592 = tpu.memref_slice %arg7[%add3A_583, %dma_start3A_591] : memref<80x128xi32, #tpu.memory_space<vmem>> -> memref<1x128xi32, #tpu.memory_space<vmem>>
        %dma_start3A_593 = tpu.memref_squeeze %dma_start3A_592 : memref<1x128xi32, #tpu.memory_space<vmem>> -> memref<128xi32, #tpu.memory_space<vmem>>
        %dma_start3A_594 = arith.constant 0 : i32
        %dma_start3A_595 = arith.constant 0 : i32
        %dma_start3A_596 = tpu.memref_slice %arg2[%dma_start3A_594, %dma_start3A_595] : memref<10000x16xf32, #tpu.memory_space<hbm>> -> memref<10000x16xf32, #tpu.memory_space<hbm>>
        tpu.enqueue_indirect_dma source(%dma_start3A_596 : memref<10000x16xf32, #tpu.memory_space<hbm>>) target(%dma_start3A_590 : memref<128x16xf32, #tpu.memory_space<vmem>>) offsets(%dma_start3A_593 : memref<128xi32, #tpu.memory_space<vmem>>) semaphore(%arg11 : memref<!tpu.dma_semaphore, #tpu.memory_space<semaphore_mem>>)
        %add3A_597 = arith.constant 1 : i32
        %add3A_598 = arith.addi %scan3A_225, %add3A_597 : i32
        %mul3A_599 = arith.constant 8 : i32
        %mul3A_600 = arith.muli %add3A_598, %mul3A_599 : i32
        %add3A_601 = arith.constant 6 : i32
        %add3A_602 = arith.addi %mul3A_600, %add3A_601 : i32
        %sub3A_603 = arith.constant 1 : i32
        %sub3A_604 = arith.subi %sub3A_603, %select_n3A_234 : i32
        %dma_start3A_605 = arith.constant 6 : i32
        %dma_start3A_606 = arith.constant 0 : i32
        %dma_start3A_607 = arith.constant 0 : i32
        %dma_start3A_608 = tpu.memref_slice %arg9[%sub3A_604, %dma_start3A_605, %dma_start3A_606, %dma_start3A_607] : memref<2x8x128x16xf32, #tpu.memory_space<vmem>> -> memref<1x1x128x16xf32, #tpu.memory_space<vmem>>
        %dma_start3A_609 = tpu.memref_squeeze %dma_start3A_608 : memref<1x1x128x16xf32, #tpu.memory_space<vmem>> -> memref<128x16xf32, #tpu.memory_space<vmem>>
        %dma_start3A_610 = arith.constant 0 : i32
        %dma_start3A_611 = tpu.memref_slice %arg7[%add3A_602, %dma_start3A_610] : memref<80x128xi32, #tpu.memory_space<vmem>> -> memref<1x128xi32, #tpu.memory_space<vmem>>
        %dma_start3A_612 = tpu.memref_squeeze %dma_start3A_611 : memref<1x128xi32, #tpu.memory_space<vmem>> -> memref<128xi32, #tpu.memory_space<vmem>>
        %dma_start3A_613 = arith.constant 0 : i32
        %dma_start3A_614 = arith.constant 0 : i32
        %dma_start3A_615 = tpu.memref_slice %arg2[%dma_start3A_613, %dma_start3A_614] : memref<10000x16xf32, #tpu.memory_space<hbm>> -> memref<10000x16xf32, #tpu.memory_space<hbm>>
        tpu.enqueue_indirect_dma source(%dma_start3A_615 : memref<10000x16xf32, #tpu.memory_space<hbm>>) target(%dma_start3A_609 : memref<128x16xf32, #tpu.memory_space<vmem>>) offsets(%dma_start3A_612 : memref<128xi32, #tpu.memory_space<vmem>>) semaphore(%arg11 : memref<!tpu.dma_semaphore, #tpu.memory_space<semaphore_mem>>)
        %add3A_616 = arith.constant 1 : i32
        %add3A_617 = arith.addi %scan3A_225, %add3A_616 : i32
        %mul3A_618 = arith.constant 8 : i32
        %mul3A_619 = arith.muli %add3A_617, %mul3A_618 : i32
        %add3A_620 = arith.constant 7 : i32
        %add3A_621 = arith.addi %mul3A_619, %add3A_620 : i32
        %sub3A_622 = arith.constant 1 : i32
        %sub3A_623 = arith.subi %sub3A_622, %select_n3A_234 : i32
        %dma_start3A_624 = arith.constant 7 : i32
        %dma_start3A_625 = arith.constant 0 : i32
        %dma_start3A_626 = arith.constant 0 : i32
        %dma_start3A_627 = tpu.memref_slice %arg9[%sub3A_623, %dma_start3A_624, %dma_start3A_625, %dma_start3A_626] : memref<2x8x128x16xf32, #tpu.memory_space<vmem>> -> memref<1x1x128x16xf32, #tpu.memory_space<vmem>>
        %dma_start3A_628 = tpu.memref_squeeze %dma_start3A_627 : memref<1x1x128x16xf32, #tpu.memory_space<vmem>> -> memref<128x16xf32, #tpu.memory_space<vmem>>
        %dma_start3A_629 = arith.constant 0 : i32
        %dma_start3A_630 = tpu.memref_slice %arg7[%add3A_621, %dma_start3A_629] : memref<80x128xi32, #tpu.memory_space<vmem>> -> memref<1x128xi32, #tpu.memory_space<vmem>>
        %dma_start3A_631 = tpu.memref_squeeze %dma_start3A_630 : memref<1x128xi32, #tpu.memory_space<vmem>> -> memref<128xi32, #tpu.memory_space<vmem>>
        %dma_start3A_632 = arith.constant 0 : i32
        %dma_start3A_633 = arith.constant 0 : i32
        %dma_start3A_634 = tpu.memref_slice %arg2[%dma_start3A_632, %dma_start3A_633] : memref<10000x16xf32, #tpu.memory_space<hbm>> -> memref<10000x16xf32, #tpu.memory_space<hbm>>
        tpu.enqueue_indirect_dma source(%dma_start3A_634 : memref<10000x16xf32, #tpu.memory_space<hbm>>) target(%dma_start3A_628 : memref<128x16xf32, #tpu.memory_space<vmem>>) offsets(%dma_start3A_631 : memref<128xi32, #tpu.memory_space<vmem>>) semaphore(%arg11 : memref<!tpu.dma_semaphore, #tpu.memory_space<semaphore_mem>>)
      } else {
      }
      %mul3A_364 = arith.constant 8 : i32
      %mul3A_365 = arith.muli %scan3A_225, %mul3A_364 : i32
      %add3A_366 = arith.constant 0 : i32
      %add3A_367 = arith.addi %mul3A_365, %add3A_366 : i32
      %dma_start3A_368 = arith.constant 0 : i32
      %dma_start3A_369 = arith.constant 0 : i32
      %dma_start3A_370 = arith.constant 0 : i32
      %dma_start3A_371 = tpu.memref_slice %arg9[%select_n3A_234, %dma_start3A_368, %dma_start3A_369, %dma_start3A_370] : memref<2x8x128x16xf32, #tpu.memory_space<vmem>> -> memref<1x1x128x16xf32, #tpu.memory_space<vmem>>
      %dma_start3A_372 = tpu.memref_squeeze %dma_start3A_371 : memref<1x1x128x16xf32, #tpu.memory_space<vmem>> -> memref<128x16xf32, #tpu.memory_space<vmem>>
      %dma_start3A_373 = arith.constant 0 : i32
      %dma_start3A_374 = tpu.memref_slice %arg8[%add3A_367, %dma_start3A_373] : memref<80x128xi32, #tpu.memory_space<vmem>> -> memref<1x128xi32, #tpu.memory_space<vmem>>
      %dma_start3A_375 = tpu.memref_squeeze %dma_start3A_374 : memref<1x128xi32, #tpu.memory_space<vmem>> -> memref<128xi32, #tpu.memory_space<vmem>>
      %dma_start3A_376 = arith.constant 0 : i32
      %dma_start3A_377 = arith.constant 0 : i32
      %dma_start3A_378 = tpu.memref_slice %arg10[%dma_start3A_376, %dma_start3A_377] : memref<10240x16xf32, #tpu.memory_space<vmem_shared>> -> memref<10240x16xf32, #tpu.memory_space<vmem_shared>>
      tpu.enqueue_indirect_dma source(%dma_start3A_372 : memref<128x16xf32, #tpu.memory_space<vmem>>) target(%dma_start3A_378 : memref<10240x16xf32, #tpu.memory_space<vmem_shared>>) offsets(%dma_start3A_375 : memref<128xi32, #tpu.memory_space<vmem>>) semaphore(%arg12 : memref<!tpu.dma_semaphore, #tpu.memory_space<semaphore_mem>>) {add = true}
      %mul3A_379 = arith.constant 8 : i32
      %mul3A_380 = arith.muli %scan3A_225, %mul3A_379 : i32
      %add3A_381 = arith.constant 1 : i32
      %add3A_382 = arith.addi %mul3A_380, %add3A_381 : i32
      %dma_start3A_383 = arith.constant 1 : i32
      %dma_start3A_384 = arith.constant 0 : i32
      %dma_start3A_385 = arith.constant 0 : i32
      %dma_start3A_386 = tpu.memref_slice %arg9[%select_n3A_234, %dma_start3A_383, %dma_start3A_384, %dma_start3A_385] : memref<2x8x128x16xf32, #tpu.memory_space<vmem>> -> memref<1x1x128x16xf32, #tpu.memory_space<vmem>>
      %dma_start3A_387 = tpu.memref_squeeze %dma_start3A_386 : memref<1x1x128x16xf32, #tpu.memory_space<vmem>> -> memref<128x16xf32, #tpu.memory_space<vmem>>
      %dma_start3A_388 = arith.constant 0 : i32
      %dma_start3A_389 = tpu.memref_slice %arg8[%add3A_382, %dma_start3A_388] : memref<80x128xi32, #tpu.memory_space<vmem>> -> memref<1x128xi32, #tpu.memory_space<vmem>>
      %dma_start3A_390 = tpu.memref_squeeze %dma_start3A_389 : memref<1x128xi32, #tpu.memory_space<vmem>> -> memref<128xi32, #tpu.memory_space<vmem>>
      %dma_start3A_391 = arith.constant 0 : i32
      %dma_start3A_392 = arith.constant 0 : i32
      %dma_start3A_393 = tpu.memref_slice %arg10[%dma_start3A_391, %dma_start3A_392] : memref<10240x16xf32, #tpu.memory_space<vmem_shared>> -> memref<10240x16xf32, #tpu.memory_space<vmem_shared>>
      tpu.enqueue_indirect_dma source(%dma_start3A_387 : memref<128x16xf32, #tpu.memory_space<vmem>>) target(%dma_start3A_393 : memref<10240x16xf32, #tpu.memory_space<vmem_shared>>) offsets(%dma_start3A_390 : memref<128xi32, #tpu.memory_space<vmem>>) semaphore(%arg12 : memref<!tpu.dma_semaphore, #tpu.memory_space<semaphore_mem>>) {add = true}
      %mul3A_394 = arith.constant 8 : i32
      %mul3A_395 = arith.muli %scan3A_225, %mul3A_394 : i32
      %add3A_396 = arith.constant 2 : i32
      %add3A_397 = arith.addi %mul3A_395, %add3A_396 : i32
      %dma_start3A_398 = arith.constant 2 : i32
      %dma_start3A_399 = arith.constant 0 : i32
      %dma_start3A_400 = arith.constant 0 : i32
      %dma_start3A_401 = tpu.memref_slice %arg9[%select_n3A_234, %dma_start3A_398, %dma_start3A_399, %dma_start3A_400] : memref<2x8x128x16xf32, #tpu.memory_space<vmem>> -> memref<1x1x128x16xf32, #tpu.memory_space<vmem>>
      %dma_start3A_402 = tpu.memref_squeeze %dma_start3A_401 : memref<1x1x128x16xf32, #tpu.memory_space<vmem>> -> memref<128x16xf32, #tpu.memory_space<vmem>>
      %dma_start3A_403 = arith.constant 0 : i32
      %dma_start3A_404 = tpu.memref_slice %arg8[%add3A_397, %dma_start3A_403] : memref<80x128xi32, #tpu.memory_space<vmem>> -> memref<1x128xi32, #tpu.memory_space<vmem>>
      %dma_start3A_405 = tpu.memref_squeeze %dma_start3A_404 : memref<1x128xi32, #tpu.memory_space<vmem>> -> memref<128xi32, #tpu.memory_space<vmem>>
      %dma_start3A_406 = arith.constant 0 : i32
      %dma_start3A_407 = arith.constant 0 : i32
      %dma_start3A_408 = tpu.memref_slice %arg10[%dma_start3A_406, %dma_start3A_407] : memref<10240x16xf32, #tpu.memory_space<vmem_shared>> -> memref<10240x16xf32, #tpu.memory_space<vmem_shared>>
      tpu.enqueue_indirect_dma source(%dma_start3A_402 : memref<128x16xf32, #tpu.memory_space<vmem>>) target(%dma_start3A_408 : memref<10240x16xf32, #tpu.memory_space<vmem_shared>>) offsets(%dma_start3A_405 : memref<128xi32, #tpu.memory_space<vmem>>) semaphore(%arg12 : memref<!tpu.dma_semaphore, #tpu.memory_space<semaphore_mem>>) {add = true}
      %mul3A_409 = arith.constant 8 : i32
      %mul3A_410 = arith.muli %scan3A_225, %mul3A_409 : i32
      %add3A_411 = arith.constant 3 : i32
      %add3A_412 = arith.addi %mul3A_410, %add3A_411 : i32
      %dma_start3A_413 = arith.constant 3 : i32
      %dma_start3A_414 = arith.constant 0 : i32
      %dma_start3A_415 = arith.constant 0 : i32
      %dma_start3A_416 = tpu.memref_slice %arg9[%select_n3A_234, %dma_start3A_413, %dma_start3A_414, %dma_start3A_415] : memref<2x8x128x16xf32, #tpu.memory_space<vmem>> -> memref<1x1x128x16xf32, #tpu.memory_space<vmem>>
      %dma_start3A_417 = tpu.memref_squeeze %dma_start3A_416 : memref<1x1x128x16xf32, #tpu.memory_space<vmem>> -> memref<128x16xf32, #tpu.memory_space<vmem>>
      %dma_start3A_418 = arith.constant 0 : i32
      %dma_start3A_419 = tpu.memref_slice %arg8[%add3A_412, %dma_start3A_418] : memref<80x128xi32, #tpu.memory_space<vmem>> -> memref<1x128xi32, #tpu.memory_space<vmem>>
      %dma_start3A_420 = tpu.memref_squeeze %dma_start3A_419 : memref<1x128xi32, #tpu.memory_space<vmem>> -> memref<128xi32, #tpu.memory_space<vmem>>
      %dma_start3A_421 = arith.constant 0 : i32
      %dma_start3A_422 = arith.constant 0 : i32
      %dma_start3A_423 = tpu.memref_slice %arg10[%dma_start3A_421, %dma_start3A_422] : memref<10240x16xf32, #tpu.memory_space<vmem_shared>> -> memref<10240x16xf32, #tpu.memory_space<vmem_shared>>
      tpu.enqueue_indirect_dma source(%dma_start3A_417 : memref<128x16xf32, #tpu.memory_space<vmem>>) target(%dma_start3A_423 : memref<10240x16xf32, #tpu.memory_space<vmem_shared>>) offsets(%dma_start3A_420 : memref<128xi32, #tpu.memory_space<vmem>>) semaphore(%arg12 : memref<!tpu.dma_semaphore, #tpu.memory_space<semaphore_mem>>) {add = true}
      %mul3A_424 = arith.constant 8 : i32
      %mul3A_425 = arith.muli %scan3A_225, %mul3A_424 : i32
      %add3A_426 = arith.constant 4 : i32
      %add3A_427 = arith.addi %mul3A_425, %add3A_426 : i32
      %dma_start3A_428 = arith.constant 4 : i32
      %dma_start3A_429 = arith.constant 0 : i32
      %dma_start3A_430 = arith.constant 0 : i32
      %dma_start3A_431 = tpu.memref_slice %arg9[%select_n3A_234, %dma_start3A_428, %dma_start3A_429, %dma_start3A_430] : memref<2x8x128x16xf32, #tpu.memory_space<vmem>> -> memref<1x1x128x16xf32, #tpu.memory_space<vmem>>
      %dma_start3A_432 = tpu.memref_squeeze %dma_start3A_431 : memref<1x1x128x16xf32, #tpu.memory_space<vmem>> -> memref<128x16xf32, #tpu.memory_space<vmem>>
      %dma_start3A_433 = arith.constant 0 : i32
      %dma_start3A_434 = tpu.memref_slice %arg8[%add3A_427, %dma_start3A_433] : memref<80x128xi32, #tpu.memory_space<vmem>> -> memref<1x128xi32, #tpu.memory_space<vmem>>
      %dma_start3A_435 = tpu.memref_squeeze %dma_start3A_434 : memref<1x128xi32, #tpu.memory_space<vmem>> -> memref<128xi32, #tpu.memory_space<vmem>>
      %dma_start3A_436 = arith.constant 0 : i32
      %dma_start3A_437 = arith.constant 0 : i32
      %dma_start3A_438 = tpu.memref_slice %arg10[%dma_start3A_436, %dma_start3A_437] : memref<10240x16xf32, #tpu.memory_space<vmem_shared>> -> memref<10240x16xf32, #tpu.memory_space<vmem_shared>>
      tpu.enqueue_indirect_dma source(%dma_start3A_432 : memref<128x16xf32, #tpu.memory_space<vmem>>) target(%dma_start3A_438 : memref<10240x16xf32, #tpu.memory_space<vmem_shared>>) offsets(%dma_start3A_435 : memref<128xi32, #tpu.memory_space<vmem>>) semaphore(%arg12 : memref<!tpu.dma_semaphore, #tpu.memory_space<semaphore_mem>>) {add = true}
      %mul3A_439 = arith.constant 8 : i32
      %mul3A_440 = arith.muli %scan3A_225, %mul3A_439 : i32
      %add3A_441 = arith.constant 5 : i32
      %add3A_442 = arith.addi %mul3A_440, %add3A_441 : i32
      %dma_start3A_443 = arith.constant 5 : i32
      %dma_start3A_444 = arith.constant 0 : i32
      %dma_start3A_445 = arith.constant 0 : i32
      %dma_start3A_446 = tpu.memref_slice %arg9[%select_n3A_234, %dma_start3A_443, %dma_start3A_444, %dma_start3A_445] : memref<2x8x128x16xf32, #tpu.memory_space<vmem>> -> memref<1x1x128x16xf32, #tpu.memory_space<vmem>>
      %dma_start3A_447 = tpu.memref_squeeze %dma_start3A_446 : memref<1x1x128x16xf32, #tpu.memory_space<vmem>> -> memref<128x16xf32, #tpu.memory_space<vmem>>
      %dma_start3A_448 = arith.constant 0 : i32
      %dma_start3A_449 = tpu.memref_slice %arg8[%add3A_442, %dma_start3A_448] : memref<80x128xi32, #tpu.memory_space<vmem>> -> memref<1x128xi32, #tpu.memory_space<vmem>>
      %dma_start3A_450 = tpu.memref_squeeze %dma_start3A_449 : memref<1x128xi32, #tpu.memory_space<vmem>> -> memref<128xi32, #tpu.memory_space<vmem>>
      %dma_start3A_451 = arith.constant 0 : i32
      %dma_start3A_452 = arith.constant 0 : i32
      %dma_start3A_453 = tpu.memref_slice %arg10[%dma_start3A_451, %dma_start3A_452] : memref<10240x16xf32, #tpu.memory_space<vmem_shared>> -> memref<10240x16xf32, #tpu.memory_space<vmem_shared>>
      tpu.enqueue_indirect_dma source(%dma_start3A_447 : memref<128x16xf32, #tpu.memory_space<vmem>>) target(%dma_start3A_453 : memref<10240x16xf32, #tpu.memory_space<vmem_shared>>) offsets(%dma_start3A_450 : memref<128xi32, #tpu.memory_space<vmem>>) semaphore(%arg12 : memref<!tpu.dma_semaphore, #tpu.memory_space<semaphore_mem>>) {add = true}
      %mul3A_454 = arith.constant 8 : i32
      %mul3A_455 = arith.muli %scan3A_225, %mul3A_454 : i32
      %add3A_456 = arith.constant 6 : i32
      %add3A_457 = arith.addi %mul3A_455, %add3A_456 : i32
      %dma_start3A_458 = arith.constant 6 : i32
      %dma_start3A_459 = arith.constant 0 : i32
      %dma_start3A_460 = arith.constant 0 : i32
      %dma_start3A_461 = tpu.memref_slice %arg9[%select_n3A_234, %dma_start3A_458, %dma_start3A_459, %dma_start3A_460] : memref<2x8x128x16xf32, #tpu.memory_space<vmem>> -> memref<1x1x128x16xf32, #tpu.memory_space<vmem>>
      %dma_start3A_462 = tpu.memref_squeeze %dma_start3A_461 : memref<1x1x128x16xf32, #tpu.memory_space<vmem>> -> memref<128x16xf32, #tpu.memory_space<vmem>>
      %dma_start3A_463 = arith.constant 0 : i32
      %dma_start3A_464 = tpu.memref_slice %arg8[%add3A_457, %dma_start3A_463] : memref<80x128xi32, #tpu.memory_space<vmem>> -> memref<1x128xi32, #tpu.memory_space<vmem>>
      %dma_start3A_465 = tpu.memref_squeeze %dma_start3A_464 : memref<1x128xi32, #tpu.memory_space<vmem>> -> memref<128xi32, #tpu.memory_space<vmem>>
      %dma_start3A_466 = arith.constant 0 : i32
      %dma_start3A_467 = arith.constant 0 : i32
      %dma_start3A_468 = tpu.memref_slice %arg10[%dma_start3A_466, %dma_start3A_467] : memref<10240x16xf32, #tpu.memory_space<vmem_shared>> -> memref<10240x16xf32, #tpu.memory_space<vmem_shared>>
      tpu.enqueue_indirect_dma source(%dma_start3A_462 : memref<128x16xf32, #tpu.memory_space<vmem>>) target(%dma_start3A_468 : memref<10240x16xf32, #tpu.memory_space<vmem_shared>>) offsets(%dma_start3A_465 : memref<128xi32, #tpu.memory_space<vmem>>) semaphore(%arg12 : memref<!tpu.dma_semaphore, #tpu.memory_space<semaphore_mem>>) {add = true}
      %mul3A_469 = arith.constant 8 : i32
      %mul3A_470 = arith.muli %scan3A_225, %mul3A_469 : i32
      %add3A_471 = arith.constant 7 : i32
      %add3A_472 = arith.addi %mul3A_470, %add3A_471 : i32
      %dma_start3A_473 = arith.constant 7 : i32
      %dma_start3A_474 = arith.constant 0 : i32
      %dma_start3A_475 = arith.constant 0 : i32
      %dma_start3A_476 = tpu.memref_slice %arg9[%select_n3A_234, %dma_start3A_473, %dma_start3A_474, %dma_start3A_475] : memref<2x8x128x16xf32, #tpu.memory_space<vmem>> -> memref<1x1x128x16xf32, #tpu.memory_space<vmem>>
      %dma_start3A_477 = tpu.memref_squeeze %dma_start3A_476 : memref<1x1x128x16xf32, #tpu.memory_space<vmem>> -> memref<128x16xf32, #tpu.memory_space<vmem>>
      %dma_start3A_478 = arith.constant 0 : i32
      %dma_start3A_479 = tpu.memref_slice %arg8[%add3A_472, %dma_start3A_478] : memref<80x128xi32, #tpu.memory_space<vmem>> -> memref<1x128xi32, #tpu.memory_space<vmem>>
      %dma_start3A_480 = tpu.memref_squeeze %dma_start3A_479 : memref<1x128xi32, #tpu.memory_space<vmem>> -> memref<128xi32, #tpu.memory_space<vmem>>
      %dma_start3A_481 = arith.constant 0 : i32
      %dma_start3A_482 = arith.constant 0 : i32
      %dma_start3A_483 = tpu.memref_slice %arg10[%dma_start3A_481, %dma_start3A_482] : memref<10240x16xf32, #tpu.memory_space<vmem_shared>> -> memref<10240x16xf32, #tpu.memory_space<vmem_shared>>
      tpu.enqueue_indirect_dma source(%dma_start3A_477 : memref<128x16xf32, #tpu.memory_space<vmem>>) target(%dma_start3A_483 : memref<10240x16xf32, #tpu.memory_space<vmem_shared>>) offsets(%dma_start3A_480 : memref<128xi32, #tpu.memory_space<vmem>>) semaphore(%arg12 : memref<!tpu.dma_semaphore, #tpu.memory_space<semaphore_mem>>) {add = true}
    }
    %scan3A_116 = arith.constant 10 : i32
    %dma_wait3A = arith.constant 1 : i32
    %dma_wait3A_117 = arith.constant 0 : i32
    %dma_wait3A_118 = arith.constant 72 : i32
    %dma_wait3A_119 = arith.constant 0 : i32
    %dma_wait3A_120 = arith.constant 0 : i32
    %dma_wait3A_121 = tpu.memref_slice %arg9[%dma_wait3A, %dma_wait3A_117, %dma_wait3A_119, %dma_wait3A_120] : memref<2x8x128x16xf32, #tpu.memory_space<vmem>> -> memref<1x1x128x16xf32, #tpu.memory_space<vmem>>
    %dma_wait3A_122 = tpu.memref_squeeze %dma_wait3A_121 : memref<1x1x128x16xf32, #tpu.memory_space<vmem>> -> memref<128x16xf32, #tpu.memory_space<vmem>>
    %dma_wait3A_123 = arith.constant 0 : i32
    %dma_wait3A_124 = tpu.memref_slice %arg8[%dma_wait3A_118, %dma_wait3A_123] : memref<80x128xi32, #tpu.memory_space<vmem>> -> memref<1x128xi32, #tpu.memory_space<vmem>>
    %dma_wait3A_125 = tpu.memref_squeeze %dma_wait3A_124 : memref<1x128xi32, #tpu.memory_space<vmem>> -> memref<128xi32, #tpu.memory_space<vmem>>
    %dma_wait3A_126 = arith.constant 0 : i32
    %dma_wait3A_127 = arith.constant 0 : i32
    %dma_wait3A_128 = tpu.memref_slice %arg10[%dma_wait3A_126, %dma_wait3A_127] : memref<10240x16xf32, #tpu.memory_space<vmem_shared>> -> memref<10240x16xf32, #tpu.memory_space<vmem_shared>>
    tpu.wait_indirect_dma semaphore(%arg12 : memref<!tpu.dma_semaphore, #tpu.memory_space<semaphore_mem>>) src(%dma_wait3A_122 : memref<128x16xf32, #tpu.memory_space<vmem>>) dst(%dma_wait3A_128 : memref<10240x16xf32, #tpu.memory_space<vmem_shared>>)
    %dma_wait3A_129 = arith.constant 1 : i32
    %dma_wait3A_130 = arith.constant 1 : i32
    %dma_wait3A_131 = arith.constant 73 : i32
    %dma_wait3A_132 = arith.constant 0 : i32
    %dma_wait3A_133 = arith.constant 0 : i32
    %dma_wait3A_134 = tpu.memref_slice %arg9[%dma_wait3A_129, %dma_wait3A_130, %dma_wait3A_132, %dma_wait3A_133] : memref<2x8x128x16xf32, #tpu.memory_space<vmem>> -> memref<1x1x128x16xf32, #tpu.memory_space<vmem>>
    %dma_wait3A_135 = tpu.memref_squeeze %dma_wait3A_134 : memref<1x1x128x16xf32, #tpu.memory_space<vmem>> -> memref<128x16xf32, #tpu.memory_space<vmem>>
    %dma_wait3A_136 = arith.constant 0 : i32
    %dma_wait3A_137 = tpu.memref_slice %arg8[%dma_wait3A_131, %dma_wait3A_136] : memref<80x128xi32, #tpu.memory_space<vmem>> -> memref<1x128xi32, #tpu.memory_space<vmem>>
    %dma_wait3A_138 = tpu.memref_squeeze %dma_wait3A_137 : memref<1x128xi32, #tpu.memory_space<vmem>> -> memref<128xi32, #tpu.memory_space<vmem>>
    %dma_wait3A_139 = arith.constant 0 : i32
    %dma_wait3A_140 = arith.constant 0 : i32
    %dma_wait3A_141 = tpu.memref_slice %arg10[%dma_wait3A_139, %dma_wait3A_140] : memref<10240x16xf32, #tpu.memory_space<vmem_shared>> -> memref<10240x16xf32, #tpu.memory_space<vmem_shared>>
    tpu.wait_indirect_dma semaphore(%arg12 : memref<!tpu.dma_semaphore, #tpu.memory_space<semaphore_mem>>) src(%dma_wait3A_135 : memref<128x16xf32, #tpu.memory_space<vmem>>) dst(%dma_wait3A_141 : memref<10240x16xf32, #tpu.memory_space<vmem_shared>>)
    %dma_wait3A_142 = arith.constant 1 : i32
    %dma_wait3A_143 = arith.constant 2 : i32
    %dma_wait3A_144 = arith.constant 74 : i32
    %dma_wait3A_145 = arith.constant 0 : i32
    %dma_wait3A_146 = arith.constant 0 : i32
    %dma_wait3A_147 = tpu.memref_slice %arg9[%dma_wait3A_142, %dma_wait3A_143, %dma_wait3A_145, %dma_wait3A_146] : memref<2x8x128x16xf32, #tpu.memory_space<vmem>> -> memref<1x1x128x16xf32, #tpu.memory_space<vmem>>
    %dma_wait3A_148 = tpu.memref_squeeze %dma_wait3A_147 : memref<1x1x128x16xf32, #tpu.memory_space<vmem>> -> memref<128x16xf32, #tpu.memory_space<vmem>>
    %dma_wait3A_149 = arith.constant 0 : i32
    %dma_wait3A_150 = tpu.memref_slice %arg8[%dma_wait3A_144, %dma_wait3A_149] : memref<80x128xi32, #tpu.memory_space<vmem>> -> memref<1x128xi32, #tpu.memory_space<vmem>>
    %dma_wait3A_151 = tpu.memref_squeeze %dma_wait3A_150 : memref<1x128xi32, #tpu.memory_space<vmem>> -> memref<128xi32, #tpu.memory_space<vmem>>
    %dma_wait3A_152 = arith.constant 0 : i32
    %dma_wait3A_153 = arith.constant 0 : i32
    %dma_wait3A_154 = tpu.memref_slice %arg10[%dma_wait3A_152, %dma_wait3A_153] : memref<10240x16xf32, #tpu.memory_space<vmem_shared>> -> memref<10240x16xf32, #tpu.memory_space<vmem_shared>>
    tpu.wait_indirect_dma semaphore(%arg12 : memref<!tpu.dma_semaphore, #tpu.memory_space<semaphore_mem>>) src(%dma_wait3A_148 : memref<128x16xf32, #tpu.memory_space<vmem>>) dst(%dma_wait3A_154 : memref<10240x16xf32, #tpu.memory_space<vmem_shared>>)
    %dma_wait3A_155 = arith.constant 1 : i32
    %dma_wait3A_156 = arith.constant 3 : i32
    %dma_wait3A_157 = arith.constant 75 : i32
    %dma_wait3A_158 = arith.constant 0 : i32
    %dma_wait3A_159 = arith.constant 0 : i32
    %dma_wait3A_160 = tpu.memref_slice %arg9[%dma_wait3A_155, %dma_wait3A_156, %dma_wait3A_158, %dma_wait3A_159] : memref<2x8x128x16xf32, #tpu.memory_space<vmem>> -> memref<1x1x128x16xf32, #tpu.memory_space<vmem>>
    %dma_wait3A_161 = tpu.memref_squeeze %dma_wait3A_160 : memref<1x1x128x16xf32, #tpu.memory_space<vmem>> -> memref<128x16xf32, #tpu.memory_space<vmem>>
    %dma_wait3A_162 = arith.constant 0 : i32
    %dma_wait3A_163 = tpu.memref_slice %arg8[%dma_wait3A_157, %dma_wait3A_162] : memref<80x128xi32, #tpu.memory_space<vmem>> -> memref<1x128xi32, #tpu.memory_space<vmem>>
    %dma_wait3A_164 = tpu.memref_squeeze %dma_wait3A_163 : memref<1x128xi32, #tpu.memory_space<vmem>> -> memref<128xi32, #tpu.memory_space<vmem>>
    %dma_wait3A_165 = arith.constant 0 : i32
    %dma_wait3A_166 = arith.constant 0 : i32
    %dma_wait3A_167 = tpu.memref_slice %arg10[%dma_wait3A_165, %dma_wait3A_166] : memref<10240x16xf32, #tpu.memory_space<vmem_shared>> -> memref<10240x16xf32, #tpu.memory_space<vmem_shared>>
    tpu.wait_indirect_dma semaphore(%arg12 : memref<!tpu.dma_semaphore, #tpu.memory_space<semaphore_mem>>) src(%dma_wait3A_161 : memref<128x16xf32, #tpu.memory_space<vmem>>) dst(%dma_wait3A_167 : memref<10240x16xf32, #tpu.memory_space<vmem_shared>>)
    %dma_wait3A_168 = arith.constant 1 : i32
    %dma_wait3A_169 = arith.constant 4 : i32
    %dma_wait3A_170 = arith.constant 76 : i32
    %dma_wait3A_171 = arith.constant 0 : i32
    %dma_wait3A_172 = arith.constant 0 : i32
    %dma_wait3A_173 = tpu.memref_slice %arg9[%dma_wait3A_168, %dma_wait3A_169, %dma_wait3A_171, %dma_wait3A_172] : memref<2x8x128x16xf32, #tpu.memory_space<vmem>> -> memref<1x1x128x16xf32, #tpu.memory_space<vmem>>
    %dma_wait3A_174 = tpu.memref_squeeze %dma_wait3A_173 : memref<1x1x128x16xf32, #tpu.memory_space<vmem>> -> memref<128x16xf32, #tpu.memory_space<vmem>>
    %dma_wait3A_175 = arith.constant 0 : i32
    %dma_wait3A_176 = tpu.memref_slice %arg8[%dma_wait3A_170, %dma_wait3A_175] : memref<80x128xi32, #tpu.memory_space<vmem>> -> memref<1x128xi32, #tpu.memory_space<vmem>>
    %dma_wait3A_177 = tpu.memref_squeeze %dma_wait3A_176 : memref<1x128xi32, #tpu.memory_space<vmem>> -> memref<128xi32, #tpu.memory_space<vmem>>
    %dma_wait3A_178 = arith.constant 0 : i32
    %dma_wait3A_179 = arith.constant 0 : i32
    %dma_wait3A_180 = tpu.memref_slice %arg10[%dma_wait3A_178, %dma_wait3A_179] : memref<10240x16xf32, #tpu.memory_space<vmem_shared>> -> memref<10240x16xf32, #tpu.memory_space<vmem_shared>>
    tpu.wait_indirect_dma semaphore(%arg12 : memref<!tpu.dma_semaphore, #tpu.memory_space<semaphore_mem>>) src(%dma_wait3A_174 : memref<128x16xf32, #tpu.memory_space<vmem>>) dst(%dma_wait3A_180 : memref<10240x16xf32, #tpu.memory_space<vmem_shared>>)
    %dma_wait3A_181 = arith.constant 1 : i32
    %dma_wait3A_182 = arith.constant 5 : i32
    %dma_wait3A_183 = arith.constant 77 : i32
    %dma_wait3A_184 = arith.constant 0 : i32
    %dma_wait3A_185 = arith.constant 0 : i32
    %dma_wait3A_186 = tpu.memref_slice %arg9[%dma_wait3A_181, %dma_wait3A_182, %dma_wait3A_184, %dma_wait3A_185] : memref<2x8x128x16xf32, #tpu.memory_space<vmem>> -> memref<1x1x128x16xf32, #tpu.memory_space<vmem>>
    %dma_wait3A_187 = tpu.memref_squeeze %dma_wait3A_186 : memref<1x1x128x16xf32, #tpu.memory_space<vmem>> -> memref<128x16xf32, #tpu.memory_space<vmem>>
    %dma_wait3A_188 = arith.constant 0 : i32
    %dma_wait3A_189 = tpu.memref_slice %arg8[%dma_wait3A_183, %dma_wait3A_188] : memref<80x128xi32, #tpu.memory_space<vmem>> -> memref<1x128xi32, #tpu.memory_space<vmem>>
    %dma_wait3A_190 = tpu.memref_squeeze %dma_wait3A_189 : memref<1x128xi32, #tpu.memory_space<vmem>> -> memref<128xi32, #tpu.memory_space<vmem>>
    %dma_wait3A_191 = arith.constant 0 : i32
    %dma_wait3A_192 = arith.constant 0 : i32
    %dma_wait3A_193 = tpu.memref_slice %arg10[%dma_wait3A_191, %dma_wait3A_192] : memref<10240x16xf32, #tpu.memory_space<vmem_shared>> -> memref<10240x16xf32, #tpu.memory_space<vmem_shared>>
    tpu.wait_indirect_dma semaphore(%arg12 : memref<!tpu.dma_semaphore, #tpu.memory_space<semaphore_mem>>) src(%dma_wait3A_187 : memref<128x16xf32, #tpu.memory_space<vmem>>) dst(%dma_wait3A_193 : memref<10240x16xf32, #tpu.memory_space<vmem_shared>>)
    %dma_wait3A_194 = arith.constant 1 : i32
    %dma_wait3A_195 = arith.constant 6 : i32
    %dma_wait3A_196 = arith.constant 78 : i32
    %dma_wait3A_197 = arith.constant 0 : i32
    %dma_wait3A_198 = arith.constant 0 : i32
    %dma_wait3A_199 = tpu.memref_slice %arg9[%dma_wait3A_194, %dma_wait3A_195, %dma_wait3A_197, %dma_wait3A_198] : memref<2x8x128x16xf32, #tpu.memory_space<vmem>> -> memref<1x1x128x16xf32, #tpu.memory_space<vmem>>
    %dma_wait3A_200 = tpu.memref_squeeze %dma_wait3A_199 : memref<1x1x128x16xf32, #tpu.memory_space<vmem>> -> memref<128x16xf32, #tpu.memory_space<vmem>>
    %dma_wait3A_201 = arith.constant 0 : i32
    %dma_wait3A_202 = tpu.memref_slice %arg8[%dma_wait3A_196, %dma_wait3A_201] : memref<80x128xi32, #tpu.memory_space<vmem>> -> memref<1x128xi32, #tpu.memory_space<vmem>>
    %dma_wait3A_203 = tpu.memref_squeeze %dma_wait3A_202 : memref<1x128xi32, #tpu.memory_space<vmem>> -> memref<128xi32, #tpu.memory_space<vmem>>
    %dma_wait3A_204 = arith.constant 0 : i32
    %dma_wait3A_205 = arith.constant 0 : i32
    %dma_wait3A_206 = tpu.memref_slice %arg10[%dma_wait3A_204, %dma_wait3A_205] : memref<10240x16xf32, #tpu.memory_space<vmem_shared>> -> memref<10240x16xf32, #tpu.memory_space<vmem_shared>>
    tpu.wait_indirect_dma semaphore(%arg12 : memref<!tpu.dma_semaphore, #tpu.memory_space<semaphore_mem>>) src(%dma_wait3A_200 : memref<128x16xf32, #tpu.memory_space<vmem>>) dst(%dma_wait3A_206 : memref<10240x16xf32, #tpu.memory_space<vmem_shared>>)
    %dma_wait3A_207 = arith.constant 1 : i32
    %dma_wait3A_208 = arith.constant 7 : i32
    %dma_wait3A_209 = arith.constant 79 : i32
    %dma_wait3A_210 = arith.constant 0 : i32
    %dma_wait3A_211 = arith.constant 0 : i32
    %dma_wait3A_212 = tpu.memref_slice %arg9[%dma_wait3A_207, %dma_wait3A_208, %dma_wait3A_210, %dma_wait3A_211] : memref<2x8x128x16xf32, #tpu.memory_space<vmem>> -> memref<1x1x128x16xf32, #tpu.memory_space<vmem>>
    %dma_wait3A_213 = tpu.memref_squeeze %dma_wait3A_212 : memref<1x1x128x16xf32, #tpu.memory_space<vmem>> -> memref<128x16xf32, #tpu.memory_space<vmem>>
    %dma_wait3A_214 = arith.constant 0 : i32
    %dma_wait3A_215 = tpu.memref_slice %arg8[%dma_wait3A_209, %dma_wait3A_214] : memref<80x128xi32, #tpu.memory_space<vmem>> -> memref<1x128xi32, #tpu.memory_space<vmem>>
    %dma_wait3A_216 = tpu.memref_squeeze %dma_wait3A_215 : memref<1x128xi32, #tpu.memory_space<vmem>> -> memref<128xi32, #tpu.memory_space<vmem>>
    %dma_wait3A_217 = arith.constant 0 : i32
    %dma_wait3A_218 = arith.constant 0 : i32
    %dma_wait3A_219 = tpu.memref_slice %arg10[%dma_wait3A_217, %dma_wait3A_218] : memref<10240x16xf32, #tpu.memory_space<vmem_shared>> -> memref<10240x16xf32, #tpu.memory_space<vmem_shared>>
    tpu.wait_indirect_dma semaphore(%arg12 : memref<!tpu.dma_semaphore, #tpu.memory_space<semaphore_mem>>) src(%dma_wait3A_213 : memref<128x16xf32, #tpu.memory_space<vmem>>) dst(%dma_wait3A_219 : memref<10240x16xf32, #tpu.memory_space<vmem_shared>>)
    %barrier3A_220 = arith.constant 0 : index
    tpu.barrier barrier_id(%barrier3A_220)
    %mul3A_221 = arith.constant 640 : i32
    %mul3A_222 = arith.muli %arg1, %mul3A_221 : i32
    %mul3A_223 = arith.constant 640 : i32
    %mul3A_224 = arith.muli %arg1, %mul3A_223 : i32
    "tpu.region"() ({
      %run_scoped3A = tpu.sem_alloc : memref<!tpu.dma_semaphore, #tpu.memory_space<semaphore_mem>>
      %dma_start3A_225 = arith.constant 0 : i32
      %dma_start3A_226 = tpu.memref_slice %arg6[%arg0, %mul3A_224, %dma_start3A_225] : memref<2x10240x16xf32, #tpu.memory_space<hbm>> -> memref<1x640x16xf32, #tpu.memory_space<hbm>>
      %dma_start3A_227 = tpu.memref_squeeze %dma_start3A_226 : memref<1x640x16xf32, #tpu.memory_space<hbm>> -> memref<640x16xf32, #tpu.memory_space<hbm>>
      %dma_start3A_228 = arith.constant 0 : i32
      %dma_start3A_229 = tpu.memref_slice %arg10[%mul3A_222, %dma_start3A_228] : memref<10240x16xf32, #tpu.memory_space<vmem_shared>> -> memref<640x16xf32, #tpu.memory_space<vmem_shared>>
      tpu.enqueue_dma source(%dma_start3A_229 : memref<640x16xf32, #tpu.memory_space<vmem_shared>>) target(%dma_start3A_227 : memref<640x16xf32, #tpu.memory_space<hbm>>) target_semaphore(%run_scoped3A : memref<!tpu.dma_semaphore, #tpu.memory_space<semaphore_mem>>)
      %dma_wait3A_230 = arith.constant 0 : i32
      %dma_wait3A_231 = tpu.memref_slice %arg6[%arg0, %mul3A_224, %dma_wait3A_230] : memref<2x10240x16xf32, #tpu.memory_space<hbm>> -> memref<1x640x16xf32, #tpu.memory_space<hbm>>
      %dma_wait3A_232 = tpu.memref_squeeze %dma_wait3A_231 : memref<1x640x16xf32, #tpu.memory_space<hbm>> -> memref<640x16xf32, #tpu.memory_space<hbm>>
      %dma_wait3A_233 = arith.constant 0 : i32
      %dma_wait3A_234 = tpu.memref_slice %arg10[%mul3A_222, %dma_wait3A_233] : memref<10240x16xf32, #tpu.memory_space<vmem_shared>> -> memref<640x16xf32, #tpu.memory_space<vmem_shared>>
      tpu.wait_dma2 semaphore(%run_scoped3A : memref<!tpu.dma_semaphore, #tpu.memory_space<semaphore_mem>>) src(%dma_wait3A_234 : memref<640x16xf32, #tpu.memory_space<vmem_shared>>) dst(%dma_wait3A_232 : memref<640x16xf32, #tpu.memory_space<hbm>>)
      tpu.yield
    }) : () -> ()
    return
  }
}

module attributes {stable_mosaic.version = 14 : i64} {
  func.func @_pre_a_body(%arg0: memref<1250x1024xf32, #tpu.memory_space<vmem>>, %arg1: memref<1024x128xf32, #tpu.memory_space<vmem>>, %arg2: memref<1250x752xf32, #tpu.memory_space<vmem>>, %arg3: memref<752x800xf32, #tpu.memory_space<vmem>>, %arg4: memref<1x800xf32, #tpu.memory_space<vmem>>, %arg5: memref<1250x128xf32, #tpu.memory_space<vmem>>, %arg6: memref<1250x800xf32, #tpu.memory_space<vmem>>) attributes {dimension_semantics = [], scalar_prefetch = 0 : i64, scratch_operands = 0 : i64, tpu.core_type = #tpu.core_type<tc>} {
    %get3A = arith.constant 0 : index
    %get3A_0 = arith.constant 0 : index
    %get3A_1 = vector.load %arg0[%get3A, %get3A_0] : memref<1250x1024xf32, #tpu.memory_space<vmem>>, vector<1250x1024xf32>
    %get3A_2 = arith.constant 0 : index
    %get3A_3 = arith.constant 0 : index
    %get3A_4 = vector.load %arg1[%get3A_2, %get3A_3] : memref<1024x128xf32, #tpu.memory_space<vmem>>, vector<1024x128xf32>
    %dot_general3A = arith.constant dense<0.000000e+00> : vector<1250x128xf32>
    %dot_general3A_5 = tpu.matmul %get3A_1, %get3A_4, %dot_general3A {dimension_numbers = #tpu.dot_dimension_numbers<[1], [0], [0], [1], [0, 0, 1, 1], [], []>, transpose_lhs_hint = false} : vector<1250x1024xf32>, vector<1024x128xf32>, vector<1250x128xf32> -> vector<1250x128xf32>
    %swap3A = arith.constant 0 : index
    %swap3A_6 = arith.constant 0 : index
    %swap3A_7 = vector.load %arg5[%swap3A, %swap3A_6] : memref<1250x128xf32, #tpu.memory_space<vmem>>, vector<1250x128xf32>
    tpu.vector_store %arg5[%swap3A, %swap3A_6], %dot_general3A_5 {strides = array<i32>} : memref<1250x128xf32, #tpu.memory_space<vmem>>, vector<1250x128xf32>,
    %get3A_8 = arith.constant 0 : index
    %get3A_9 = arith.constant 0 : index
    %get3A_10 = vector.load %arg2[%get3A_8, %get3A_9] : memref<1250x752xf32, #tpu.memory_space<vmem>>, vector<1250x752xf32>
    %get3A_11 = arith.constant 0 : index
    %get3A_12 = arith.constant 0 : index
    %get3A_13 = vector.load %arg3[%get3A_11, %get3A_12] : memref<752x800xf32, #tpu.memory_space<vmem>>, vector<752x800xf32>
    %dot_general3A_14 = arith.constant dense<0.000000e+00> : vector<1250x800xf32>
    %dot_general3A_15 = tpu.matmul %get3A_10, %get3A_13, %dot_general3A_14 {dimension_numbers = #tpu.dot_dimension_numbers<[1], [0], [0], [1], [0, 0, 1, 1], [], []>, transpose_lhs_hint = false} : vector<1250x752xf32>, vector<752x800xf32>, vector<1250x800xf32> -> vector<1250x800xf32>
    %get3A_16 = arith.constant 0 : index
    %get3A_17 = arith.constant 0 : index
    %get3A_18 = vector.load %arg4[%get3A_16, %get3A_17] : memref<1x800xf32, #tpu.memory_space<vmem>>, vector<1x800xf32>
    %add3A = vector.broadcast %get3A_18 : vector<1x800xf32> to vector<1250x800xf32>
    %add3A_19 = arith.addf %dot_general3A_15, %add3A : vector<1250x800xf32>
    %swap3A_20 = arith.constant 0 : index
    %swap3A_21 = arith.constant 0 : index
    %swap3A_22 = vector.load %arg6[%swap3A_20, %swap3A_21] : memref<1250x800xf32, #tpu.memory_space<vmem>>, vector<1250x800xf32>
    tpu.vector_store %arg6[%swap3A_20, %swap3A_21], %add3A_19 {strides = array<i32>} : memref<1250x800xf32, #tpu.memory_space<vmem>>, vector<1250x800xf32>,
    return
  }
}

module attributes {stable_mosaic.version = 14 : i64} {
  func.func @_pre_b_body(%arg0: memref<2x1280x128xf32, #tpu.memory_space<vmem>>, %arg1: memref<1250x128xf32, #tpu.memory_space<vmem>>, %arg2: memref<1250x128xf32, #tpu.memory_space<vmem>>) attributes {dimension_semantics = [], scalar_prefetch = 0 : i64, scratch_operands = 0 : i64, tpu.core_type = #tpu.core_type<tc>} {
    %get3A = arith.constant 0 : index
    %get3A_0 = arith.constant 0 : index
    %get3A_1 = vector.load %arg1[%get3A, %get3A_0] : memref<1250x128xf32, #tpu.memory_space<vmem>>, vector<1250x128xf32>
    %get3A_2 = arith.constant 0 : index
    %get3A_3 = arith.constant 0 : index
    %get3A_4 = arith.constant 0 : index
    %get3A_5 = vector.load %arg0[%get3A_2, %get3A_3, %get3A_4] : memref<2x1280x128xf32, #tpu.memory_space<vmem>>, vector<1x1250x128xf32>
    %get3A_6 = vector.shape_cast %get3A_5 : vector<1x1250x128xf32> to vector<1250x128xf32>
    %get3A_7 = arith.constant 1 : index
    %get3A_8 = arith.constant 0 : index
    %get3A_9 = arith.constant 0 : index
    %get3A_10 = vector.load %arg0[%get3A_7, %get3A_8, %get3A_9] : memref<2x1280x128xf32, #tpu.memory_space<vmem>>, vector<1x1250x128xf32>
    %get3A_11 = vector.shape_cast %get3A_10 : vector<1x1250x128xf32> to vector<1250x128xf32>
    %add3A = arith.addf %get3A_6, %get3A_11 : vector<1250x128xf32>
    %add3A_12 = arith.constant 1.000000e+00 : f32
    %add3A_13 = vector.broadcast %add3A_12 : f32 to vector<1250x128xf32>
    %add3A_14 = arith.addf %add3A, %add3A_13 : vector<1250x128xf32>
    %rsqrt3A = math.rsqrt %add3A_14 : vector<1250x128xf32>
    %mul3A = arith.mulf %get3A_1, %rsqrt3A : vector<1250x128xf32>
    %swap3A = arith.constant 0 : index
    %swap3A_15 = arith.constant 0 : index
    %swap3A_16 = vector.load %arg2[%swap3A, %swap3A_15] : memref<1250x128xf32, #tpu.memory_space<vmem>>, vector<1250x128xf32>
    tpu.vector_store %arg2[%swap3A, %swap3A_15], %mul3A {strides = array<i32>} : memref<1250x128xf32, #tpu.memory_space<vmem>>, vector<1250x128xf32>,
    return
  }
}

module attributes {stable_mosaic.version = 14 : i64} {
  func.func @_mid_body(%arg0: memref<2x1280x128xf32, #tpu.memory_space<vmem>>, %arg1: memref<2x1280x128xf32, #tpu.memory_space<vmem>>, %arg2: memref<1250x128xf32, #tpu.memory_space<vmem>>, %arg3: memref<1x128xf32, #tpu.memory_space<vmem>>, %arg4: memref<128x128xf32, #tpu.memory_space<vmem>>, %arg5: memref<1250x128xf32, #tpu.memory_space<vmem>>) attributes {dimension_semantics = [], scalar_prefetch = 0 : i64, scratch_operands = 0 : i64, tpu.core_type = #tpu.core_type<tc>} {
    %get3A = arith.constant 0 : index
    %get3A_0 = arith.constant 0 : index
    %get3A_1 = arith.constant 0 : index
    %get3A_2 = vector.load %arg0[%get3A, %get3A_0, %get3A_1] : memref<2x1280x128xf32, #tpu.memory_space<vmem>>, vector<1x1250x128xf32>
    %get3A_3 = vector.shape_cast %get3A_2 : vector<1x1250x128xf32> to vector<1250x128xf32>
    %get3A_4 = arith.constant 1 : index
    %get3A_5 = arith.constant 0 : index
    %get3A_6 = arith.constant 0 : index
    %get3A_7 = vector.load %arg0[%get3A_4, %get3A_5, %get3A_6] : memref<2x1280x128xf32, #tpu.memory_space<vmem>>, vector<1x1250x128xf32>
    %get3A_8 = vector.shape_cast %get3A_7 : vector<1x1250x128xf32> to vector<1250x128xf32>
    %add3A = arith.addf %get3A_3, %get3A_8 : vector<1250x128xf32>
    %add3A_9 = arith.constant 1.000000e+00 : f32
    %add3A_10 = vector.broadcast %add3A_9 : f32 to vector<1250x128xf32>
    %add3A_11 = arith.addf %add3A, %add3A_10 : vector<1250x128xf32>
    %rsqrt3A = math.rsqrt %add3A_11 : vector<1250x128xf32>
    %get3A_12 = arith.constant 0 : index
    %get3A_13 = arith.constant 0 : index
    %get3A_14 = arith.constant 0 : index
    %get3A_15 = vector.load %arg1[%get3A_12, %get3A_13, %get3A_14] : memref<2x1280x128xf32, #tpu.memory_space<vmem>>, vector<1x1250x128xf32>
    %get3A_16 = vector.shape_cast %get3A_15 : vector<1x1250x128xf32> to vector<1250x128xf32>
    %get3A_17 = arith.constant 1 : index
    %get3A_18 = arith.constant 0 : index
    %get3A_19 = arith.constant 0 : index
    %get3A_20 = vector.load %arg1[%get3A_17, %get3A_18, %get3A_19] : memref<2x1280x128xf32, #tpu.memory_space<vmem>>, vector<1x1250x128xf32>
    %get3A_21 = vector.shape_cast %get3A_20 : vector<1x1250x128xf32> to vector<1250x128xf32>
    %add3A_22 = arith.addf %get3A_16, %get3A_21 : vector<1250x128xf32>
    %get3A_23 = arith.constant 0 : index
    %get3A_24 = arith.constant 0 : index
    %get3A_25 = vector.load %arg2[%get3A_23, %get3A_24] : memref<1250x128xf32, #tpu.memory_space<vmem>>, vector<1250x128xf32>
    %add3A_26 = arith.addf %add3A_22, %get3A_25 : vector<1250x128xf32>
    %mul3A = arith.mulf %rsqrt3A, %add3A_26 : vector<1250x128xf32>
    %get3A_27 = arith.constant 0 : index
    %get3A_28 = arith.constant 0 : index
    %get3A_29 = vector.load %arg3[%get3A_27, %get3A_28] : memref<1x128xf32, #tpu.memory_space<vmem>>, vector<1x128xf32>
    %add3A_30 = vector.broadcast %get3A_29 : vector<1x128xf32> to vector<1250x128xf32>
    %add3A_31 = arith.addf %mul3A, %add3A_30 : vector<1250x128xf32>
    %max3A = arith.constant 0.000000e+00 : f32
    %max3A_32 = vector.broadcast %max3A : f32 to vector<1250x128xf32>
    %max3A_33 = arith.maximumf %add3A_31, %max3A_32 : vector<1250x128xf32>
    %get3A_34 = arith.constant 0 : index
    %get3A_35 = arith.constant 0 : index
    %get3A_36 = vector.load %arg4[%get3A_34, %get3A_35] : memref<128x128xf32, #tpu.memory_space<vmem>>, vector<128x128xf32>
    %dot_general3A = arith.constant dense<0.000000e+00> : vector<1250x128xf32>
    %dot_general3A_37 = tpu.matmul %max3A_33, %get3A_36, %dot_general3A {dimension_numbers = #tpu.dot_dimension_numbers<[1], [0], [0], [1], [0, 0, 1, 1], [], []>, transpose_lhs_hint = false} : vector<1250x128xf32>, vector<128x128xf32>, vector<1250x128xf32> -> vector<1250x128xf32>
    %mul3A_38 = arith.mulf %dot_general3A_37, %rsqrt3A : vector<1250x128xf32>
    %swap3A = arith.constant 0 : index
    %swap3A_39 = arith.constant 0 : index
    %swap3A_40 = vector.load %arg5[%swap3A, %swap3A_39] : memref<1250x128xf32, #tpu.memory_space<vmem>>, vector<1250x128xf32>
    tpu.vector_store %arg5[%swap3A, %swap3A_39], %mul3A_38 {strides = array<i32>} : memref<1250x128xf32, #tpu.memory_space<vmem>>, vector<1250x128xf32>,
    return
  }
}

module attributes {stable_mosaic.version = 14 : i64} {
  func.func @_post_body(%arg0: memref<2x1280x128xf32, #tpu.memory_space<vmem>>, %arg1: memref<2x1280x128xf32, #tpu.memory_space<vmem>>, %arg2: memref<1250x128xf32, #tpu.memory_space<vmem>>, %arg3: memref<1x128xf32, #tpu.memory_space<vmem>>, %arg4: memref<1250x800xf32, #tpu.memory_space<vmem>>, %arg5: memref<128x648xf32, #tpu.memory_space<vmem>>, %arg6: memref<800x648xf32, #tpu.memory_space<vmem>>, %arg7: memref<1x648xf32, #tpu.memory_space<vmem>>, %arg8: memref<648x16xf32, #tpu.memory_space<vmem>>, %arg9: memref<1x16xf32, #tpu.memory_space<vmem>>, %arg10: memref<16x8xf32, #tpu.memory_space<vmem>>, %arg11: memref<16x8xf32, #tpu.memory_space<vmem>>, %arg12: memref<8x16xf32, #tpu.memory_space<vmem>>, %arg13: memref<8x16xf32, #tpu.memory_space<vmem>>, %arg14: memref<1250x16xf32, #tpu.memory_space<vmem>>) attributes {dimension_semantics = [], scalar_prefetch = 0 : i64, scratch_operands = 0 : i64, tpu.core_type = #tpu.core_type<tc>} {
    %get3A = arith.constant 0 : index
    %get3A_0 = arith.constant 0 : index
    %get3A_1 = arith.constant 0 : index
    %get3A_2 = vector.load %arg0[%get3A, %get3A_0, %get3A_1] : memref<2x1280x128xf32, #tpu.memory_space<vmem>>, vector<1x1250x128xf32>
    %get3A_3 = vector.shape_cast %get3A_2 : vector<1x1250x128xf32> to vector<1250x128xf32>
    %get3A_4 = arith.constant 1 : index
    %get3A_5 = arith.constant 0 : index
    %get3A_6 = arith.constant 0 : index
    %get3A_7 = vector.load %arg0[%get3A_4, %get3A_5, %get3A_6] : memref<2x1280x128xf32, #tpu.memory_space<vmem>>, vector<1x1250x128xf32>
    %get3A_8 = vector.shape_cast %get3A_7 : vector<1x1250x128xf32> to vector<1250x128xf32>
    %add3A = arith.addf %get3A_3, %get3A_8 : vector<1250x128xf32>
    %add3A_9 = arith.constant 1.000000e+00 : f32
    %add3A_10 = vector.broadcast %add3A_9 : f32 to vector<1250x128xf32>
    %add3A_11 = arith.addf %add3A, %add3A_10 : vector<1250x128xf32>
    %rsqrt3A = math.rsqrt %add3A_11 : vector<1250x128xf32>
    %get3A_12 = arith.constant 0 : index
    %get3A_13 = arith.constant 0 : index
    %get3A_14 = arith.constant 0 : index
    %get3A_15 = vector.load %arg1[%get3A_12, %get3A_13, %get3A_14] : memref<2x1280x128xf32, #tpu.memory_space<vmem>>, vector<1x1250x128xf32>
    %get3A_16 = vector.shape_cast %get3A_15 : vector<1x1250x128xf32> to vector<1250x128xf32>
    %get3A_17 = arith.constant 1 : index
    %get3A_18 = arith.constant 0 : index
    %get3A_19 = arith.constant 0 : index
    %get3A_20 = vector.load %arg1[%get3A_17, %get3A_18, %get3A_19] : memref<2x1280x128xf32, #tpu.memory_space<vmem>>, vector<1x1250x128xf32>
    %get3A_21 = vector.shape_cast %get3A_20 : vector<1x1250x128xf32> to vector<1250x128xf32>
    %add3A_22 = arith.addf %get3A_16, %get3A_21 : vector<1250x128xf32>
    %get3A_23 = arith.constant 0 : index
    %get3A_24 = arith.constant 0 : index
    %get3A_25 = vector.load %arg2[%get3A_23, %get3A_24] : memref<1250x128xf32, #tpu.memory_space<vmem>>, vector<1250x128xf32>
    %add3A_26 = arith.addf %add3A_22, %get3A_25 : vector<1250x128xf32>
    %mul3A = arith.mulf %rsqrt3A, %add3A_26 : vector<1250x128xf32>
    %get3A_27 = arith.constant 0 : index
    %get3A_28 = arith.constant 0 : index
    %get3A_29 = vector.load %arg3[%get3A_27, %get3A_28] : memref<1x128xf32, #tpu.memory_space<vmem>>, vector<1x128xf32>
    %add3A_30 = vector.broadcast %get3A_29 : vector<1x128xf32> to vector<1250x128xf32>
    %add3A_31 = arith.addf %mul3A, %add3A_30 : vector<1250x128xf32>
    %max3A = arith.constant 0.000000e+00 : f32
    %max3A_32 = vector.broadcast %max3A : f32 to vector<1250x128xf32>
    %max3A_33 = arith.maximumf %add3A_31, %max3A_32 : vector<1250x128xf32>
    %get3A_34 = arith.constant 0 : index
    %get3A_35 = arith.constant 0 : index
    %get3A_36 = vector.load %arg5[%get3A_34, %get3A_35] : memref<128x648xf32, #tpu.memory_space<vmem>>, vector<128x648xf32>
    %dot_general3A = arith.constant dense<0.000000e+00> : vector<1250x648xf32>
    %dot_general3A_37 = tpu.matmul %max3A_33, %get3A_36, %dot_general3A {dimension_numbers = #tpu.dot_dimension_numbers<[1], [0], [0], [1], [0, 0, 1, 1], [], []>, transpose_lhs_hint = false} : vector<1250x128xf32>, vector<128x648xf32>, vector<1250x648xf32> -> vector<1250x648xf32>
    %get3A_38 = arith.constant 0 : index
    %get3A_39 = arith.constant 0 : index
    %get3A_40 = vector.load %arg4[%get3A_38, %get3A_39] : memref<1250x800xf32, #tpu.memory_space<vmem>>, vector<1250x800xf32>
    %max3A_41 = arith.constant 0.000000e+00 : f32
    %max3A_42 = vector.broadcast %max3A_41 : f32 to vector<1250x800xf32>
    %max3A_43 = arith.maximumf %get3A_40, %max3A_42 : vector<1250x800xf32>
    %get3A_44 = arith.constant 0 : index
    %get3A_45 = arith.constant 0 : index
    %get3A_46 = vector.load %arg6[%get3A_44, %get3A_45] : memref<800x648xf32, #tpu.memory_space<vmem>>, vector<800x648xf32>
    %dot_general3A_47 = arith.constant dense<0.000000e+00> : vector<1250x648xf32>
    %dot_general3A_48 = tpu.matmul %max3A_43, %get3A_46, %dot_general3A_47 {dimension_numbers = #tpu.dot_dimension_numbers<[1], [0], [0], [1], [0, 0, 1, 1], [], []>, transpose_lhs_hint = false} : vector<1250x800xf32>, vector<800x648xf32>, vector<1250x648xf32> -> vector<1250x648xf32>
    %add3A_49 = arith.addf %dot_general3A_37, %dot_general3A_48 : vector<1250x648xf32>
    %get3A_50 = arith.constant 0 : index
    %get3A_51 = arith.constant 0 : index
    %get3A_52 = vector.load %arg7[%get3A_50, %get3A_51] : memref<1x648xf32, #tpu.memory_space<vmem>>, vector<1x648xf32>
    %add3A_53 = vector.broadcast %get3A_52 : vector<1x648xf32> to vector<1250x648xf32>
    %add3A_54 = arith.addf %add3A_49, %add3A_53 : vector<1250x648xf32>
    %max3A_55 = arith.constant 0.000000e+00 : f32
    %max3A_56 = vector.broadcast %max3A_55 : f32 to vector<1250x648xf32>
    %max3A_57 = arith.maximumf %add3A_54, %max3A_56 : vector<1250x648xf32>
    %get3A_58 = arith.constant 0 : index
    %get3A_59 = arith.constant 0 : index
    %get3A_60 = vector.load %arg8[%get3A_58, %get3A_59] : memref<648x16xf32, #tpu.memory_space<vmem>>, vector<648x16xf32>
    %dot_general3A_61 = arith.constant dense<0.000000e+00> : vector<1250x16xf32>
    %dot_general3A_62 = tpu.matmul %max3A_57, %get3A_60, %dot_general3A_61 {dimension_numbers = #tpu.dot_dimension_numbers<[1], [0], [0], [1], [0, 0, 1, 1], [], []>, transpose_lhs_hint = false} : vector<1250x648xf32>, vector<648x16xf32>, vector<1250x16xf32> -> vector<1250x16xf32>
    %get3A_63 = arith.constant 0 : index
    %get3A_64 = arith.constant 0 : index
    %get3A_65 = vector.load %arg9[%get3A_63, %get3A_64] : memref<1x16xf32, #tpu.memory_space<vmem>>, vector<1x16xf32>
    %add3A_66 = vector.broadcast %get3A_65 : vector<1x16xf32> to vector<1250x16xf32>
    %add3A_67 = arith.addf %dot_general3A_62, %add3A_66 : vector<1250x16xf32>
    %get3A_68 = arith.constant 0 : index
    %get3A_69 = arith.constant 0 : index
    %get3A_70 = vector.load %arg10[%get3A_68, %get3A_69] : memref<16x8xf32, #tpu.memory_space<vmem>>, vector<16x8xf32>
    %dot_general3A_71 = arith.constant dense<0.000000e+00> : vector<1250x8xf32>
    %dot_general3A_72 = tpu.matmul %add3A_67, %get3A_70, %dot_general3A_71 {dimension_numbers = #tpu.dot_dimension_numbers<[1], [0], [0], [1], [0, 0, 1, 1], [], []>, transpose_lhs_hint = false} : vector<1250x16xf32>, vector<16x8xf32>, vector<1250x8xf32> -> vector<1250x8xf32>
    %get3A_73 = arith.constant 0 : index
    %get3A_74 = arith.constant 0 : index
    %get3A_75 = vector.load %arg11[%get3A_73, %get3A_74] : memref<16x8xf32, #tpu.memory_space<vmem>>, vector<16x8xf32>
    %dot_general3A_76 = arith.constant dense<0.000000e+00> : vector<1250x8xf32>
    %dot_general3A_77 = tpu.matmul %add3A_67, %get3A_75, %dot_general3A_76 {dimension_numbers = #tpu.dot_dimension_numbers<[1], [0], [0], [1], [0, 0, 1, 1], [], []>, transpose_lhs_hint = false} : vector<1250x16xf32>, vector<16x8xf32>, vector<1250x8xf32> -> vector<1250x8xf32>
    %max3A_78 = arith.maximumf %dot_general3A_72, %dot_general3A_77 : vector<1250x8xf32>
    %sub3A = arith.subf %dot_general3A_72, %max3A_78 : vector<1250x8xf32>
    %exp3A = math.exp %sub3A : vector<1250x8xf32>
    %sub3A_79 = arith.subf %dot_general3A_77, %max3A_78 : vector<1250x8xf32>
    %exp3A_80 = math.exp %sub3A_79 : vector<1250x8xf32>
    %add3A_81 = arith.addf %exp3A, %exp3A_80 : vector<1250x8xf32>
    %log3A = math.log %add3A_81 : vector<1250x8xf32>
    %add3A_82 = arith.addf %max3A_78, %log3A : vector<1250x8xf32>
    %sub3A_83 = arith.subf %dot_general3A_72, %add3A_82 : vector<1250x8xf32>
    %sub3A_84 = arith.subf %dot_general3A_77, %add3A_82 : vector<1250x8xf32>
    %get3A_85 = arith.constant 0 : index
    %get3A_86 = arith.constant 0 : index
    %get3A_87 = vector.load %arg12[%get3A_85, %get3A_86] : memref<8x16xf32, #tpu.memory_space<vmem>>, vector<8x16xf32>
    %dot_general3A_88 = arith.constant dense<0.000000e+00> : vector<1250x16xf32>
    %dot_general3A_89 = tpu.matmul %sub3A_83, %get3A_87, %dot_general3A_88 {dimension_numbers = #tpu.dot_dimension_numbers<[1], [0], [0], [1], [0, 0, 1, 1], [], []>, transpose_lhs_hint = false} : vector<1250x8xf32>, vector<8x16xf32>, vector<1250x16xf32> -> vector<1250x16xf32>
    %get3A_90 = arith.constant 0 : index
    %get3A_91 = arith.constant 0 : index
    %get3A_92 = vector.load %arg13[%get3A_90, %get3A_91] : memref<8x16xf32, #tpu.memory_space<vmem>>, vector<8x16xf32>
    %dot_general3A_93 = arith.constant dense<0.000000e+00> : vector<1250x16xf32>
    %dot_general3A_94 = tpu.matmul %sub3A_84, %get3A_92, %dot_general3A_93 {dimension_numbers = #tpu.dot_dimension_numbers<[1], [0], [0], [1], [0, 0, 1, 1], [], []>, transpose_lhs_hint = false} : vector<1250x8xf32>, vector<8x16xf32>, vector<1250x16xf32> -> vector<1250x16xf32>
    %add3A_95 = arith.addf %dot_general3A_89, %dot_general3A_94 : vector<1250x16xf32>
    %swap3A = arith.constant 0 : index
    %swap3A_96 = arith.constant 0 : index
    %swap3A_97 = vector.load %arg14[%swap3A, %swap3A_96] : memref<1250x16xf32, #tpu.memory_space<vmem>>, vector<1250x16xf32>
    tpu.vector_store %arg14[%swap3A, %swap3A_96], %add3A_95 {strides = array<i32>} : memref<1250x16xf32, #tpu.memory_space<vmem>>, vector<1250x16xf32>,
    return
  }
}

</mosaic_0001>

<sc_bundles>
// kernel: kernel.12.cloned.1.call-start
scs
__scs_entry_jumppad:
0x0: {  	(pc) =	sbr.rel $0x88, $3  }
0x1: {  	(tag) =	ssettag $0x0;
	lr =	simm.s32 $0x1  }
0x2: {  	[smem:$0x3F94] =	sst lr;
	_ =	strace $0xD0000000  }
0x3: {  	_ = 	snop  }
0x4: {  	_ = 	snop  }
0x5: {  	_ = 	snop  }
0x6: {  	_ = 	snop  }
0x7: {  	_ = 	snop  }
__scs_overlays_trampoline_lowered:
0x8: {  	[smem:$0x3FA3] =	sst s0  }
0x9: {  	[smem:$0x3FA4] =	sst s1  }
0xa: {  	[smem:$0x3FA5] =	sst s2  }
0xb: {  	[smem:$0x3FA6] =	sst s3  }
0xc: {  	[smem:$0x3FA7] =	sst s4  }
0xd: {  	[smem:$0x3FA8] =	sst s5  }
0xe: {  	[smem:$0x3FA9] =	sst s6  }
0xf: {  	[smem:$0x3FAA] =	sst s7  }
0x10: {  	[smem:$0x3FAB] =	sst s8  }
0x11: {  	[smem:$0x3FAC] =	sst s9;
	s0 =	simm.s32 @!p0 $0x0  }
0x12: {  	s1 =	sld [smem:$0x3F92];
	s0 =	simm.s32 @p0 $0x1  }
0x13: {  	[smem:$0x3FAD] =	sst s0;
	s0 =	simm.s32 @!p1 $0x0  }
0x14: {  	s2 =	sld [smem:$0x3F91];
	s0 =	simm.s32 @p1 $0x1  }
0x15: {  	[smem:$0x3FAE] =	sst s0;
	s0 =	simm.s32 @!p2 $0x0  }
0x16: {  	s3 =	sld [smem:$0x3FDB];
	s0 =	simm.s32 @p2 $0x1  }
0x17: {  	s4 =	simm.s32 $0x1BF5;
	[smem:$0x3FB0] =	sst s0  }
0x18: {  	s0 =	sld [smem:$0x3F93];
	_ =	swait.ge [sflag:s4], $0x0  }
0x19: {  	s7 =	sld [smem:$0x3F94]  }
0x1a: {  	s8 =	sadd.s32 $0xFFFFE003, lr  }
0x1b: {  	s9 =	sadd.s32 $0xFFFFFEF7, lr;
	s5 =	simm.s32 $0xFFFFFFFF;
	p2 =	slt.u32 s8, $0xFFFFF086  }
0x1c: {  	p1 =	slt.u32 s9, $0xF7A;
	s5 =	simm.s32 @!p2 $0x0  }
0x1d: {  	s5 =	simm.s32 @p1 $0x1;
	p0 =	seq.s32 s7, s2  }
0x1e: {  	s7 =	smul.u32 @!p0 $0xF7A, s2;
	p2 =	seq.s32 @!p0 s5, $0x0  }
0x1f: {  	s9 =	smul.u32 $0xF7A, s1;
	s8 =	simm.s32 @!p0 $0x1BF5;
	p2 =	por !p2, p0  }
0x20: {  	[sflag:s8] =	ssyncset.s32 @!p0 $0xFFFFF086;
	s6 =	sadd.s32 @!p0 s3, s7;
	s7 =	simm.s32 @!p0 $0x108  }
0x21: {  	s3 =	sadd.s32 s3, s9;
	s6 =	sadd.s32 @!p0 $0x88, s6;
	s7 =	simm.s32 @p2 $0x1082  }
0x22: {  	[simem:s7], [sflag:s8] =	dma.local @!p0 [hbm:s6], $0xF7A  }
0x23: {  	s9 =	sor.u32 $0xD0000000, s2;
	s6 =	simm.s32 $0x108;
	_ =	swait.ge @!p0 [sflag:s8], $0x0  }
0x24: {  	s3 =	sadd.s32 $0x88, s3;
	s6 =	simm.s32 @!p1 $0x1082;
	[sflag:s4] =	ssyncset.s32 $0xFFFFF086  }
0x25: {  	[simem:s6], [sflag:s4] =	dma.local [hbm:s3], $0xF7A  }
0x26: {  	[smem:$0x3F94] =	sst s1;
	(tag) =	ssettag s2;
	_ =	strace s9  }
0x27: {  	s1 =	sld [smem:$0x3FA4]  }
0x28: {  	s2 =	sld [smem:$0x3FA5]  }
0x29: {  	s4 =	sld [smem:$0x3FA7]  }
0x2a: {  	p0 =	seq.s32 s5, $0x0;
	s5 =	sld [smem:$0x3FA8]  }
0x2b: {  	s6 =	sld [smem:$0x3FA9]  }
0x2c: {  	s7 =	sld [smem:$0x3FAA]  }
0x2d: {  	s3 =	simm.s32 $0x108;
	s8 =	sld [smem:$0x3FAB]  }
0x2e: {  	s3 =	simm.s32 @!p0 $0x1082;
	s9 =	sld [smem:$0x3FAC]  }
0x2f: {  	lr =	sadd.s32 s0, s3;
	s0 =	sld [smem:$0x3FA3]  }
0x30: {  	s3 =	sld [smem:$0x3FA6]  }
0x31: {  	[smem:$0x3FAF] =	sst s10  }
0x32: {  	s10 =	sld [smem:$0x3FAD];
	_ =	sdelay $0x3  }
0x33: {  	p0 =	seq.s32 s10, $0x1;
	s10 =	sld [smem:$0x3FAF];
	_ =	sdelay $0x3  }
0x34: {  	[smem:$0x3FAF] =	sst s10  }
0x35: {  	s10 =	sld [smem:$0x3FAE];
	_ =	sdelay $0x3  }
0x36: {  	p1 =	seq.s32 s10, $0x1;
	s10 =	sld [smem:$0x3FAF];
	_ =	sdelay $0x3  }
0x37: {  	[smem:$0x3FAF] =	sst s10  }
0x38: {  	s10 =	sld [smem:$0x3FB0]  }
0x39: {  	_ = 	snop;
	(pc) =	sbr.ind lr, $3  }
0x3a: {  	_ = 	snop  }
0x3b: {  	_ = 	snop  }
0x3c: {  	p2 =	seq.s32 s10, $0x1;
	s10 =	sld [smem:$0x3FAF]  }
0x3d: {  	_ =	shalt  }
0x3e: {  	_ =	shalt  }
0x3f: {  	_ =	shalt  }
0x40: {  	_ =	shalt  }
0x41: {  	_ =	shalt  }
0x42: {  	_ =	shalt  }
0x43: {  	_ =	shalt  }
0x44: {  	_ =	shalt  }
0x45: {  	_ =	shalt  }
0x46: {  	_ =	shalt  }
0x47: {  	_ =	shalt  }
0x48: {  	_ =	shalt  }
0x49: {  	_ =	shalt  }
0x4a: {  	_ =	shalt  }
0x4b: {  	_ =	shalt  }
0x4c: {  	_ =	shalt  }
0x4d: {  	_ =	shalt  }
0x4e: {  	_ =	shalt  }
0x4f: {  	_ =	shalt  }
0x50: {  	_ =	shalt  }
0x51: {  	_ =	shalt  }
0x52: {  	_ =	shalt  }
0x53: {  	_ =	shalt  }
0x54: {  	_ =	shalt  }
0x55: {  	_ =	shalt  }
0x56: {  	_ =	shalt  }
0x57: {  	_ =	shalt  }
0x58: {  	_ =	shalt  }
0x59: {  	_ =	shalt  }
0x5a: {  	_ =	shalt  }
0x5b: {  	_ =	shalt  }
0x5c: {  	_ =	shalt  }
0x5d: {  	_ =	shalt  }
0x5e: {  	_ =	shalt  }
0x5f: {  	_ =	shalt  }
0x60: {  	_ =	shalt  }
0x61: {  	_ =	shalt  }
0x62: {  	_ =	shalt  }
0x63: {  	_ =	shalt  }
0x64: {  	_ =	shalt  }
0x65: {  	_ =	shalt  }
0x66: {  	_ =	shalt  }
0x67: {  	_ =	shalt  }
0x68: {  	_ =	shalt  }
0x69: {  	_ =	shalt  }
0x6a: {  	_ =	shalt  }
0x6b: {  	_ =	shalt  }
0x6c: {  	_ =	shalt  }
0x6d: {  	_ =	shalt  }
0x6e: {  	_ =	shalt  }
0x6f: {  	_ =	shalt  }
0x70: {  	_ =	shalt  }
0x71: {  	_ =	shalt  }
0x72: {  	_ =	shalt  }
0x73: {  	_ =	shalt  }
0x74: {  	_ =	shalt  }
0x75: {  	_ =	shalt  }
0x76: {  	_ =	shalt  }
0x77: {  	_ =	shalt  }
0x78: {  	_ =	shalt  }
0x79: {  	_ =	shalt  }
0x7a: {  	_ =	shalt  }
0x7b: {  	_ =	shalt  }
0x7c: {  	_ =	shalt  }
0x7d: {  	_ =	shalt  }
0x7e: {  	_ =	shalt  }
0x7f: {  	_ =	shalt  }
0x80: {  	_ =	shalt  }
0x81: {  	_ =	shalt  }
0x82: {  	_ =	shalt  }
0x83: {  	_ =	shalt  }
0x84: {  	_ =	shalt  }
0x85: {  	_ =	shalt  }
0x86: {  	_ =	shalt  }
0x87: {  	_ =	shalt  }
.Lfunc_end0:
.L_simem_size_0:
called_computation.1_lowered:
.L_overlay_start_0:
0x88: {  	s2 =	sld [smem:$0x3FD9]  }
0x89: {  	s3 =	sld [smem:$0x3FFE];
	_ =	sdelay $0x1  }
0x8a: {  	s1 =	srdreg.scid  }
0x8b: {  	s0 =	sand.u32 $0x1, s1  }
0x8c: {  	s16 =	sshll.u32 s0, $0xA;
	s2 =	sadd.s32 s3, s2  }
0x8d: {  	s2 =	sadd.s32 s2, s16  }
0x8e: {  	[smem:$0x3FBB] =	sst s2  }
0x8f: {  	_ = 	snop  }
0x90: {  	(tm) =	ssettm $0x1  }
0x91: {  	s17 =	sld [smem:$0x3FFB];
	_ =	sdelay $0x3  }
0x92: {  	_ =	strace s17  }
0x93: {  	s2 =	sld [smem:$0x3FFC];
	_ =	sdelay $0x3  }
0x94: {  	_ =	strace s2  }
0x95: {  	s2 =	sld [smem:$0x3FFD];
	_ =	sdelay $0x3  }
0x96: {  	_ =	strace s2  }
0x97: {  	_ =	strace $0x8FFFFFFF  }
0x98: {  	s18 =	sld [smem:$0x3FDB];
	_ =	sdelay $0x1  }
0x99: {  	s19 =	simm.s32 $_scs_section_size  }
0x9a: {  	s4 =	simm.s32 $_size__tile_overlayer_lowered;
	s5 =	simm.s32 $_tile_overlayer_lowered  }
0x9b: {  	s22 =	simm.s32 $0x1BFF;
	s21 =	sshll.u32 s5, $0x1;
	s2 =	sadd.s32 s19, s18  }
0x9c: {  	s6 =	simm.s32 $0x0;
	s20 =	sshll.u32 s4, $0x1;
	s4 =	sadd.s32 s21, s2  }
0x9d: {  	[timem:s6], [sflag:s22] =	dma.local [hbm:s4], s20  }
0x9e: {  	_ =	swait.ge [sflag:s22], s20  }
0x9f: {  	s3 =	ssub.s32 $0x0, s20;
	[sflag:s22] =	ssyncset.done $0x0  }
0xa0: {  	[sflag:s22] =	ssyncadd.s32 s3;
	_ =	sdelay $0x1  }
0xa1: {  	s23 =	simm.s32 $0x1B8B  }
0xa2: {  	_ =	swait.ge [sflag:s23], $0x1  }
0xa3: {  	[sflag:s23] =	ssyncset.done $0x0  }
0xa4: {  	s25 =	simm.s32 $0x1B8E;
	s24 =	sld [smem:$0x3FFE];
	[sflag:s23] =	ssyncadd.s32 $0xFFFFFFFF  }
0xa5: {  	s26 =	simm.s32 $execute0_lowered;
	[smem:$0x3FD2] =	sst s25  }
0xa6: {  	s4 =	sshll.u32 s26, $0x1;
	_ =	strace $0x80000049;
	[dreg:$0x1] =	wrdreg $0xFFFFFFFF  }
0xa7: {  	s28 =	simm.s32 $_size_execute0_lowered;
	s2 =	sadd.s32 s2, s4;
	[dreg:$0x0] =	wrdreg $0x0  }
0xa8: {  	s4 =	sshll.u32 s28, $0x1;
	[dreg:$0x2] =	wrdreg s2  }
0xa9: {  	[dreg:$0x3] =	wrdreg s4  }
0xaa: {  	[dreg:$0x4] =	wrdreg $0xC0  }
0xab: {  	_ =	task [dreg:s6], $0x5FFFF  }
0xac: {  	[dreg:$0x1] =	wrdreg $0xFFFFFFFF  }
0xad: {  	[dreg:$0x0] =	wrdreg $0x60  }
0xae: {  	[dreg:$0x2] =	wrdreg s24  }
0xaf: {  	[dreg:$0x3] =	wrdreg $0xD0000  }
0xb0: {  	[dreg:$0x4] =	wrdreg $0x9  }
0xb1: {  	_ =	task.clear_ibuf [dreg:s6], $0x5FFFF;
	_ =	strace $0x90000049  }
0xb2: {  	s29 =	simm.s32 $0x9;
	_ =	strace $0x8000004B  }
0xb3: {  	_ =	swait.ge [sflag:s29], $0x1  }
0xb4: {  	[sflag:s29] =	ssyncadd.s32 $0xFFFFFFFF  }
0xb5: {  	_ =	strace $0x9000004B  }
0xb6: {  	_ =	sfence  }
0xb7: {  	s30 =	sld [smem:$0x0];
	_ =	sdelay $0x2  }
0xb8: {  	s31 =	sshll.u32 s1, $0xD;
	s1 =	sshrl.u32 s1, $0x2  }
0xb9: {  	s3 =	sand.u32 $0x4000, s31;
	s1 =	sadd.s32 s1, s30  }
0xba: {  	s0 =	sor.u32 s3, s0;
	s1 =	sshll.u32 s1, $0x11  }
0xbb: {  	s0 =	sor.u32 s1, s0  }
0xbc: {  	s0 =	sadd.s32 $0x8F2B, s0  }
0xbd: {  	[sflag:s0] =	ssyncadd.remote.s32 $0x1  }
0xbe: {  	_ =	sfence.sel $0xFFFF  }
0xbf: {  	[dreg:$0x0] =	wrdreg $0xFFFFFFFF;
	(pc) =	sbr.abs _section_cstart, $3  }
0xc0: {  	[dreg:$0x1] =	wrdreg $0xFFFFFFFF  }
0xc1: {  	_ =	task.clear_ibuf [dreg:s6], $0x2FFFF;
	_ =	strace $0x9FFFFFFF  }
0xc2: {  	(tm) =	ssettm $0x7FFFFFFF  }
0xc3: {  	_ =	shalt  }
tec
execute0_lowered:
.L_overlay_start_1:
0x0: {  	(tag) =	ssettag $0x1  }
0x1: {  	s0 =	srdreg.scid  }
0x2: {  	s10 =	stileid.u32;
	s5 =	rddreg [dreg:$0x0]  }
0x3: {  	s2 =	rddreg [dreg:$0x1];
	s3 =	simm.s32 $0x0;
	s12 =	simm.s32 $0x3  }
0x4: {  	s14 =	simm.s32 $0x80;
	s19 =	simm.s32 $0x180;
	s20 =	simm.s32 $0x6800  }
0x5: {  	s21 =	simm.s32 $0x200;
	s22 =	simm.s32 $0x7000;
	s23 =	simm.s32 $0x280  }
0x6: {  	s24 =	simm.s32 $0x7800;
	s28 =	simm.s32 $0x380;
	s29 =	simm.s32 $0x8800  }
0x7: {  	s30 =	simm.s32 $0x1;
	s31 =	simm.s32 $0x2;
	s0 =	sand.u32 $0x1, s0  }
0x8: {  	s6 =	smul.u32 $0x2800, s10;
	[smem:$0x7FF] =	sst s3;
	s4 =	sadd.s32 $0x1CA00, s5  }
0x9: {  	s26 =	sshll.u32 s10, $0x6;
	s1 =	sshll.u32 s0, $0x4;
	s7 =	smul.u32 $0x28000, s0  }
0xa: {  	_ =	strace $0x8000004A;
	s0 =	ssub.s32 $0x2, s0;
	s1 =	sor.u32 s10, s1  }
0xb: {  	s8 =	sshrl.u32 s6, $0x3;
	s25 =	sshrl.u32 s0, $0x1;
	s11 =	sadd.s32 s6, s2  }
0xc: {  	s1 =	smul.u32 $0x500, s1;
	s7 =	sadd.s32 s6, s7;
	s8 =	sadd.s32 s8, s5  }
.Ltmp0:
0xd: {  	s0 =	ssub.s32 s0, s25;
	s6 =	sor.u32 $0x1C03, s26;
	(pc) =	sbr.rel .LBB2_1-.Ltmp0, $4  }
0xe: {  	s11 =	sshrl.u32 s11, $0x3;
	s25 =	simm.s32 $0x300;
	s26 =	simm.s32 $0x8000  }
0xf: {  	s7 =	sshrl.u32 s7, $0x3;
	s10 =	smax.u32 s0, $0x1;
	s1 =	sadd.s32 s1, s5  }
0x10: {  	s9 =	sadd.s32 s7, s5;
	s5 =	sadd.s32 $0x17A00, s8;
	s7 =	sadd.s32 $0xDA00, s1  }
0x11: {  	s8 =	sadd.s32 $0x3A00, s1;
	s9 =	sadd.s32 $0x21A00, s9;
	s1 =	simm.s32 $0x0  }
.LBB2_5:
0x12: {  	_ =	swait.ge [sflag:s31], $0x800  }
0x13: {  	[sflag:s31] =	ssyncset.done $0x0  }
0x14: {  	[sflag:s31] =	ssyncadd.s32 $0xFFFFF800  }
0x15: {  	_ =	swait.ge [sflag:s31], $0x800  }
0x16: {  	[sflag:s31] =	ssyncset.done $0x0  }
0x17: {  	[sflag:s31] =	ssyncadd.s32 $0xFFFFF800  }
0x18: {  	_ =	swait.ge [sflag:s31], $0x800  }
0x19: {  	[sflag:s31] =	ssyncset.done $0x0  }
0x1a: {  	[sflag:s31] =	ssyncadd.s32 $0xFFFFF800  }
0x1b: {  	_ =	swait.ge [sflag:s31], $0x800  }
0x1c: {  	[sflag:s31] =	ssyncset.done $0x0  }
0x1d: {  	[sflag:s31] =	ssyncadd.s32 $0xFFFFF800  }
0x1e: {  	_ =	swait.ge [sflag:s31], $0x800  }
0x1f: {  	[sflag:s31] =	ssyncset.done $0x0  }
0x20: {  	[sflag:s31] =	ssyncadd.s32 $0xFFFFF800  }
0x21: {  	_ =	swait.ge [sflag:s31], $0x800  }
0x22: {  	[sflag:s31] =	ssyncset.done $0x0  }
0x23: {  	[sflag:s31] =	ssyncadd.s32 $0xFFFFF800  }
0x24: {  	_ =	swait.ge [sflag:s31], $0x800  }
0x25: {  	[sflag:s31] =	ssyncset.done $0x0  }
0x26: {  	[sflag:s31] =	ssyncadd.s32 $0xFFFFF800  }
0x27: {  	_ =	swait.ge [sflag:s31], $0x800  }
0x28: {  	s1 =	sadd.s32 $0x1, s1;
	[sflag:s31] =	ssyncset.done $0x0  }
0x29: {  	p0 =	sne.s32 s1, s10;
	[sflag:s31] =	ssyncadd.s32 $0xFFFFF800  }
.Ltmp1:
0x2a: {  	[bflag:$0x0] =	sbarrier.arrive $0xFFFF;
	(pc) =	sbr.rel @!p0 .LBB2_6-.Ltmp1, $4  }
0x2b: {  	[hbm:s9], [sflag:s6] =	dma.local [spmem:s11], $0x500  }
0x2c: {  	_ =	swait.ge [sflag:s12], $0x500  }
0x2d: {  	[sflag:s12] =	ssyncset.done $0x0  }
0x2e: {  	[sflag:s12] =	ssyncadd.s32 $0xFFFFFB00  }
.LBB2_1:
0x2f: {  	[spmem:s11], [sflag:s6] =	dma.local [hbm:s5], $0x500  }
0x30: {  	_ =	swait.ge [sflag:s12], $0x500  }
0x31: {  	[sflag:s12] =	ssyncset.done $0x0  }
0x32: {  	[sflag:s12] =	ssyncadd.s32 $0xFFFFFB00  }
0x33: {  	[tilespmem:s3], [sflag:$0x3] =	stream.linear.gather [hbm4b:s7+s3], $0x2800, $0x38;
	[tilespmem:$0xF800] =	vst v63  }
0x34: {  	_ =	swait.ge [sflag:s12], $0x2800  }
0x35: {  	[sflag:s12] =	ssyncset.done $0x0  }
0x36: {  	s0 =	simm.s32 $0x2800;
	[sflag:s12] =	ssyncadd.s32 $0xFFFFD800  }
0x37: {  	[tilespmem:s0], [sflag:$0x3] =	stream.linear.gather [hbm4b:s8+s3], $0x2800, $0x38;
	[tilespmem:$0xF800] =	vst v63  }
0x38: {  	_ =	swait.ge [sflag:s12], $0x2800  }
0x39: {  	[sflag:s12] =	ssyncset.done $0x0  }
0x3a: {  	[sflag:s12] =	ssyncadd.s32 $0xFFFFD800  }
0x3b: {  	s16 =	simm.s32 $0x5000;
	[bflag:$0x0] =	sbarrier.arrive $0xFFFF  }
0x3c: {  	[tilespmem:s16], [sflag:$0x1] =	stream.indirect.gather [hbm4b:s4+s14], $0x10, s3, s14, $0xb8;
	[tilespmem:$0xF800] =	vst v63  }
0x3d: {  	s17 =	simm.s32 $0x5800  }
0x3e: {  	[tilespmem:s17], [sflag:$0x1] =	stream.indirect.gather [hbm4b:s4+s14], $0x10, s14, s14, $0xb8;
	[tilespmem:$0xF800] =	vst v63  }
0x3f: {  	s18 =	simm.s32 $0x100;
	s13 =	simm.s32 $0x6000  }
0x40: {  	[tilespmem:s13], [sflag:$0x1] =	stream.indirect.gather [hbm4b:s4+s14], $0x10, s18, s14, $0xb8;
	[tilespmem:$0xF800] =	vst v63  }
0x41: {  	_ = 	snop  }
0x42: {  	[tilespmem:s20], [sflag:$0x1] =	stream.indirect.gather [hbm4b:s4+s14], $0x10, s19, s14, $0xb8;
	[tilespmem:$0xF800] =	vst v63  }
0x43: {  	_ = 	snop  }
0x44: {  	[tilespmem:s22], [sflag:$0x1] =	stream.indirect.gather [hbm4b:s4+s14], $0x10, s21, s14, $0xb8;
	[tilespmem:$0xF800] =	vst v63  }
0x45: {  	_ = 	snop  }
0x46: {  	[tilespmem:s24], [sflag:$0x1] =	stream.indirect.gather [hbm4b:s4+s14], $0x10, s23, s14, $0xb8;
	[tilespmem:$0xF800] =	vst v63  }
.Ltmp2:
0x47: {  	_ = 	snop;
	(pc) =	sbr.rel .LBB2_2-.Ltmp2, $4  }
0x48: {  	_ = 	snop  }
0x49: {  	[tilespmem:s26], [sflag:$0x1] =	stream.indirect.gather [hbm4b:s4+s14], $0x10, s25, s14, $0xb8;
	[tilespmem:$0xF800] =	vst v63  }
0x4a: {  	s0 =	simm.s32 $0x0  }
0x4b: {  	[tilespmem:s29], [sflag:$0x1] =	stream.indirect.gather [hbm4b:s4+s14], $0x10, s28, s14, $0xb8;
	[tilespmem:$0xF800] =	vst v63  }
.LBB2_4:
0x4c: {  	s0 =	sshll.u32 s0, $0xA  }
0x4d: {  	s0 =	sand.u32 $0x3FFFFC00, s0  }
0x4e: {  	s16 =	sadd.s32 $0x5000, s15;
	s17 =	sadd.s32 $0x2800, s0  }
0x4f: {  	[spmem:s2] =	stream.indirect.scatter.add.f32 [tilespmem:s16], [sflag:$0x2], $0x10, s17, s14, $0xb8;
	[tilespmem:$0xF800] =	vst v63  }
0x50: {  	s18 =	sadd.s32 $0x2880, s0;
	s17 =	sadd.s32 $0x5800, s15  }
0x51: {  	[spmem:s2] =	stream.indirect.scatter.add.f32 [tilespmem:s17], [sflag:$0x2], $0x10, s18, s14, $0xb8;
	[tilespmem:$0xF800] =	vst v63  }
0x52: {  	s17 =	sadd.s32 $0x6000, s15;
	s18 =	sadd.s32 $0x2900, s0  }
0x53: {  	[spmem:s2] =	stream.indirect.scatter.add.f32 [tilespmem:s17], [sflag:$0x2], $0x10, s18, s14, $0xb8;
	[tilespmem:$0xF800] =	vst v63  }
0x54: {  	s17 =	sadd.s32 $0x6800, s15;
	s18 =	sadd.s32 $0x2980, s0  }
0x55: {  	[spmem:s2] =	stream.indirect.scatter.add.f32 [tilespmem:s17], [sflag:$0x2], $0x10, s18, s14, $0xb8;
	[tilespmem:$0xF800] =	vst v63  }
0x56: {  	s17 =	sadd.s32 $0x7000, s15;
	s18 =	sadd.s32 $0x2A00, s0  }
0x57: {  	[spmem:s2] =	stream.indirect.scatter.add.f32 [tilespmem:s17], [sflag:$0x2], $0x10, s18, s14, $0xb8;
	[tilespmem:$0xF800] =	vst v63  }
0x58: {  	p0 =	slt.u32 s13, $0xA;
	s17 =	sadd.s32 $0x7800, s15;
	s18 =	sadd.s32 $0x2A80, s0  }
0x59: {  	[spmem:s2] =	stream.indirect.scatter.add.f32 [tilespmem:s17], [sflag:$0x2], $0x10, s18, s14, $0xb8;
	[tilespmem:$0xF800] =	vst v63  }
.Ltmp3:
0x5a: {  	s17 =	sor.u32 $0x8000, s15;
	s18 =	sadd.s32 $0x2B00, s0;
	(pc) =	sbr.rel @!p0 .LBB2_5-.Ltmp3, $4  }
0x5b: {  	[spmem:s2] =	stream.indirect.scatter.add.f32 [tilespmem:s17], [sflag:$0x2], $0x10, s18, s14, $0xb8;
	[tilespmem:$0xF800] =	vst v63  }
0x5c: {  	s0 =	sadd.s32 $0x2B80, s0;
	s18 =	sor.u32 $0x8800, s15  }
0x5d: {  	[spmem:s2] =	stream.indirect.scatter.add.f32 [tilespmem:s18], [sflag:$0x2], $0x10, s0, s14, $0xb8;
	[tilespmem:$0xF800] =	vst v63  }
0x5e: {  	s0 =	smov.u32 s13  }
.LBB2_2:
0x5f: {  	_ =	swait.ge [sflag:s30], $0x800  }
0x60: {  	[sflag:s30] =	ssyncset.done $0x0  }
0x61: {  	[sflag:s30] =	ssyncadd.s32 $0xFFFFF800  }
0x62: {  	_ =	swait.ge [sflag:s30], $0x800  }
0x63: {  	[sflag:s30] =	ssyncset.done $0x0  }
0x64: {  	[sflag:s30] =	ssyncadd.s32 $0xFFFFF800  }
0x65: {  	_ =	swait.ge [sflag:s30], $0x800  }
0x66: {  	[sflag:s30] =	ssyncset.done $0x0  }
0x67: {  	[sflag:s30] =	ssyncadd.s32 $0xFFFFF800  }
0x68: {  	_ =	swait.ge [sflag:s30], $0x800  }
0x69: {  	[sflag:s30] =	ssyncset.done $0x0  }
0x6a: {  	[sflag:s30] =	ssyncadd.s32 $0xFFFFF800  }
0x6b: {  	_ =	swait.ge [sflag:s30], $0x800  }
0x6c: {  	[sflag:s30] =	ssyncset.done $0x0  }
0x6d: {  	[sflag:s30] =	ssyncadd.s32 $0xFFFFF800  }
0x6e: {  	_ =	swait.ge [sflag:s30], $0x800  }
0x6f: {  	[sflag:s30] =	ssyncset.done $0x0  }
0x70: {  	[sflag:s30] =	ssyncadd.s32 $0xFFFFF800  }
0x71: {  	_ =	swait.ge [sflag:s30], $0x800  }
0x72: {  	[sflag:s30] =	ssyncset.done $0x0  }
0x73: {  	[sflag:s30] =	ssyncadd.s32 $0xFFFFF800  }
0x74: {  	_ =	swait.ge [sflag:s30], $0x800  }
0x75: {  	p0 =	seq.s32 s0, $0x0;
	[sflag:s30] =	ssyncset.done $0x0  }
0x76: {  	s13 =	simm.s32 @!p0 $0x2;
	[sflag:s30] =	ssyncadd.s32 $0xFFFFF800  }
0x77: {  	_ =	swait.ge @!p0 [sflag:s13], $0x800  }
0x78: {  	[sflag:s13] =	ssyncset.done @!p0 $0x0  }
0x79: {  	[sflag:s13] =	ssyncadd.s32 @!p0 $0xFFFFF800  }
0x7a: {  	_ =	swait.ge @!p0 [sflag:s13], $0x800  }
0x7b: {  	[sflag:s13] =	ssyncset.done @!p0 $0x0  }
0x7c: {  	[sflag:s13] =	ssyncadd.s32 @!p0 $0xFFFFF800  }
0x7d: {  	_ =	swait.ge @!p0 [sflag:s13], $0x800  }
0x7e: {  	[sflag:s13] =	ssyncset.done @!p0 $0x0  }
0x7f: {  	[sflag:s13] =	ssyncadd.s32 @!p0 $0xFFFFF800  }
0x80: {  	_ =	swait.ge @!p0 [sflag:s13], $0x800  }
0x81: {  	[sflag:s13] =	ssyncset.done @!p0 $0x0  }
0x82: {  	[sflag:s13] =	ssyncadd.s32 @!p0 $0xFFFFF800  }
0x83: {  	_ =	swait.ge @!p0 [sflag:s13], $0x800  }
0x84: {  	[sflag:s13] =	ssyncset.done @!p0 $0x0  }
0x85: {  	[sflag:s13] =	ssyncadd.s32 @!p0 $0xFFFFF800  }
0x86: {  	_ =	swait.ge @!p0 [sflag:s13], $0x800  }
0x87: {  	[sflag:s13] =	ssyncset.done @!p0 $0x0  }
0x88: {  	p1 =	seq.s32 @!p0 s0, $0x9;
	[sflag:s13] =	ssyncadd.s32 @!p0 $0xFFFFF800  }
0x89: {  	p1 =	por p0, !p1;
	_ =	swait.ge @!p0 [sflag:s13], $0x800  }
.Ltmp4:
0x8a: {  	[sflag:s13] =	ssyncset.done @!p0 $0x0;
	(pc) =	sbr.rel @!p1 .LBB2_4-.Ltmp4, $4  }
0x8b: {  	[sflag:s13] =	ssyncadd.s32 @!p0 $0xFFFFF800  }
0x8c: {  	_ =	swait.ge @!p0 [sflag:s13], $0x800  }
0x8d: {  	s15 =	sshll.u32 s0, $0xE;
	[sflag:s13] =	ssyncset.done @!p0 $0x0  }
0x8e: {  	s15 =	sand.u32 $0x4000, s15;
	[sflag:s13] =	ssyncadd.s32 @!p0 $0xFFFFF800;
	s13 =	simm.s32 @!p0 $0xA  }
0x8f: {  	s13 =	sadd.s32 @!p0 $0x1, s0  }
0x90: {  	s13 =	simm.s32 @p0 $0x1  }
0x91: {  	s16 =	sxor.u32 $0x4000, s15;
	s17 =	sshll.u32 s13, $0xA  }
0x92: {  	s16 =	sadd.s32 $0x5000, s16;
	s17 =	sand.u32 $0x3FFFFC00, s17  }
0x93: {  	[tilespmem:s16], [sflag:$0x1] =	stream.indirect.gather [hbm4b:s4+s14], $0x10, s17, s14, $0xb8;
	[tilespmem:$0xF800] =	vst v63  }
0x94: {  	s16 =	ssub.s32 $0x9800, s15;
	s18 =	sor.u32 $0x80, s17  }
0x95: {  	[tilespmem:s16], [sflag:$0x1] =	stream.indirect.gather [hbm4b:s4+s14], $0x10, s18, s14, $0xb8;
	[tilespmem:$0xF800] =	vst v63  }
0x96: {  	s16 =	ssub.s32 $0xA000, s15;
	s18 =	sor.u32 $0x100, s17  }
0x97: {  	[tilespmem:s16], [sflag:$0x1] =	stream.indirect.gather [hbm4b:s4+s14], $0x10, s18, s14, $0xb8;
	[tilespmem:$0xF800] =	vst v63  }
0x98: {  	s16 =	ssub.s32 $0xA800, s15;
	s18 =	sor.u32 $0x180, s17  }
0x99: {  	[tilespmem:s16], [sflag:$0x1] =	stream.indirect.gather [hbm4b:s4+s14], $0x10, s18, s14, $0xb8;
	[tilespmem:$0xF800] =	vst v63  }
0x9a: {  	s16 =	ssub.s32 $0xB000, s15;
	s18 =	sor.u32 $0x200, s17  }
0x9b: {  	[tilespmem:s16], [sflag:$0x1] =	stream.indirect.gather [hbm4b:s4+s14], $0x10, s18, s14, $0xb8;
	[tilespmem:$0xF800] =	vst v63  }
0x9c: {  	s16 =	ssub.s32 $0xB800, s15;
	s18 =	sor.u32 $0x280, s17  }
0x9d: {  	[tilespmem:s16], [sflag:$0x1] =	stream.indirect.gather [hbm4b:s4+s14], $0x10, s18, s14, $0xb8;
	[tilespmem:$0xF800] =	vst v63  }
.Ltmp5:
0x9e: {  	_ = 	snop;
	(pc) =	sbr.rel .LBB2_4-.Ltmp5, $4  }
0x9f: {  	s16 =	ssub.s32 $0xC000, s15;
	s18 =	sor.u32 $0x300, s17  }
0xa0: {  	[tilespmem:s16], [sflag:$0x1] =	stream.indirect.gather [hbm4b:s4+s14], $0x10, s18, s14, $0xb8;
	[tilespmem:$0xF800] =	vst v63  }
0xa1: {  	s17 =	sor.u32 $0x380, s17;
	s18 =	ssub.s32 $0xC800, s15  }
0xa2: {  	[tilespmem:s18], [sflag:$0x1] =	stream.indirect.gather [hbm4b:s4+s14], $0x10, s17, s14, $0xb8;
	[tilespmem:$0xF800] =	vst v63  }
.LBB2_6:
0xa3: {  	_ =	sfence.sel $0x180000  }
0xa4: {  	[bflag:$0x0] =	sbarrier.arrive $0xFFFF  }
0xa5: {  	_ =	strace $0x9000004A  }
0xa6: {  	s0 =	stileid.u32;
	[bflag:$0x2] =	sbarrier.arrive $0xFFFF  }
0xa7: {  	p0 =	sne.s32 s0, $0x0;
	s0 =	rddreg [dreg:$0x2]  }
0xa8: {  	s0 =	sadd.s32 @!p0 $0x100000, s0  }
0xa9: {  	[sflag:s0] =	ssyncadd.tile.s32 @!p0 $0x1;
	_ =	shalt  }
.Lfunc_end2:
_tile_overlayer_lowered:
.L_overlay_start_2:
0xaa: {  	(tag) =	ssettag $0x2  }
0xab: {  	s0 =	rddreg [dreg:$0x0];
	s2 =	stileid.u32  }
0xac: {  	s1 =	rddreg [dreg:$0x1];
	p0 =	sne.s32 s2, $0x0  }
0xad: {  	s3 =	rddreg [dreg:$0x2];
	[bflag:$0x3] =	sbarrier.arrive $0xFFFF;
	s2 =	simm.s32 @!p0 $0x1C03  }
0xae: {  	[timem:s3], [sflag:s2] =	dma.local @!p0 [hbm:s0], s1  }
0xaf: {  	s0 =	simm.s32 @!p0 $0x3  }
0xb0: {  	_ =	swait.ge @!p0 [sflag:s0], s1  }
0xb1: {  	s1 =	ssub.s32 @!p0 $0x0, s1;
	[sflag:s0] =	ssyncset.done @!p0 $0x0  }
0xb2: {  	[sflag:s0] =	ssyncadd.s32 @!p0 s1  }
0xb3: {  	[bflag:$0x3] =	sbarrier.arrive $0xFFFF  }
0xb4: {  	_ =	shalt  }

// kernel: kernel.15.cloned.1.call-start
scs
__scs_entry_jumppad:
0x0: {  	(pc) =	sbr.rel $0x88, $3  }
0x1: {  	(tag) =	ssettag $0x0;
	lr =	simm.s32 $0x1  }
0x2: {  	[smem:$0x3F94] =	sst lr;
	_ =	strace $0xD0000000  }
0x3: {  	_ = 	snop  }
0x4: {  	_ = 	snop  }
0x5: {  	_ = 	snop  }
0x6: {  	_ = 	snop  }
0x7: {  	_ = 	snop  }
__scs_overlays_trampoline_lowered:
0x8: {  	[smem:$0x3FA3] =	sst s0  }
0x9: {  	[smem:$0x3FA4] =	sst s1  }
0xa: {  	[smem:$0x3FA5] =	sst s2  }
0xb: {  	[smem:$0x3FA6] =	sst s3  }
0xc: {  	[smem:$0x3FA7] =	sst s4  }
0xd: {  	[smem:$0x3FA8] =	sst s5  }
0xe: {  	[smem:$0x3FA9] =	sst s6  }
0xf: {  	[smem:$0x3FAA] =	sst s7  }
0x10: {  	[smem:$0x3FAB] =	sst s8  }
0x11: {  	[smem:$0x3FAC] =	sst s9;
	s0 =	simm.s32 @!p0 $0x0  }
0x12: {  	s1 =	sld [smem:$0x3F92];
	s0 =	simm.s32 @p0 $0x1  }
0x13: {  	[smem:$0x3FAD] =	sst s0;
	s0 =	simm.s32 @!p1 $0x0  }
0x14: {  	s2 =	sld [smem:$0x3F91];
	s0 =	simm.s32 @p1 $0x1  }
0x15: {  	[smem:$0x3FAE] =	sst s0;
	s0 =	simm.s32 @!p2 $0x0  }
0x16: {  	s3 =	sld [smem:$0x3FDB];
	s0 =	simm.s32 @p2 $0x1  }
0x17: {  	s4 =	simm.s32 $0x1BF5;
	[smem:$0x3FB0] =	sst s0  }
0x18: {  	s0 =	sld [smem:$0x3F93];
	_ =	swait.ge [sflag:s4], $0x0  }
0x19: {  	s7 =	sld [smem:$0x3F94]  }
0x1a: {  	s8 =	sadd.s32 $0xFFFFE003, lr  }
0x1b: {  	s9 =	sadd.s32 $0xFFFFFEF7, lr;
	s5 =	simm.s32 $0xFFFFFFFF;
	p2 =	slt.u32 s8, $0xFFFFF086  }
0x1c: {  	p1 =	slt.u32 s9, $0xF7A;
	s5 =	simm.s32 @!p2 $0x0  }
0x1d: {  	s5 =	simm.s32 @p1 $0x1;
	p0 =	seq.s32 s7, s2  }
0x1e: {  	s7 =	smul.u32 @!p0 $0xF7A, s2;
	p2 =	seq.s32 @!p0 s5, $0x0  }
0x1f: {  	s9 =	smul.u32 $0xF7A, s1;
	s8 =	simm.s32 @!p0 $0x1BF5;
	p2 =	por !p2, p0  }
0x20: {  	[sflag:s8] =	ssyncset.s32 @!p0 $0xFFFFF086;
	s6 =	sadd.s32 @!p0 s3, s7;
	s7 =	simm.s32 @!p0 $0x108  }
0x21: {  	s3 =	sadd.s32 s3, s9;
	s6 =	sadd.s32 @!p0 $0x88, s6;
	s7 =	simm.s32 @p2 $0x1082  }
0x22: {  	[simem:s7], [sflag:s8] =	dma.local @!p0 [hbm:s6], $0xF7A  }
0x23: {  	s9 =	sor.u32 $0xD0000000, s2;
	s6 =	simm.s32 $0x108;
	_ =	swait.ge @!p0 [sflag:s8], $0x0  }
0x24: {  	s3 =	sadd.s32 $0x88, s3;
	s6 =	simm.s32 @!p1 $0x1082;
	[sflag:s4] =	ssyncset.s32 $0xFFFFF086  }
0x25: {  	[simem:s6], [sflag:s4] =	dma.local [hbm:s3], $0xF7A  }
0x26: {  	[smem:$0x3F94] =	sst s1;
	(tag) =	ssettag s2;
	_ =	strace s9  }
0x27: {  	s1 =	sld [smem:$0x3FA4]  }
0x28: {  	s2 =	sld [smem:$0x3FA5]  }
0x29: {  	s4 =	sld [smem:$0x3FA7]  }
0x2a: {  	p0 =	seq.s32 s5, $0x0;
	s5 =	sld [smem:$0x3FA8]  }
0x2b: {  	s6 =	sld [smem:$0x3FA9]  }
0x2c: {  	s7 =	sld [smem:$0x3FAA]  }
0x2d: {  	s3 =	simm.s32 $0x108;
	s8 =	sld [smem:$0x3FAB]  }
0x2e: {  	s3 =	simm.s32 @!p0 $0x1082;
	s9 =	sld [smem:$0x3FAC]  }
0x2f: {  	lr =	sadd.s32 s0, s3;
	s0 =	sld [smem:$0x3FA3]  }
0x30: {  	s3 =	sld [smem:$0x3FA6]  }
0x31: {  	[smem:$0x3FAF] =	sst s10  }
0x32: {  	s10 =	sld [smem:$0x3FAD];
	_ =	sdelay $0x3  }
0x33: {  	p0 =	seq.s32 s10, $0x1;
	s10 =	sld [smem:$0x3FAF];
	_ =	sdelay $0x3  }
0x34: {  	[smem:$0x3FAF] =	sst s10  }
0x35: {  	s10 =	sld [smem:$0x3FAE];
	_ =	sdelay $0x3  }
0x36: {  	p1 =	seq.s32 s10, $0x1;
	s10 =	sld [smem:$0x3FAF];
	_ =	sdelay $0x3  }
0x37: {  	[smem:$0x3FAF] =	sst s10  }
0x38: {  	s10 =	sld [smem:$0x3FB0]  }
0x39: {  	_ = 	snop;
	(pc) =	sbr.ind lr, $3  }
0x3a: {  	_ = 	snop  }
0x3b: {  	_ = 	snop  }
0x3c: {  	p2 =	seq.s32 s10, $0x1;
	s10 =	sld [smem:$0x3FAF]  }
0x3d: {  	_ =	shalt  }
0x3e: {  	_ =	shalt  }
0x3f: {  	_ =	shalt  }
0x40: {  	_ =	shalt  }
0x41: {  	_ =	shalt  }
0x42: {  	_ =	shalt  }
0x43: {  	_ =	shalt  }
0x44: {  	_ =	shalt  }
0x45: {  	_ =	shalt  }
0x46: {  	_ =	shalt  }
0x47: {  	_ =	shalt  }
0x48: {  	_ =	shalt  }
0x49: {  	_ =	shalt  }
0x4a: {  	_ =	shalt  }
0x4b: {  	_ =	shalt  }
0x4c: {  	_ =	shalt  }
0x4d: {  	_ =	shalt  }
0x4e: {  	_ =	shalt  }
0x4f: {  	_ =	shalt  }
0x50: {  	_ =	shalt  }
0x51: {  	_ =	shalt  }
0x52: {  	_ =	shalt  }
0x53: {  	_ =	shalt  }
0x54: {  	_ =	shalt  }
0x55: {  	_ =	shalt  }
0x56: {  	_ =	shalt  }
0x57: {  	_ =	shalt  }
0x58: {  	_ =	shalt  }
0x59: {  	_ =	shalt  }
0x5a: {  	_ =	shalt  }
0x5b: {  	_ =	shalt  }
0x5c: {  	_ =	shalt  }
0x5d: {  	_ =	shalt  }
0x5e: {  	_ =	shalt  }
0x5f: {  	_ =	shalt  }
0x60: {  	_ =	shalt  }
0x61: {  	_ =	shalt  }
0x62: {  	_ =	shalt  }
0x63: {  	_ =	shalt  }
0x64: {  	_ =	shalt  }
0x65: {  	_ =	shalt  }
0x66: {  	_ =	shalt  }
0x67: {  	_ =	shalt  }
0x68: {  	_ =	shalt  }
0x69: {  	_ =	shalt  }
0x6a: {  	_ =	shalt  }
0x6b: {  	_ =	shalt  }
0x6c: {  	_ =	shalt  }
0x6d: {  	_ =	shalt  }
0x6e: {  	_ =	shalt  }
0x6f: {  	_ =	shalt  }
0x70: {  	_ =	shalt  }
0x71: {  	_ =	shalt  }
0x72: {  	_ =	shalt  }
0x73: {  	_ =	shalt  }
0x74: {  	_ =	shalt  }
0x75: {  	_ =	shalt  }
0x76: {  	_ =	shalt  }
0x77: {  	_ =	shalt  }
0x78: {  	_ =	shalt  }
0x79: {  	_ =	shalt  }
0x7a: {  	_ =	shalt  }
0x7b: {  	_ =	shalt  }
0x7c: {  	_ =	shalt  }
0x7d: {  	_ =	shalt  }
0x7e: {  	_ =	shalt  }
0x7f: {  	_ =	shalt  }
0x80: {  	_ =	shalt  }
0x81: {  	_ =	shalt  }
0x82: {  	_ =	shalt  }
0x83: {  	_ =	shalt  }
0x84: {  	_ =	shalt  }
0x85: {  	_ =	shalt  }
0x86: {  	_ =	shalt  }
0x87: {  	_ =	shalt  }
.Lfunc_end0:
.L_simem_size_0:
called_computation.2_lowered:
.L_overlay_start_0:
0x88: {  	s2 =	sld [smem:$0x3FD9]  }
0x89: {  	s3 =	sld [smem:$0x3FFE];
	_ =	sdelay $0x1  }
0x8a: {  	s1 =	srdreg.scid  }
0x8b: {  	s0 =	sand.u32 $0x1, s1  }
0x8c: {  	s16 =	sshll.u32 s0, $0xA;
	s2 =	sadd.s32 s3, s2  }
0x8d: {  	s2 =	sadd.s32 s2, s16  }
0x8e: {  	[smem:$0x3FBB] =	sst s2  }
0x8f: {  	_ = 	snop  }
0x90: {  	(tm) =	ssettm $0x1  }
0x91: {  	s17 =	sld [smem:$0x3FFB];
	_ =	sdelay $0x3  }
0x92: {  	_ =	strace s17  }
0x93: {  	s2 =	sld [smem:$0x3FFC];
	_ =	sdelay $0x3  }
0x94: {  	_ =	strace s2  }
0x95: {  	s2 =	sld [smem:$0x3FFD];
	_ =	sdelay $0x3  }
0x96: {  	_ =	strace s2  }
0x97: {  	_ =	strace $0x8FFFFFFF  }
0x98: {  	s18 =	sld [smem:$0x3FDB];
	_ =	sdelay $0x1  }
0x99: {  	s19 =	simm.s32 $_scs_section_size  }
0x9a: {  	s4 =	simm.s32 $_size__tile_overlayer_lowered;
	s5 =	simm.s32 $_tile_overlayer_lowered  }
0x9b: {  	s22 =	simm.s32 $0x1BFF;
	s21 =	sshll.u32 s5, $0x1;
	s2 =	sadd.s32 s19, s18  }
0x9c: {  	s6 =	simm.s32 $0x0;
	s20 =	sshll.u32 s4, $0x1;
	s4 =	sadd.s32 s21, s2  }
0x9d: {  	[timem:s6], [sflag:s22] =	dma.local [hbm:s4], s20  }
0x9e: {  	_ =	swait.ge [sflag:s22], s20  }
0x9f: {  	s3 =	ssub.s32 $0x0, s20;
	[sflag:s22] =	ssyncset.done $0x0  }
0xa0: {  	[sflag:s22] =	ssyncadd.s32 s3;
	_ =	sdelay $0x1  }
0xa1: {  	s23 =	simm.s32 $0x1B8B  }
0xa2: {  	_ =	swait.ge [sflag:s23], $0x1  }
0xa3: {  	[sflag:s23] =	ssyncset.done $0x0  }
0xa4: {  	s25 =	simm.s32 $0x1B8E;
	s24 =	sld [smem:$0x3FFE];
	[sflag:s23] =	ssyncadd.s32 $0xFFFFFFFF  }
0xa5: {  	s26 =	simm.s32 $execute0_lowered;
	[smem:$0x3FD2] =	sst s25  }
0xa6: {  	s4 =	sshll.u32 s26, $0x1;
	_ =	strace $0x8000004C;
	[dreg:$0x1] =	wrdreg $0xFFFFFFFF  }
0xa7: {  	s28 =	simm.s32 $_size_execute0_lowered;
	s2 =	sadd.s32 s2, s4;
	[dreg:$0x0] =	wrdreg $0x0  }
0xa8: {  	s4 =	sshll.u32 s28, $0x1;
	[dreg:$0x2] =	wrdreg s2  }
0xa9: {  	[dreg:$0x3] =	wrdreg s4  }
0xaa: {  	[dreg:$0x4] =	wrdreg $0xC0  }
0xab: {  	_ =	task [dreg:s6], $0x5FFFF  }
0xac: {  	[dreg:$0x1] =	wrdreg $0xFFFFFFFF  }
0xad: {  	[dreg:$0x0] =	wrdreg $0x60  }
0xae: {  	[dreg:$0x2] =	wrdreg s24  }
0xaf: {  	[dreg:$0x3] =	wrdreg $0xD0000  }
0xb0: {  	[dreg:$0x4] =	wrdreg $0x9  }
0xb1: {  	_ =	task.clear_ibuf [dreg:s6], $0x5FFFF;
	_ =	strace $0x9000004C  }
0xb2: {  	s29 =	simm.s32 $0x9;
	_ =	strace $0x8000004E  }
0xb3: {  	_ =	swait.ge [sflag:s29], $0x1  }
0xb4: {  	[sflag:s29] =	ssyncadd.s32 $0xFFFFFFFF  }
0xb5: {  	_ =	strace $0x9000004E  }
0xb6: {  	_ =	sfence  }
0xb7: {  	s30 =	sld [smem:$0x0];
	_ =	sdelay $0x2  }
0xb8: {  	s31 =	sshll.u32 s1, $0xD;
	s1 =	sshrl.u32 s1, $0x2  }
0xb9: {  	s3 =	sand.u32 $0x4000, s31;
	s1 =	sadd.s32 s1, s30  }
0xba: {  	s0 =	sor.u32 s3, s0;
	s1 =	sshll.u32 s1, $0x11  }
0xbb: {  	s0 =	sor.u32 s1, s0  }
0xbc: {  	s0 =	sadd.s32 $0x8F2B, s0  }
0xbd: {  	[sflag:s0] =	ssyncadd.remote.s32 $0x1  }
0xbe: {  	_ =	sfence.sel $0xFFFF  }
0xbf: {  	[dreg:$0x0] =	wrdreg $0xFFFFFFFF;
	(pc) =	sbr.abs _section_cstart, $3  }
0xc0: {  	[dreg:$0x1] =	wrdreg $0xFFFFFFFF  }
0xc1: {  	_ =	task.clear_ibuf [dreg:s6], $0x2FFFF;
	_ =	strace $0x9FFFFFFF  }
0xc2: {  	(tm) =	ssettm $0x7FFFFFFF  }
0xc3: {  	_ =	shalt  }
tec
execute0_lowered:
.L_overlay_start_1:
0x0: {  	(tag) =	ssettag $0x1  }
0x1: {  	s0 =	srdreg.scid  }
0x2: {  	s10 =	stileid.u32;
	s5 =	rddreg [dreg:$0x0]  }
0x3: {  	s2 =	rddreg [dreg:$0x1];
	s3 =	simm.s32 $0x0;
	s12 =	simm.s32 $0x3  }
0x4: {  	s14 =	simm.s32 $0x80;
	s19 =	simm.s32 $0x180;
	s20 =	simm.s32 $0x6800  }
0x5: {  	s21 =	simm.s32 $0x200;
	s22 =	simm.s32 $0x7000;
	s23 =	simm.s32 $0x280  }
0x6: {  	s24 =	simm.s32 $0x7800;
	s28 =	simm.s32 $0x380;
	s29 =	simm.s32 $0x8800  }
0x7: {  	s30 =	simm.s32 $0x1;
	s31 =	simm.s32 $0x2;
	s0 =	sand.u32 $0x1, s0  }
0x8: {  	s6 =	smul.u32 $0x2800, s10;
	[smem:$0x7FF] =	sst s3;
	s4 =	sadd.s32 $0x1CA00, s5  }
0x9: {  	s26 =	sshll.u32 s10, $0x6;
	s1 =	sshll.u32 s0, $0x4;
	s7 =	smul.u32 $0x28000, s0  }
0xa: {  	_ =	strace $0x8000004D;
	s0 =	ssub.s32 $0x2, s0;
	s1 =	sor.u32 s10, s1  }
0xb: {  	s8 =	sshrl.u32 s6, $0x3;
	s25 =	sshrl.u32 s0, $0x1;
	s11 =	sadd.s32 s6, s2  }
0xc: {  	s1 =	smul.u32 $0x500, s1;
	s7 =	sadd.s32 s6, s7;
	s8 =	sadd.s32 s8, s5  }
.Ltmp0:
0xd: {  	s0 =	ssub.s32 s0, s25;
	s6 =	sor.u32 $0x1C03, s26;
	(pc) =	sbr.rel .LBB2_1-.Ltmp0, $4  }
0xe: {  	s11 =	sshrl.u32 s11, $0x3;
	s25 =	simm.s32 $0x300;
	s26 =	simm.s32 $0x8000  }
0xf: {  	s7 =	sshrl.u32 s7, $0x3;
	s10 =	smax.u32 s0, $0x1;
	s1 =	sadd.s32 s1, s5  }
0x10: {  	s9 =	sadd.s32 s7, s5;
	s5 =	sadd.s32 $0x17A00, s8;
	s7 =	sadd.s32 $0xDA00, s1  }
0x11: {  	s8 =	sadd.s32 $0x3A00, s1;
	s9 =	sadd.s32 $0x21A00, s9;
	s1 =	simm.s32 $0x0  }
.LBB2_5:
0x12: {  	_ =	swait.ge [sflag:s31], $0x800  }
0x13: {  	[sflag:s31] =	ssyncset.done $0x0  }
0x14: {  	[sflag:s31] =	ssyncadd.s32 $0xFFFFF800  }
0x15: {  	_ =	swait.ge [sflag:s31], $0x800  }
0x16: {  	[sflag:s31] =	ssyncset.done $0x0  }
0x17: {  	[sflag:s31] =	ssyncadd.s32 $0xFFFFF800  }
0x18: {  	_ =	swait.ge [sflag:s31], $0x800  }
0x19: {  	[sflag:s31] =	ssyncset.done $0x0  }
0x1a: {  	[sflag:s31] =	ssyncadd.s32 $0xFFFFF800  }
0x1b: {  	_ =	swait.ge [sflag:s31], $0x800  }
0x1c: {  	[sflag:s31] =	ssyncset.done $0x0  }
0x1d: {  	[sflag:s31] =	ssyncadd.s32 $0xFFFFF800  }
0x1e: {  	_ =	swait.ge [sflag:s31], $0x800  }
0x1f: {  	[sflag:s31] =	ssyncset.done $0x0  }
0x20: {  	[sflag:s31] =	ssyncadd.s32 $0xFFFFF800  }
0x21: {  	_ =	swait.ge [sflag:s31], $0x800  }
0x22: {  	[sflag:s31] =	ssyncset.done $0x0  }
0x23: {  	[sflag:s31] =	ssyncadd.s32 $0xFFFFF800  }
0x24: {  	_ =	swait.ge [sflag:s31], $0x800  }
0x25: {  	[sflag:s31] =	ssyncset.done $0x0  }
0x26: {  	[sflag:s31] =	ssyncadd.s32 $0xFFFFF800  }
0x27: {  	_ =	swait.ge [sflag:s31], $0x800  }
0x28: {  	s1 =	sadd.s32 $0x1, s1;
	[sflag:s31] =	ssyncset.done $0x0  }
0x29: {  	p0 =	sne.s32 s1, s10;
	[sflag:s31] =	ssyncadd.s32 $0xFFFFF800  }
.Ltmp1:
0x2a: {  	[bflag:$0x0] =	sbarrier.arrive $0xFFFF;
	(pc) =	sbr.rel @!p0 .LBB2_6-.Ltmp1, $4  }
0x2b: {  	[hbm:s9], [sflag:s6] =	dma.local [spmem:s11], $0x500  }
0x2c: {  	_ =	swait.ge [sflag:s12], $0x500  }
0x2d: {  	[sflag:s12] =	ssyncset.done $0x0  }
0x2e: {  	[sflag:s12] =	ssyncadd.s32 $0xFFFFFB00  }
.LBB2_1:
0x2f: {  	[spmem:s11], [sflag:s6] =	dma.local [hbm:s5], $0x500  }
0x30: {  	_ =	swait.ge [sflag:s12], $0x500  }
0x31: {  	[sflag:s12] =	ssyncset.done $0x0  }
0x32: {  	[sflag:s12] =	ssyncadd.s32 $0xFFFFFB00  }
0x33: {  	[tilespmem:s3], [sflag:$0x3] =	stream.linear.gather [hbm4b:s7+s3], $0x2800, $0x38;
	[tilespmem:$0xF800] =	vst v63  }
0x34: {  	_ =	swait.ge [sflag:s12], $0x2800  }
0x35: {  	[sflag:s12] =	ssyncset.done $0x0  }
0x36: {  	s0 =	simm.s32 $0x2800;
	[sflag:s12] =	ssyncadd.s32 $0xFFFFD800  }
0x37: {  	[tilespmem:s0], [sflag:$0x3] =	stream.linear.gather [hbm4b:s8+s3], $0x2800, $0x38;
	[tilespmem:$0xF800] =	vst v63  }
0x38: {  	_ =	swait.ge [sflag:s12], $0x2800  }
0x39: {  	[sflag:s12] =	ssyncset.done $0x0  }
0x3a: {  	[sflag:s12] =	ssyncadd.s32 $0xFFFFD800  }
0x3b: {  	s16 =	simm.s32 $0x5000;
	[bflag:$0x0] =	sbarrier.arrive $0xFFFF  }
0x3c: {  	[tilespmem:s16], [sflag:$0x1] =	stream.indirect.gather [hbm4b:s4+s14], $0x10, s3, s14, $0xb8;
	[tilespmem:$0xF800] =	vst v63  }
0x3d: {  	s17 =	simm.s32 $0x5800  }
0x3e: {  	[tilespmem:s17], [sflag:$0x1] =	stream.indirect.gather [hbm4b:s4+s14], $0x10, s14, s14, $0xb8;
	[tilespmem:$0xF800] =	vst v63  }
0x3f: {  	s18 =	simm.s32 $0x100;
	s13 =	simm.s32 $0x6000  }
0x40: {  	[tilespmem:s13], [sflag:$0x1] =	stream.indirect.gather [hbm4b:s4+s14], $0x10, s18, s14, $0xb8;
	[tilespmem:$0xF800] =	vst v63  }
0x41: {  	_ = 	snop  }
0x42: {  	[tilespmem:s20], [sflag:$0x1] =	stream.indirect.gather [hbm4b:s4+s14], $0x10, s19, s14, $0xb8;
	[tilespmem:$0xF800] =	vst v63  }
0x43: {  	_ = 	snop  }
0x44: {  	[tilespmem:s22], [sflag:$0x1] =	stream.indirect.gather [hbm4b:s4+s14], $0x10, s21, s14, $0xb8;
	[tilespmem:$0xF800] =	vst v63  }
0x45: {  	_ = 	snop  }
0x46: {  	[tilespmem:s24], [sflag:$0x1] =	stream.indirect.gather [hbm4b:s4+s14], $0x10, s23, s14, $0xb8;
	[tilespmem:$0xF800] =	vst v63  }
.Ltmp2:
0x47: {  	_ = 	snop;
	(pc) =	sbr.rel .LBB2_2-.Ltmp2, $4  }
0x48: {  	_ = 	snop  }
0x49: {  	[tilespmem:s26], [sflag:$0x1] =	stream.indirect.gather [hbm4b:s4+s14], $0x10, s25, s14, $0xb8;
	[tilespmem:$0xF800] =	vst v63  }
0x4a: {  	s0 =	simm.s32 $0x0  }
0x4b: {  	[tilespmem:s29], [sflag:$0x1] =	stream.indirect.gather [hbm4b:s4+s14], $0x10, s28, s14, $0xb8;
	[tilespmem:$0xF800] =	vst v63  }
.LBB2_4:
0x4c: {  	s0 =	sshll.u32 s0, $0xA  }
0x4d: {  	s0 =	sand.u32 $0x3FFFFC00, s0  }
0x4e: {  	s16 =	sadd.s32 $0x5000, s15;
	s17 =	sadd.s32 $0x2800, s0  }
0x4f: {  	[spmem:s2] =	stream.indirect.scatter.add.f32 [tilespmem:s16], [sflag:$0x2], $0x10, s17, s14, $0xb8;
	[tilespmem:$0xF800] =	vst v63  }
0x50: {  	s18 =	sadd.s32 $0x2880, s0;
	s17 =	sadd.s32 $0x5800, s15  }
0x51: {  	[spmem:s2] =	stream.indirect.scatter.add.f32 [tilespmem:s17], [sflag:$0x2], $0x10, s18, s14, $0xb8;
	[tilespmem:$0xF800] =	vst v63  }
0x52: {  	s17 =	sadd.s32 $0x6000, s15;
	s18 =	sadd.s32 $0x2900, s0  }
0x53: {  	[spmem:s2] =	stream.indirect.scatter.add.f32 [tilespmem:s17], [sflag:$0x2], $0x10, s18, s14, $0xb8;
	[tilespmem:$0xF800] =	vst v63  }
0x54: {  	s17 =	sadd.s32 $0x6800, s15;
	s18 =	sadd.s32 $0x2980, s0  }
0x55: {  	[spmem:s2] =	stream.indirect.scatter.add.f32 [tilespmem:s17], [sflag:$0x2], $0x10, s18, s14, $0xb8;
	[tilespmem:$0xF800] =	vst v63  }
0x56: {  	s17 =	sadd.s32 $0x7000, s15;
	s18 =	sadd.s32 $0x2A00, s0  }
0x57: {  	[spmem:s2] =	stream.indirect.scatter.add.f32 [tilespmem:s17], [sflag:$0x2], $0x10, s18, s14, $0xb8;
	[tilespmem:$0xF800] =	vst v63  }
0x58: {  	p0 =	slt.u32 s13, $0xA;
	s17 =	sadd.s32 $0x7800, s15;
	s18 =	sadd.s32 $0x2A80, s0  }
0x59: {  	[spmem:s2] =	stream.indirect.scatter.add.f32 [tilespmem:s17], [sflag:$0x2], $0x10, s18, s14, $0xb8;
	[tilespmem:$0xF800] =	vst v63  }
.Ltmp3:
0x5a: {  	s17 =	sor.u32 $0x8000, s15;
	s18 =	sadd.s32 $0x2B00, s0;
	(pc) =	sbr.rel @!p0 .LBB2_5-.Ltmp3, $4  }
0x5b: {  	[spmem:s2] =	stream.indirect.scatter.add.f32 [tilespmem:s17], [sflag:$0x2], $0x10, s18, s14, $0xb8;
	[tilespmem:$0xF800] =	vst v63  }
0x5c: {  	s0 =	sadd.s32 $0x2B80, s0;
	s18 =	sor.u32 $0x8800, s15  }
0x5d: {  	[spmem:s2] =	stream.indirect.scatter.add.f32 [tilespmem:s18], [sflag:$0x2], $0x10, s0, s14, $0xb8;
	[tilespmem:$0xF800] =	vst v63  }
0x5e: {  	s0 =	smov.u32 s13  }
.LBB2_2:
0x5f: {  	_ =	swait.ge [sflag:s30], $0x800  }
0x60: {  	[sflag:s30] =	ssyncset.done $0x0  }
0x61: {  	[sflag:s30] =	ssyncadd.s32 $0xFFFFF800  }
0x62: {  	_ =	swait.ge [sflag:s30], $0x800  }
0x63: {  	[sflag:s30] =	ssyncset.done $0x0  }
0x64: {  	[sflag:s30] =	ssyncadd.s32 $0xFFFFF800  }
0x65: {  	_ =	swait.ge [sflag:s30], $0x800  }
0x66: {  	[sflag:s30] =	ssyncset.done $0x0  }
0x67: {  	[sflag:s30] =	ssyncadd.s32 $0xFFFFF800  }
0x68: {  	_ =	swait.ge [sflag:s30], $0x800  }
0x69: {  	[sflag:s30] =	ssyncset.done $0x0  }
0x6a: {  	[sflag:s30] =	ssyncadd.s32 $0xFFFFF800  }
0x6b: {  	_ =	swait.ge [sflag:s30], $0x800  }
0x6c: {  	[sflag:s30] =	ssyncset.done $0x0  }
0x6d: {  	[sflag:s30] =	ssyncadd.s32 $0xFFFFF800  }
0x6e: {  	_ =	swait.ge [sflag:s30], $0x800  }
0x6f: {  	[sflag:s30] =	ssyncset.done $0x0  }
0x70: {  	[sflag:s30] =	ssyncadd.s32 $0xFFFFF800  }
0x71: {  	_ =	swait.ge [sflag:s30], $0x800  }
0x72: {  	[sflag:s30] =	ssyncset.done $0x0  }
0x73: {  	[sflag:s30] =	ssyncadd.s32 $0xFFFFF800  }
0x74: {  	_ =	swait.ge [sflag:s30], $0x800  }
0x75: {  	p0 =	seq.s32 s0, $0x0;
	[sflag:s30] =	ssyncset.done $0x0  }
0x76: {  	s13 =	simm.s32 @!p0 $0x2;
	[sflag:s30] =	ssyncadd.s32 $0xFFFFF800  }
0x77: {  	_ =	swait.ge @!p0 [sflag:s13], $0x800  }
0x78: {  	[sflag:s13] =	ssyncset.done @!p0 $0x0  }
0x79: {  	[sflag:s13] =	ssyncadd.s32 @!p0 $0xFFFFF800  }
0x7a: {  	_ =	swait.ge @!p0 [sflag:s13], $0x800  }
0x7b: {  	[sflag:s13] =	ssyncset.done @!p0 $0x0  }
0x7c: {  	[sflag:s13] =	ssyncadd.s32 @!p0 $0xFFFFF800  }
0x7d: {  	_ =	swait.ge @!p0 [sflag:s13], $0x800  }
0x7e: {  	[sflag:s13] =	ssyncset.done @!p0 $0x0  }
0x7f: {  	[sflag:s13] =	ssyncadd.s32 @!p0 $0xFFFFF800  }
0x80: {  	_ =	swait.ge @!p0 [sflag:s13], $0x800  }
0x81: {  	[sflag:s13] =	ssyncset.done @!p0 $0x0  }
0x82: {  	[sflag:s13] =	ssyncadd.s32 @!p0 $0xFFFFF800  }
0x83: {  	_ =	swait.ge @!p0 [sflag:s13], $0x800  }
0x84: {  	[sflag:s13] =	ssyncset.done @!p0 $0x0  }
0x85: {  	[sflag:s13] =	ssyncadd.s32 @!p0 $0xFFFFF800  }
0x86: {  	_ =	swait.ge @!p0 [sflag:s13], $0x800  }
0x87: {  	[sflag:s13] =	ssyncset.done @!p0 $0x0  }
0x88: {  	p1 =	seq.s32 @!p0 s0, $0x9;
	[sflag:s13] =	ssyncadd.s32 @!p0 $0xFFFFF800  }
0x89: {  	p1 =	por p0, !p1;
	_ =	swait.ge @!p0 [sflag:s13], $0x800  }
.Ltmp4:
0x8a: {  	[sflag:s13] =	ssyncset.done @!p0 $0x0;
	(pc) =	sbr.rel @!p1 .LBB2_4-.Ltmp4, $4  }
0x8b: {  	[sflag:s13] =	ssyncadd.s32 @!p0 $0xFFFFF800  }
0x8c: {  	_ =	swait.ge @!p0 [sflag:s13], $0x800  }
0x8d: {  	s15 =	sshll.u32 s0, $0xE;
	[sflag:s13] =	ssyncset.done @!p0 $0x0  }
0x8e: {  	s15 =	sand.u32 $0x4000, s15;
	[sflag:s13] =	ssyncadd.s32 @!p0 $0xFFFFF800;
	s13 =	simm.s32 @!p0 $0xA  }
0x8f: {  	s13 =	sadd.s32 @!p0 $0x1, s0  }
0x90: {  	s13 =	simm.s32 @p0 $0x1  }
0x91: {  	s16 =	sxor.u32 $0x4000, s15;
	s17 =	sshll.u32 s13, $0xA  }
0x92: {  	s16 =	sadd.s32 $0x5000, s16;
	s17 =	sand.u32 $0x3FFFFC00, s17  }
0x93: {  	[tilespmem:s16], [sflag:$0x1] =	stream.indirect.gather [hbm4b:s4+s14], $0x10, s17, s14, $0xb8;
	[tilespmem:$0xF800] =	vst v63  }
0x94: {  	s16 =	ssub.s32 $0x9800, s15;
	s18 =	sor.u32 $0x80, s17  }
0x95: {  	[tilespmem:s16], [sflag:$0x1] =	stream.indirect.gather [hbm4b:s4+s14], $0x10, s18, s14, $0xb8;
	[tilespmem:$0xF800] =	vst v63  }
0x96: {  	s16 =	ssub.s32 $0xA000, s15;
	s18 =	sor.u32 $0x100, s17  }
0x97: {  	[tilespmem:s16], [sflag:$0x1] =	stream.indirect.gather [hbm4b:s4+s14], $0x10, s18, s14, $0xb8;
	[tilespmem:$0xF800] =	vst v63  }
0x98: {  	s16 =	ssub.s32 $0xA800, s15;
	s18 =	sor.u32 $0x180, s17  }
0x99: {  	[tilespmem:s16], [sflag:$0x1] =	stream.indirect.gather [hbm4b:s4+s14], $0x10, s18, s14, $0xb8;
	[tilespmem:$0xF800] =	vst v63  }
0x9a: {  	s16 =	ssub.s32 $0xB000, s15;
	s18 =	sor.u32 $0x200, s17  }
0x9b: {  	[tilespmem:s16], [sflag:$0x1] =	stream.indirect.gather [hbm4b:s4+s14], $0x10, s18, s14, $0xb8;
	[tilespmem:$0xF800] =	vst v63  }
0x9c: {  	s16 =	ssub.s32 $0xB800, s15;
	s18 =	sor.u32 $0x280, s17  }
0x9d: {  	[tilespmem:s16], [sflag:$0x1] =	stream.indirect.gather [hbm4b:s4+s14], $0x10, s18, s14, $0xb8;
	[tilespmem:$0xF800] =	vst v63  }
.Ltmp5:
0x9e: {  	_ = 	snop;
	(pc) =	sbr.rel .LBB2_4-.Ltmp5, $4  }
0x9f: {  	s16 =	ssub.s32 $0xC000, s15;
	s18 =	sor.u32 $0x300, s17  }
0xa0: {  	[tilespmem:s16], [sflag:$0x1] =	stream.indirect.gather [hbm4b:s4+s14], $0x10, s18, s14, $0xb8;
	[tilespmem:$0xF800] =	vst v63  }
0xa1: {  	s17 =	sor.u32 $0x380, s17;
	s18 =	ssub.s32 $0xC800, s15  }
0xa2: {  	[tilespmem:s18], [sflag:$0x1] =	stream.indirect.gather [hbm4b:s4+s14], $0x10, s17, s14, $0xb8;
	[tilespmem:$0xF800] =	vst v63  }
.LBB2_6:
0xa3: {  	_ =	sfence.sel $0x180000  }
0xa4: {  	[bflag:$0x0] =	sbarrier.arrive $0xFFFF  }
0xa5: {  	_ =	strace $0x9000004D  }
0xa6: {  	s0 =	stileid.u32;
	[bflag:$0x2] =	sbarrier.arrive $0xFFFF  }
0xa7: {  	p0 =	sne.s32 s0, $0x0;
	s0 =	rddreg [dreg:$0x2]  }
0xa8: {  	s0 =	sadd.s32 @!p0 $0x100000, s0  }
0xa9: {  	[sflag:s0] =	ssyncadd.tile.s32 @!p0 $0x1;
	_ =	shalt  }
.Lfunc_end2:
_tile_overlayer_lowered:
.L_overlay_start_2:
0xaa: {  	(tag) =	ssettag $0x2  }
0xab: {  	s0 =	rddreg [dreg:$0x0];
	s2 =	stileid.u32  }
0xac: {  	s1 =	rddreg [dreg:$0x1];
	p0 =	sne.s32 s2, $0x0  }
0xad: {  	s3 =	rddreg [dreg:$0x2];
	[bflag:$0x3] =	sbarrier.arrive $0xFFFF;
	s2 =	simm.s32 @!p0 $0x1C03  }
0xae: {  	[timem:s3], [sflag:s2] =	dma.local @!p0 [hbm:s0], s1  }
0xaf: {  	s0 =	simm.s32 @!p0 $0x3  }
0xb0: {  	_ =	swait.ge @!p0 [sflag:s0], s1  }
0xb1: {  	s1 =	ssub.s32 @!p0 $0x0, s1;
	[sflag:s0] =	ssyncset.done @!p0 $0x0  }
0xb2: {  	[sflag:s0] =	ssyncadd.s32 @!p0 s1  }
0xb3: {  	[bflag:$0x3] =	sbarrier.arrive $0xFFFF  }
0xb4: {  	_ =	shalt  }

// kernel: kernel.9.cloned.1.call-start
scs
__scs_entry_jumppad:
0x0: {  	(pc) =	sbr.rel $0x88, $3  }
0x1: {  	(tag) =	ssettag $0x0;
	lr =	simm.s32 $0x1  }
0x2: {  	[smem:$0x3F94] =	sst lr;
	_ =	strace $0xD0000000  }
0x3: {  	_ = 	snop  }
0x4: {  	_ = 	snop  }
0x5: {  	_ = 	snop  }
0x6: {  	_ = 	snop  }
0x7: {  	_ = 	snop  }
__scs_overlays_trampoline_lowered:
0x8: {  	[smem:$0x3FA3] =	sst s0  }
0x9: {  	[smem:$0x3FA4] =	sst s1  }
0xa: {  	[smem:$0x3FA5] =	sst s2  }
0xb: {  	[smem:$0x3FA6] =	sst s3  }
0xc: {  	[smem:$0x3FA7] =	sst s4  }
0xd: {  	[smem:$0x3FA8] =	sst s5  }
0xe: {  	[smem:$0x3FA9] =	sst s6  }
0xf: {  	[smem:$0x3FAA] =	sst s7  }
0x10: {  	[smem:$0x3FAB] =	sst s8  }
0x11: {  	[smem:$0x3FAC] =	sst s9;
	s0 =	simm.s32 @!p0 $0x0  }
0x12: {  	s1 =	sld [smem:$0x3F92];
	s0 =	simm.s32 @p0 $0x1  }
0x13: {  	[smem:$0x3FAD] =	sst s0;
	s0 =	simm.s32 @!p1 $0x0  }
0x14: {  	s2 =	sld [smem:$0x3F91];
	s0 =	simm.s32 @p1 $0x1  }
0x15: {  	[smem:$0x3FAE] =	sst s0;
	s0 =	simm.s32 @!p2 $0x0  }
0x16: {  	s3 =	sld [smem:$0x3FDB];
	s0 =	simm.s32 @p2 $0x1  }
0x17: {  	s4 =	simm.s32 $0x1BF5;
	[smem:$0x3FB0] =	sst s0  }
0x18: {  	s0 =	sld [smem:$0x3F93];
	_ =	swait.ge [sflag:s4], $0x0  }
0x19: {  	s7 =	sld [smem:$0x3F94]  }
0x1a: {  	s8 =	sadd.s32 $0xFFFFE003, lr  }
0x1b: {  	s9 =	sadd.s32 $0xFFFFFEF7, lr;
	s5 =	simm.s32 $0xFFFFFFFF;
	p2 =	slt.u32 s8, $0xFFFFF086  }
0x1c: {  	p1 =	slt.u32 s9, $0xF7A;
	s5 =	simm.s32 @!p2 $0x0  }
0x1d: {  	s5 =	simm.s32 @p1 $0x1;
	p0 =	seq.s32 s7, s2  }
0x1e: {  	s7 =	smul.u32 @!p0 $0xF7A, s2;
	p2 =	seq.s32 @!p0 s5, $0x0  }
0x1f: {  	s9 =	smul.u32 $0xF7A, s1;
	s8 =	simm.s32 @!p0 $0x1BF5;
	p2 =	por !p2, p0  }
0x20: {  	[sflag:s8] =	ssyncset.s32 @!p0 $0xFFFFF086;
	s6 =	sadd.s32 @!p0 s3, s7;
	s7 =	simm.s32 @!p0 $0x108  }
0x21: {  	s3 =	sadd.s32 s3, s9;
	s6 =	sadd.s32 @!p0 $0x88, s6;
	s7 =	simm.s32 @p2 $0x1082  }
0x22: {  	[simem:s7], [sflag:s8] =	dma.local @!p0 [hbm:s6], $0xF7A  }
0x23: {  	s9 =	sor.u32 $0xD0000000, s2;
	s6 =	simm.s32 $0x108;
	_ =	swait.ge @!p0 [sflag:s8], $0x0  }
0x24: {  	s3 =	sadd.s32 $0x88, s3;
	s6 =	simm.s32 @!p1 $0x1082;
	[sflag:s4] =	ssyncset.s32 $0xFFFFF086  }
0x25: {  	[simem:s6], [sflag:s4] =	dma.local [hbm:s3], $0xF7A  }
0x26: {  	[smem:$0x3F94] =	sst s1;
	(tag) =	ssettag s2;
	_ =	strace s9  }
0x27: {  	s1 =	sld [smem:$0x3FA4]  }
0x28: {  	s2 =	sld [smem:$0x3FA5]  }
0x29: {  	s4 =	sld [smem:$0x3FA7]  }
0x2a: {  	p0 =	seq.s32 s5, $0x0;
	s5 =	sld [smem:$0x3FA8]  }
0x2b: {  	s6 =	sld [smem:$0x3FA9]  }
0x2c: {  	s7 =	sld [smem:$0x3FAA]  }
0x2d: {  	s3 =	simm.s32 $0x108;
	s8 =	sld [smem:$0x3FAB]  }
0x2e: {  	s3 =	simm.s32 @!p0 $0x1082;
	s9 =	sld [smem:$0x3FAC]  }
0x2f: {  	lr =	sadd.s32 s0, s3;
	s0 =	sld [smem:$0x3FA3]  }
0x30: {  	s3 =	sld [smem:$0x3FA6]  }
0x31: {  	[smem:$0x3FAF] =	sst s10  }
0x32: {  	s10 =	sld [smem:$0x3FAD];
	_ =	sdelay $0x3  }
0x33: {  	p0 =	seq.s32 s10, $0x1;
	s10 =	sld [smem:$0x3FAF];
	_ =	sdelay $0x3  }
0x34: {  	[smem:$0x3FAF] =	sst s10  }
0x35: {  	s10 =	sld [smem:$0x3FAE];
	_ =	sdelay $0x3  }
0x36: {  	p1 =	seq.s32 s10, $0x1;
	s10 =	sld [smem:$0x3FAF];
	_ =	sdelay $0x3  }
0x37: {  	[smem:$0x3FAF] =	sst s10  }
0x38: {  	s10 =	sld [smem:$0x3FB0]  }
0x39: {  	_ = 	snop;
	(pc) =	sbr.ind lr, $3  }
0x3a: {  	_ = 	snop  }
0x3b: {  	_ = 	snop  }
0x3c: {  	p2 =	seq.s32 s10, $0x1;
	s10 =	sld [smem:$0x3FAF]  }
0x3d: {  	_ =	shalt  }
0x3e: {  	_ =	shalt  }
0x3f: {  	_ =	shalt  }
0x40: {  	_ =	shalt  }
0x41: {  	_ =	shalt  }
0x42: {  	_ =	shalt  }
0x43: {  	_ =	shalt  }
0x44: {  	_ =	shalt  }
0x45: {  	_ =	shalt  }
0x46: {  	_ =	shalt  }
0x47: {  	_ =	shalt  }
0x48: {  	_ =	shalt  }
0x49: {  	_ =	shalt  }
0x4a: {  	_ =	shalt  }
0x4b: {  	_ =	shalt  }
0x4c: {  	_ =	shalt  }
0x4d: {  	_ =	shalt  }
0x4e: {  	_ =	shalt  }
0x4f: {  	_ =	shalt  }
0x50: {  	_ =	shalt  }
0x51: {  	_ =	shalt  }
0x52: {  	_ =	shalt  }
0x53: {  	_ =	shalt  }
0x54: {  	_ =	shalt  }
0x55: {  	_ =	shalt  }
0x56: {  	_ =	shalt  }
0x57: {  	_ =	shalt  }
0x58: {  	_ =	shalt  }
0x59: {  	_ =	shalt  }
0x5a: {  	_ =	shalt  }
0x5b: {  	_ =	shalt  }
0x5c: {  	_ =	shalt  }
0x5d: {  	_ =	shalt  }
0x5e: {  	_ =	shalt  }
0x5f: {  	_ =	shalt  }
0x60: {  	_ =	shalt  }
0x61: {  	_ =	shalt  }
0x62: {  	_ =	shalt  }
0x63: {  	_ =	shalt  }
0x64: {  	_ =	shalt  }
0x65: {  	_ =	shalt  }
0x66: {  	_ =	shalt  }
0x67: {  	_ =	shalt  }
0x68: {  	_ =	shalt  }
0x69: {  	_ =	shalt  }
0x6a: {  	_ =	shalt  }
0x6b: {  	_ =	shalt  }
0x6c: {  	_ =	shalt  }
0x6d: {  	_ =	shalt  }
0x6e: {  	_ =	shalt  }
0x6f: {  	_ =	shalt  }
0x70: {  	_ =	shalt  }
0x71: {  	_ =	shalt  }
0x72: {  	_ =	shalt  }
0x73: {  	_ =	shalt  }
0x74: {  	_ =	shalt  }
0x75: {  	_ =	shalt  }
0x76: {  	_ =	shalt  }
0x77: {  	_ =	shalt  }
0x78: {  	_ =	shalt  }
0x79: {  	_ =	shalt  }
0x7a: {  	_ =	shalt  }
0x7b: {  	_ =	shalt  }
0x7c: {  	_ =	shalt  }
0x7d: {  	_ =	shalt  }
0x7e: {  	_ =	shalt  }
0x7f: {  	_ =	shalt  }
0x80: {  	_ =	shalt  }
0x81: {  	_ =	shalt  }
0x82: {  	_ =	shalt  }
0x83: {  	_ =	shalt  }
0x84: {  	_ =	shalt  }
0x85: {  	_ =	shalt  }
0x86: {  	_ =	shalt  }
0x87: {  	_ =	shalt  }
.Lfunc_end0:
.L_simem_size_0:
called_computation_lowered:
.L_overlay_start_0:
0x88: {  	s2 =	sld [smem:$0x3FD9]  }
0x89: {  	s3 =	sld [smem:$0x3FFE];
	_ =	sdelay $0x1  }
0x8a: {  	s1 =	srdreg.scid  }
0x8b: {  	s0 =	sand.u32 $0x1, s1  }
0x8c: {  	s17 =	sshll.u32 s0, $0xA;
	s2 =	sadd.s32 s3, s2  }
0x8d: {  	s2 =	sadd.s32 s2, s17  }
0x8e: {  	[smem:$0x3FBB] =	sst s2  }
0x8f: {  	_ = 	snop  }
0x90: {  	s2 =	sld [smem:$0x3FD0];
	(tm) =	ssettm $0x1  }
0x91: {  	s18 =	sld [smem:$0x3FFB];
	_ =	sdelay $0x3  }
0x92: {  	_ =	strace s18  }
0x93: {  	s3 =	sld [smem:$0x3FFC];
	_ =	sdelay $0x3  }
0x94: {  	_ =	strace s3  }
0x95: {  	s3 =	sld [smem:$0x3FFD];
	_ =	sdelay $0x3  }
0x96: {  	_ =	strace s3  }
0x97: {  	_ =	strace $0x8FFFFFFF  }
0x98: {  	s19 =	sld [smem:$0x3FDB];
	_ =	sdelay $0x1  }
0x99: {  	s4 =	simm.s32 $_scs_section_size  }
0x9a: {  	s5 =	simm.s32 $_size__tile_overlayer_lowered;
	s6 =	simm.s32 $_tile_overlayer_lowered  }
0x9b: {  	s22 =	simm.s32 $0x1BFF;
	s21 =	sshll.u32 s6, $0x1;
	s3 =	sadd.s32 s4, s19  }
0x9c: {  	s7 =	simm.s32 $0x0;
	s20 =	sshll.u32 s5, $0x1;
	s5 =	sadd.s32 s21, s3  }
0x9d: {  	[timem:s7], [sflag:s22] =	dma.local [hbm:s5], s20  }
0x9e: {  	_ =	swait.ge [sflag:s22], s20  }
0x9f: {  	s4 =	ssub.s32 $0x0, s20;
	[sflag:s22] =	ssyncset.done $0x0  }
0xa0: {  	[sflag:s22] =	ssyncadd.s32 s4;
	_ =	sdelay $0x1  }
0xa1: {  	s23 =	simm.s32 $0x1B8B  }
0xa2: {  	_ =	swait.ge [sflag:s23], $0x1  }
0xa3: {  	[sflag:s23] =	ssyncset.done $0x0  }
0xa4: {  	s25 =	simm.s32 $0x1B8E;
	s24 =	sld [smem:$0x3FFE];
	[sflag:s23] =	ssyncadd.s32 $0xFFFFFFFF  }
0xa5: {  	s26 =	simm.s32 $execute0_lowered;
	[smem:$0x3FD2] =	sst s25  }
0xa6: {  	s5 =	sshll.u32 s26, $0x1;
	_ =	strace $0x80000046;
	[dreg:$0x1] =	wrdreg $0xFFFFFFFF  }
0xa7: {  	s28 =	simm.s32 $_size_execute0_lowered;
	s3 =	sadd.s32 s3, s5;
	[dreg:$0x0] =	wrdreg $0x0  }
0xa8: {  	s5 =	sshll.u32 s28, $0x1;
	[dreg:$0x2] =	wrdreg s3  }
0xa9: {  	[dreg:$0x3] =	wrdreg s5  }
0xaa: {  	[dreg:$0x4] =	wrdreg $0xC0  }
0xab: {  	_ =	task [dreg:s7], $0x5FFFF  }
0xac: {  	[dreg:$0x1] =	wrdreg $0xFFFFFFFF  }
0xad: {  	[dreg:$0x0] =	wrdreg $0x60  }
0xae: {  	[dreg:$0x2] =	wrdreg s24  }
0xaf: {  	[dreg:$0x3] =	wrdreg s2  }
0xb0: {  	[dreg:$0x4] =	wrdreg $0x30000  }
0xb1: {  	[dreg:$0x5] =	wrdreg $0x9  }
0xb2: {  	_ =	task.clear_ibuf [dreg:s7], $0x6FFFF;
	_ =	strace $0x90000046  }
0xb3: {  	s29 =	simm.s32 $0x9;
	_ =	strace $0x80000048  }
0xb4: {  	_ =	swait.ge [sflag:s29], $0x1  }
0xb5: {  	[sflag:s29] =	ssyncadd.s32 $0xFFFFFFFF  }
0xb6: {  	_ =	strace $0x90000048  }
0xb7: {  	_ =	sfence  }
0xb8: {  	s30 =	sld [smem:$0x0];
	_ =	sdelay $0x2  }
0xb9: {  	s31 =	sshll.u32 s1, $0xD;
	s1 =	sshrl.u32 s1, $0x2  }
0xba: {  	s3 =	sand.u32 $0x4000, s31;
	s1 =	sadd.s32 s1, s30  }
0xbb: {  	s0 =	sor.u32 s3, s0;
	s1 =	sshll.u32 s1, $0x11  }
0xbc: {  	s0 =	sor.u32 s1, s0  }
0xbd: {  	s0 =	sadd.s32 $0x8F2B, s0  }
0xbe: {  	[sflag:s0] =	ssyncadd.remote.s32 $0x1  }
0xbf: {  	_ =	sfence.sel $0xFFFF  }
0xc0: {  	[dreg:$0x0] =	wrdreg $0xFFFFFFFF;
	(pc) =	sbr.abs _section_cstart, $3  }
0xc1: {  	[dreg:$0x1] =	wrdreg $0xFFFFFFFF  }
0xc2: {  	_ =	task.clear_ibuf [dreg:s7], $0x2FFFF;
	_ =	strace $0x9FFFFFFF  }
0xc3: {  	(tm) =	ssettm $0x7FFFFFFF  }
tec
execute0_lowered:
.L_overlay_start_1:
0x0: {  	(tag) =	ssettag $0x1  }
0x1: {  	s6 =	rddreg [dreg:$0x0]  }
0x2: {  	s2 =	rddreg [dreg:$0x1]  }
0x3: {  	s0 =	srdreg.scid;
	s3 =	rddreg [dreg:$0x2]  }
0x4: {  	s4 =	simm.s32 $0x0;
	s13 =	simm.s32 $0x80;
	s14 =	simm.s32 $0x1  }
0x5: {  	s15 =	simm.s32 $0x0;
	s5 =	sand.u32 $0x1, s0;
	s0 =	stileid.u32  }
0x6: {  	[smem:$0x7FF] =	sst s4;
	s1 =	sshll.u32 s5, $0x4;
	s8 =	smul.u32 $0x2800, s0  }
0x7: {  	s9 =	smul.u32 $0x28000, s5;
	s5 =	ssub.s32 $0x2, s5;
	s1 =	sor.u32 s0, s1  }
0x8: {  	s31 =	sshll.u32 s0, $0x6;
	s11 =	sshrl.u32 s5, $0x1;
	s7 =	smul.u32 $0x500, s1  }
0x9: {  	s1 =	rddreg [dreg:$0x3];
	_ =	strace $0x80000047;
	s10 =	sshrl.u32 s8, $0x3  }
0xa: {  	s9 =	sadd.s32 s8, s9;
	s11 =	ssub.s32 s5, s11;
	s12 =	sadd.s32 s8, s3  }
0xb: {  	s10 =	sadd.s32 s10, s6;
	s9 =	sshrl.u32 s9, $0x3;
	s7 =	sadd.s32 s7, s6  }
0xc: {  	s9 =	sadd.s32 s9, s6;
	s5 =	sadd.s32 $0x17A00, s10;
	s6 =	sor.u32 $0x1C02, s31  }
0xd: {  	s10 =	sshrl.u32 s12, $0x3;
	s12 =	simm.s32 $0x2800;
	s7 =	sadd.s32 $0x3A00, s7  }
0xe: {  	s8 =	sadd.s32 $0x1CA00, s9;
	s9 =	smax.u32 s11, $0x1;
	s11 =	simm.s32 $0x2  }
.LBB2_1:
0xf: {  	[spmem:s10], [sflag:s6] =	dma.local [hbm:s5], $0x500  }
0x10: {  	_ =	swait.ge [sflag:s11], $0x500  }
0x11: {  	[sflag:s11] =	ssyncset.done $0x0  }
0x12: {  	[sflag:s11] =	ssyncadd.s32 $0xFFFFFB00  }
0x13: {  	[tilespmem:s12], [sflag:$0x2] =	stream.linear.gather [hbm4b:s2+s4], $0x800, $0x38;
	[tilespmem:$0x5800] =	vst v63  }
0x14: {  	_ =	swait.ge [sflag:s11], $0x800  }
0x15: {  	[sflag:s11] =	ssyncset.done $0x0  }
0x16: {  	[sflag:s11] =	ssyncadd.s32 $0xFFFFF800  }
0x17: {  	[tilespmem:s4], [sflag:$0x2] =	stream.linear.gather [hbm4b:s7+s4], $0x2800, $0x38;
	[tilespmem:$0x5800] =	vst v63  }
0x18: {  	_ =	swait.ge [sflag:s11], $0x2800  }
0x19: {  	[sflag:s11] =	ssyncset.done $0x0  }
0x1a: {  	[sflag:s11] =	ssyncadd.s32 $0xFFFFD800  }
0x1b: {  	s16 =	simm.s32 $0x0;
	[bflag:$0x0] =	sbarrier.arrive $0xFFFF  }
.LBB2_2:
0x1c: {  	p0 =	sne.s32 s16, $0x9E00  }
.Ltmp0:
0x1d: {  	_ = 	snop;
	(pc) =	sbr.rel @p0 .LBB2_2-.Ltmp0, $3  }
0x1e: {  	_ =	sdelay $0x1  }
0x1f: {  	s17 =	sshra.s32 s16, $0x2;
	s16 =	sadd.s32 $0x200, s16  }
0x20: {  	[spmem:s3] =	stream.indirect.scatter.add.f32 [tilespmem:s12], [sflag:$0x1], $0x10, s17, s13, $0xb8;
	[tilespmem:$0x5800] =	vst v63  }
0x21: {  	_ =	swait.ge [sflag:s14], $0x800  }
0x22: {  	s16 =	simm.s32 $0x4F;
	[sflag:s14] =	ssyncset.done $0x0  }
.LBB2_4:
0x23: {  	p0 =	sne.s32 s16, $0x1;
	s16 =	sadd.s32 $0xFFFFFFFF, s16;
	[sflag:s14] =	ssyncadd.s32 $0xFFFFF800  }
.Ltmp1:
0x24: {  	(pc) =	sbr.rel @p0 .LBB2_4-.Ltmp1, $3  }
0x25: {  	_ =	sdelay $0x1  }
0x26: {  	_ =	swait.ge [sflag:s14], $0x800  }
0x27: {  	[sflag:s14] =	ssyncset.done $0x0  }
0x28: {  	s15 =	sadd.s32 $0x1, s15  }
0x29: {  	[sflag:s14] =	ssyncadd.s32 $0xFFFFF800;
	p0 =	sne.s32 s15, s9  }
.Ltmp2:
0x2a: {  	[bflag:$0x0] =	sbarrier.arrive $0xFFFF;
	(pc) =	sbr.rel @p0 .LBB2_1-.Ltmp2, $4  }
0x2b: {  	[hbm:s8], [sflag:s6] =	dma.local [spmem:s10], $0x500  }
0x2c: {  	_ =	swait.ge [sflag:s11], $0x500  }
0x2d: {  	[sflag:s11] =	ssyncset.done $0x0  }
0x2e: {  	[sflag:s11] =	ssyncadd.s32 $0xFFFFFB00  }
0x2f: {  	_ =	sfence.sel $0x180000  }
0x30: {  	[bflag:$0x0] =	sbarrier.arrive $0xFFFF  }
0x31: {  	p0 =	sne.s32 s0, $0x0;
	_ =	strace $0x90000047  }
0x32: {  	s0 =	sadd.s32 @!p0 $0x100000, s1;
	[bflag:$0x2] =	sbarrier.arrive $0xFFFF  }
0x33: {  	[sflag:s0] =	ssyncadd.tile.s32 @!p0 $0x1;
	_ =	shalt  }
.Lfunc_end2:
_tile_overlayer_lowered:
.L_overlay_start_2:
0x34: {  	(tag) =	ssettag $0x2  }
0x35: {  	s0 =	rddreg [dreg:$0x0];
	s2 =	stileid.u32  }
0x36: {  	s1 =	rddreg [dreg:$0x1];
	p0 =	sne.s32 s2, $0x0  }
0x37: {  	s3 =	rddreg [dreg:$0x2];
	[bflag:$0x3] =	sbarrier.arrive $0xFFFF;
	s2 =	simm.s32 @!p0 $0x1C02  }
0x38: {  	[timem:s3], [sflag:s2] =	dma.local @!p0 [hbm:s0], s1  }
0x39: {  	s0 =	simm.s32 @!p0 $0x2  }
0x3a: {  	_ =	swait.ge @!p0 [sflag:s0], s1  }
0x3b: {  	s1 =	ssub.s32 @!p0 $0x0, s1;
	[sflag:s0] =	ssyncset.done @!p0 $0x0  }
0x3c: {  	[sflag:s0] =	ssyncadd.s32 @!p0 s1  }
0x3d: {  	[bflag:$0x3] =	sbarrier.arrive $0xFFFF  }
0x3e: {  	_ =	shalt  }

</sc_bundles>
